<compile_context>
chip_gen: v7x
topology: tpu7x:2x2x1
jax: 0.10.2.dev20260603
libtpu: 0.0.44.dev20260713+nightly
codegen_flags: <defaults>
</compile_context>

<pallas_src>
import functools

import jax
import jax.numpy as jnp
from jax import lax
from jax.experimental import pallas as pl
from jax.experimental.pallas import tpu as pltpu
from jax.experimental.pallas import tpu_sc as plsc


def _proj_body(t_ref, w_ref, o_ref):
    o_ref[...] = jnp.dot(
        t_ref[...], w_ref[...], preferred_element_type=jnp.float32,
    )


def _project(table8, W512, rb=1000):
    V8, D8 = table8.shape
    R8 = W512.shape[1]
    return pl.pallas_call(
        _proj_body,
        grid=(V8 // rb,),
        in_specs=[
            pl.BlockSpec((rb, D8), lambda i: (i, 0)),
            pl.BlockSpec((D8, R8), lambda i: (0, 0)),
        ],
        out_specs=pl.BlockSpec((rb, R8), lambda i: (i, 0)),
        out_shape=jax.ShapeDtypeStruct((V8, R8), jnp.float32),
    )(table8, W512)


def _sc_gather_sum(tokens, P):
    L, B = tokens.shape
    R = P.shape[1]
    info = plsc.get_sparse_core_info()
    NC, NS = info.num_cores, info.num_subcores
    NW = NC * NS
    BPW = B // NW
    CB = 128
    NCH = BPW // CB
    G = 10
    NG = L // G
    GC = 128 // R
    NRG = CB // GC
    mesh = plsc.VectorSubcoreMesh(core_axis_name="c", subcore_axis_name="s")

    @functools.partial(
        pl.kernel,
        mesh=mesh,
        compiler_params=pltpu.CompilerParams(use_tc_tiling_on_sc=False),
        out_type=jax.ShapeDtypeStruct((B, R), jnp.float32),
        scratch_types=[
            pltpu.VMEM((L, CB), jnp.int32),
            pltpu.VMEM((L * CB, R), jnp.float32),
            pltpu.VMEM((CB, R), jnp.float32),
            pltpu.SemaphoreType.DMA,
        ],
    )
    def k(tokens_hbm, p_hbm, out_hbm, idx_v, rows_v, outst_v, sem):
        wid = lax.axis_index("s") * NC + lax.axis_index("c")
        base = wid * BPW

        for ch in range(NCH):
            cbase = base + ch * CB
            pltpu.sync_copy(tokens_hbm.at[:, pl.ds(cbase, CB)], idx_v)

            def gather_group(g, _):
                hs = []
                for j in range(G):
                    l = g * G + j
                    hs.append(pltpu.async_copy(
                        p_hbm.at[idx_v.at[l]],
                        rows_v.at[pl.ds(l * CB, CB)],
                        sem,
                    ))
                for h in hs:
                    h.wait()
                return 0

            lax.fori_loop(0, NG, gather_group, 0)

            def red_group(rg, _):
                col0 = rg * GC

                def l_body(l, accs):
                    rbase = l * CB + col0
                    return tuple(
                        tuple(accs[c][v] + rows_v[rbase + c, pl.ds(v * 16, 16)]
                              for v in range(R // 16))
                        for c in range(GC)
                    )

                zero = jnp.zeros((16,), jnp.float32)
                init = tuple(tuple(zero for _ in range(R // 16))
                             for _ in range(GC))
                accs = lax.fori_loop(0, L, l_body, init)
                for c in range(GC):
                    for v in range(R // 16):
                        outst_v[col0 + c, pl.ds(v * 16, 16)] = accs[c][v]
                return 0

            lax.fori_loop(0, NRG, red_group, 0)
            pltpu.sync_copy(outst_v, out_hbm.at[pl.ds(cbase, CB)])

    return k(tokens, P)


def _head_body(L, C, s_ref, len_ref, p_ref, o_ref):
    lf = len_ref[...]
    inv_l = jnp.float32(1.0 / L)
    cols = []
    for c in range(C):
        cols.append(s_ref[:, c:c + 1] * inv_l
                    + lf * p_ref[0, c] + p_ref[1, c])
    o = jnp.concatenate(cols, axis=1)
    m = jnp.max(o, axis=1, keepdims=True)
    lse = m + jnp.log(jnp.sum(jnp.exp(o - m), axis=1, keepdims=True))
    o_ref[...] = o - lse


def _head(S, lengths_f, params, L, bb=2048):
    B, R = S.shape
    C = params.shape[1]
    return pl.pallas_call(
        functools.partial(_head_body, L, C),
        grid=(B // bb,),
        in_specs=[
            pl.BlockSpec((bb, R), lambda i: (i, 0)),
            pl.BlockSpec((bb, 1), lambda i: (i, 0)),
            pl.BlockSpec(memory_space=pltpu.SMEM),
        ],
        out_specs=pl.BlockSpec((bb, C), lambda i: (i, 0)),
        out_shape=jax.ShapeDtypeStruct((B, C), jnp.float32),
    )(S, lengths_f, params)


def kernel(tokens, lengths, table, W, b):
    L, B = tokens.shape
    V, D = table.shape
    C = W.shape[0]
    R = 16

    Wp = jnp.zeros((D, R), jnp.float32).at[:, :C].set(W[:, :D].T)
    W512 = jnp.kron(jnp.eye(8, dtype=jnp.float32), Wp)
    table8 = table.reshape(V // 8, 8 * D)
    P8 = _project(table8, W512)
    P = P8.reshape(V, R)
    S = _sc_gather_sum(tokens, P)

    params = jnp.stack([W[:, D], b])
    lengths_f = lengths.astype(jnp.float32).reshape(B, 1)
    return _head(S, lengths_f, params, L)

# --- scband reference (transcript-rebuilt; emitter-appended) ---
"""Pipeline reference for scband-cbo-w-27762668601571 (READ-ONLY COPY).

The authoritative reference and input builder live on the scoring server;
editing this copy changes nothing except your own understanding.
"""

import jax, jax.numpy as jnp
import numpy as np

VOCAB = 1000000
D = 64      # embed_dim == input_size
L = 50      # seq_len (hist_len)
B = 16384   # batch
C = 2       # num_classes

def setup_inputs(seed: int = 0) -> dict:
    key = jax.random.key(seed)
    k1, k2, k3, k4 = jax.random.split(key, 4)
    tokens = jax.random.randint(k1, (L, B), 0, VOCAB, dtype=jnp.int32)
    lengths = jax.random.randint(k2, (B,), 1, L + 1, dtype=jnp.int32)
    table = jax.random.normal(k3, (VOCAB, D), dtype=jnp.float32) * 0.02
    W = jax.random.normal(k4, (C, D + 1), dtype=jnp.float32) * 0.02
    b = jnp.zeros((C,), dtype=jnp.float32)
    return {"tokens": tokens, "lengths": lengths, "table": table, "W": W, "b": b}

def reference(tokens, lengths, table, W, b):
    # embedding lookup: [L, B] -> [L, B, D]
    embedded = jnp.take(table, tokens, axis=0)
    # CBoW: mean over sequence dimension (dim 0) -> [B, D]
    average_embed = jnp.mean(embedded, axis=0)
    # lengths -> float column [B, 1]
    lengths_f = lengths.reshape(-1, 1).astype(jnp.float32)
    concat = jnp.concatenate([average_embed, lengths_f], axis=1)  # [B, D+1]
    output = concat @ W.T + b  # [B, C]
    logits = jax.nn.log_softmax(output, axis=1)
    return logits

if __name__ == "__main__":
    import jax
    _d = setup_inputs()
    print(jax.jit(kernel)(*tuple(_d.values())))

</pallas_src>

<mosaic_0001>
#map = affine_map<(d0, d1) -> (0, 0)>
module attributes {stable_mosaic.version = 14 : i64} {
  func.func @k(%arg0: i32, %arg1: i32, %arg2: memref<50x16384xi32, #tpu.memory_space<hbm>>, %arg3: memref<1000000x16xf32, #tpu.memory_space<hbm>>, %arg4: memref<16384x16xf32, #tpu.memory_space<hbm>>, %arg5: memref<50x128xi32, #tpu.memory_space<vmem>>, %arg6: memref<6400x16xf32, #tpu.memory_space<vmem>>, %arg7: memref<128x16xf32, #tpu.memory_space<vmem>>, %arg8: memref<!tpu.dma_semaphore, #tpu.memory_space<semaphore_mem>>) attributes {dimension_semantics = [#tpu.dimension_semantics<core_parallel>, #tpu.dimension_semantics<subcore_parallel>], iteration_bounds = array<i64: 2, 16>, scalar_prefetch = 0 : i64, scratch_operands = 4 : i64, tpu.core_type = #tpu.core_type<sc_vector_subcore>, window_params = [{transform_indices = #map}, {transform_indices = #map}, {transform_indices = #map}]} {
    %mul3A = arith.constant 2 : i32
    %mul3A_0 = arith.muli %arg1, %mul3A : i32
    %add3A = arith.addi %mul3A_0, %arg0 : i32
    %mul3A_1 = arith.constant 512 : i32
    %mul3A_2 = arith.muli %add3A, %mul3A_1 : i32
    %add3A_3 = arith.constant 0 : i32
    %add3A_4 = arith.addi %mul3A_2, %add3A_3 : i32
    "tpu.region"() ({
      %run_scoped3A = tpu.sem_alloc : memref<!tpu.dma_semaphore, #tpu.memory_space<semaphore_mem>>
      %dma_start3A = arith.constant 0 : i32
      %dma_start3A_66 = tpu.memref_slice %arg2[%dma_start3A, %add3A_4] : memref<50x16384xi32, #tpu.memory_space<hbm>> -> memref<50x128xi32, #tpu.memory_space<hbm>>
      %dma_start3A_67 = arith.constant 0 : i32
      %dma_start3A_68 = tpu.memref_slice %arg2[%dma_start3A_67, %add3A_4] : memref<50x16384xi32, #tpu.memory_space<hbm>> -> memref<50x128xi32, #tpu.memory_space<hbm>>
      tpu.enqueue_dma source(%dma_start3A_68 : memref<50x128xi32, #tpu.memory_space<hbm>>) target(%arg5 : memref<50x128xi32, #tpu.memory_space<vmem>>) target_semaphore(%run_scoped3A : memref<!tpu.dma_semaphore, #tpu.memory_space<semaphore_mem>>)
      %dma_wait3A = arith.constant 0 : i32
      %dma_wait3A_69 = tpu.memref_slice %arg2[%dma_wait3A, %add3A_4] : memref<50x16384xi32, #tpu.memory_space<hbm>> -> memref<50x128xi32, #tpu.memory_space<hbm>>
      %dma_wait3A_70 = arith.constant 0 : i32
      %dma_wait3A_71 = tpu.memref_slice %arg2[%dma_wait3A_70, %add3A_4] : memref<50x16384xi32, #tpu.memory_space<hbm>> -> memref<50x128xi32, #tpu.memory_space<hbm>>
      tpu.wait_dma2 semaphore(%run_scoped3A : memref<!tpu.dma_semaphore, #tpu.memory_space<semaphore_mem>>) src(%dma_wait3A_71 : memref<50x128xi32, #tpu.memory_space<hbm>>) dst(%arg5 : memref<50x128xi32, #tpu.memory_space<vmem>>)
      tpu.yield
    }) : () -> ()
    %scan3A = arith.constant 0 : i32
    %scan3A_5 = arith.constant 0 : i32
    %scan3A_6 = arith.constant 5 : i32
    %scan3A_7 = arith.addi %scan3A_5, %scan3A_6 : i32
    %scan3A_8 = arith.constant 1 : i32
    %scan3A_9 = scf.for %scan3A_66 = %scan3A_5 to %scan3A_7 step %scan3A_8 iter_args(%scan3A_67 = %scan3A) -> (i32)  : i32 {
      %mul3A_68 = arith.constant 10 : i32
      %mul3A_69 = arith.muli %scan3A_66, %mul3A_68 : i32
      %add3A_70 = arith.constant 0 : i32
      %add3A_71 = arith.addi %mul3A_69, %add3A_70 : i32
      %mul3A_72 = arith.constant 128 : i32
      %mul3A_73 = arith.muli %add3A_71, %mul3A_72 : i32
      %dma_start3A = arith.constant 0 : i32
      %dma_start3A_74 = tpu.memref_slice %arg6[%mul3A_73, %dma_start3A] : memref<6400x16xf32, #tpu.memory_space<vmem>> -> memref<128x16xf32, #tpu.memory_space<vmem>>
      %dma_start3A_75 = arith.constant 0 : i32
      %dma_start3A_76 = tpu.memref_slice %arg5[%add3A_71, %dma_start3A_75] : memref<50x128xi32, #tpu.memory_space<vmem>> -> memref<1x128xi32, #tpu.memory_space<vmem>>
      %dma_start3A_77 = tpu.memref_squeeze %dma_start3A_76 : memref<1x128xi32, #tpu.memory_space<vmem>> -> memref<128xi32, #tpu.memory_space<vmem>>
      %dma_start3A_78 = arith.constant 0 : i32
      %dma_start3A_79 = arith.constant 0 : i32
      %dma_start3A_80 = tpu.memref_slice %arg3[%dma_start3A_78, %dma_start3A_79] : memref<1000000x16xf32, #tpu.memory_space<hbm>> -> memref<1000000x16xf32, #tpu.memory_space<hbm>>
      tpu.enqueue_indirect_dma source(%dma_start3A_80 : memref<1000000x16xf32, #tpu.memory_space<hbm>>) target(%dma_start3A_74 : memref<128x16xf32, #tpu.memory_space<vmem>>) offsets(%dma_start3A_77 : memref<128xi32, #tpu.memory_space<vmem>>) semaphore(%arg8 : memref<!tpu.dma_semaphore, #tpu.memory_space<semaphore_mem>>)
      %mul3A_81 = arith.constant 10 : i32
      %mul3A_82 = arith.muli %scan3A_66, %mul3A_81 : i32
      %add3A_83 = arith.constant 1 : i32
      %add3A_84 = arith.addi %mul3A_82, %add3A_83 : i32
      %mul3A_85 = arith.constant 128 : i32
      %mul3A_86 = arith.muli %add3A_84, %mul3A_85 : i32
      %dma_start3A_87 = arith.constant 0 : i32
      %dma_start3A_88 = tpu.memref_slice %arg6[%mul3A_86, %dma_start3A_87] : memref<6400x16xf32, #tpu.memory_space<vmem>> -> memref<128x16xf32, #tpu.memory_space<vmem>>
      %dma_start3A_89 = arith.constant 0 : i32
      %dma_start3A_90 = tpu.memref_slice %arg5[%add3A_84, %dma_start3A_89] : memref<50x128xi32, #tpu.memory_space<vmem>> -> memref<1x128xi32, #tpu.memory_space<vmem>>
      %dma_start3A_91 = tpu.memref_squeeze %dma_start3A_90 : memref<1x128xi32, #tpu.memory_space<vmem>> -> memref<128xi32, #tpu.memory_space<vmem>>
      %dma_start3A_92 = arith.constant 0 : i32
      %dma_start3A_93 = arith.constant 0 : i32
      %dma_start3A_94 = tpu.memref_slice %arg3[%dma_start3A_92, %dma_start3A_93] : memref<1000000x16xf32, #tpu.memory_space<hbm>> -> memref<1000000x16xf32, #tpu.memory_space<hbm>>
      tpu.enqueue_indirect_dma source(%dma_start3A_94 : memref<1000000x16xf32, #tpu.memory_space<hbm>>) target(%dma_start3A_88 : memref<128x16xf32, #tpu.memory_space<vmem>>) offsets(%dma_start3A_91 : memref<128xi32, #tpu.memory_space<vmem>>) semaphore(%arg8 : memref<!tpu.dma_semaphore, #tpu.memory_space<semaphore_mem>>)
      %mul3A_95 = arith.constant 10 : i32
      %mul3A_96 = arith.muli %scan3A_66, %mul3A_95 : i32
      %add3A_97 = arith.constant 2 : i32
      %add3A_98 = arith.addi %mul3A_96, %add3A_97 : i32
      %mul3A_99 = arith.constant 128 : i32
      %mul3A_100 = arith.muli %add3A_98, %mul3A_99 : i32
      %dma_start3A_101 = arith.constant 0 : i32
      %dma_start3A_102 = tpu.memref_slice %arg6[%mul3A_100, %dma_start3A_101] : memref<6400x16xf32, #tpu.memory_space<vmem>> -> memref<128x16xf32, #tpu.memory_space<vmem>>
      %dma_start3A_103 = arith.constant 0 : i32
      %dma_start3A_104 = tpu.memref_slice %arg5[%add3A_98, %dma_start3A_103] : memref<50x128xi32, #tpu.memory_space<vmem>> -> memref<1x128xi32, #tpu.memory_space<vmem>>
      %dma_start3A_105 = tpu.memref_squeeze %dma_start3A_104 : memref<1x128xi32, #tpu.memory_space<vmem>> -> memref<128xi32, #tpu.memory_space<vmem>>
      %dma_start3A_106 = arith.constant 0 : i32
      %dma_start3A_107 = arith.constant 0 : i32
      %dma_start3A_108 = tpu.memref_slice %arg3[%dma_start3A_106, %dma_start3A_107] : memref<1000000x16xf32, #tpu.memory_space<hbm>> -> memref<1000000x16xf32, #tpu.memory_space<hbm>>
      tpu.enqueue_indirect_dma source(%dma_start3A_108 : memref<1000000x16xf32, #tpu.memory_space<hbm>>) target(%dma_start3A_102 : memref<128x16xf32, #tpu.memory_space<vmem>>) offsets(%dma_start3A_105 : memref<128xi32, #tpu.memory_space<vmem>>) semaphore(%arg8 : memref<!tpu.dma_semaphore, #tpu.memory_space<semaphore_mem>>)
      %mul3A_109 = arith.constant 10 : i32
      %mul3A_110 = arith.muli %scan3A_66, %mul3A_109 : i32
      %add3A_111 = arith.constant 3 : i32
      %add3A_112 = arith.addi %mul3A_110, %add3A_111 : i32
      %mul3A_113 = arith.constant 128 : i32
      %mul3A_114 = arith.muli %add3A_112, %mul3A_113 : i32
      %dma_start3A_115 = arith.constant 0 : i32
      %dma_start3A_116 = tpu.memref_slice %arg6[%mul3A_114, %dma_start3A_115] : memref<6400x16xf32, #tpu.memory_space<vmem>> -> memref<128x16xf32, #tpu.memory_space<vmem>>
      %dma_start3A_117 = arith.constant 0 : i32
      %dma_start3A_118 = tpu.memref_slice %arg5[%add3A_112, %dma_start3A_117] : memref<50x128xi32, #tpu.memory_space<vmem>> -> memref<1x128xi32, #tpu.memory_space<vmem>>
      %dma_start3A_119 = tpu.memref_squeeze %dma_start3A_118 : memref<1x128xi32, #tpu.memory_space<vmem>> -> memref<128xi32, #tpu.memory_space<vmem>>
      %dma_start3A_120 = arith.constant 0 : i32
      %dma_start3A_121 = arith.constant 0 : i32
      %dma_start3A_122 = tpu.memref_slice %arg3[%dma_start3A_120, %dma_start3A_121] : memref<1000000x16xf32, #tpu.memory_space<hbm>> -> memref<1000000x16xf32, #tpu.memory_space<hbm>>
      tpu.enqueue_indirect_dma source(%dma_start3A_122 : memref<1000000x16xf32, #tpu.memory_space<hbm>>) target(%dma_start3A_116 : memref<128x16xf32, #tpu.memory_space<vmem>>) offsets(%dma_start3A_119 : memref<128xi32, #tpu.memory_space<vmem>>) semaphore(%arg8 : memref<!tpu.dma_semaphore, #tpu.memory_space<semaphore_mem>>)
      %mul3A_123 = arith.constant 10 : i32
      %mul3A_124 = arith.muli %scan3A_66, %mul3A_123 : i32
      %add3A_125 = arith.constant 4 : i32
      %add3A_126 = arith.addi %mul3A_124, %add3A_125 : i32
      %mul3A_127 = arith.constant 128 : i32
      %mul3A_128 = arith.muli %add3A_126, %mul3A_127 : i32
      %dma_start3A_129 = arith.constant 0 : i32
      %dma_start3A_130 = tpu.memref_slice %arg6[%mul3A_128, %dma_start3A_129] : memref<6400x16xf32, #tpu.memory_space<vmem>> -> memref<128x16xf32, #tpu.memory_space<vmem>>
      %dma_start3A_131 = arith.constant 0 : i32
      %dma_start3A_132 = tpu.memref_slice %arg5[%add3A_126, %dma_start3A_131] : memref<50x128xi32, #tpu.memory_space<vmem>> -> memref<1x128xi32, #tpu.memory_space<vmem>>
      %dma_start3A_133 = tpu.memref_squeeze %dma_start3A_132 : memref<1x128xi32, #tpu.memory_space<vmem>> -> memref<128xi32, #tpu.memory_space<vmem>>
      %dma_start3A_134 = arith.constant 0 : i32
      %dma_start3A_135 = arith.constant 0 : i32
      %dma_start3A_136 = tpu.memref_slice %arg3[%dma_start3A_134, %dma_start3A_135] : memref<1000000x16xf32, #tpu.memory_space<hbm>> -> memref<1000000x16xf32, #tpu.memory_space<hbm>>
      tpu.enqueue_indirect_dma source(%dma_start3A_136 : memref<1000000x16xf32, #tpu.memory_space<hbm>>) target(%dma_start3A_130 : memref<128x16xf32, #tpu.memory_space<vmem>>) offsets(%dma_start3A_133 : memref<128xi32, #tpu.memory_space<vmem>>) semaphore(%arg8 : memref<!tpu.dma_semaphore, #tpu.memory_space<semaphore_mem>>)
      %mul3A_137 = arith.constant 10 : i32
      %mul3A_138 = arith.muli %scan3A_66, %mul3A_137 : i32
      %add3A_139 = arith.constant 5 : i32
      %add3A_140 = arith.addi %mul3A_138, %add3A_139 : i32
      %mul3A_141 = arith.constant 128 : i32
      %mul3A_142 = arith.muli %add3A_140, %mul3A_141 : i32
      %dma_start3A_143 = arith.constant 0 : i32
      %dma_start3A_144 = tpu.memref_slice %arg6[%mul3A_142, %dma_start3A_143] : memref<6400x16xf32, #tpu.memory_space<vmem>> -> memref<128x16xf32, #tpu.memory_space<vmem>>
      %dma_start3A_145 = arith.constant 0 : i32
      %dma_start3A_146 = tpu.memref_slice %arg5[%add3A_140, %dma_start3A_145] : memref<50x128xi32, #tpu.memory_space<vmem>> -> memref<1x128xi32, #tpu.memory_space<vmem>>
      %dma_start3A_147 = tpu.memref_squeeze %dma_start3A_146 : memref<1x128xi32, #tpu.memory_space<vmem>> -> memref<128xi32, #tpu.memory_space<vmem>>
      %dma_start3A_148 = arith.constant 0 : i32
      %dma_start3A_149 = arith.constant 0 : i32
      %dma_start3A_150 = tpu.memref_slice %arg3[%dma_start3A_148, %dma_start3A_149] : memref<1000000x16xf32, #tpu.memory_space<hbm>> -> memref<1000000x16xf32, #tpu.memory_space<hbm>>
      tpu.enqueue_indirect_dma source(%dma_start3A_150 : memref<1000000x16xf32, #tpu.memory_space<hbm>>) target(%dma_start3A_144 : memref<128x16xf32, #tpu.memory_space<vmem>>) offsets(%dma_start3A_147 : memref<128xi32, #tpu.memory_space<vmem>>) semaphore(%arg8 : memref<!tpu.dma_semaphore, #tpu.memory_space<semaphore_mem>>)
      %mul3A_151 = arith.constant 10 : i32
      %mul3A_152 = arith.muli %scan3A_66, %mul3A_151 : i32
      %add3A_153 = arith.constant 6 : i32
      %add3A_154 = arith.addi %mul3A_152, %add3A_153 : i32
      %mul3A_155 = arith.constant 128 : i32
      %mul3A_156 = arith.muli %add3A_154, %mul3A_155 : i32
      %dma_start3A_157 = arith.constant 0 : i32
      %dma_start3A_158 = tpu.memref_slice %arg6[%mul3A_156, %dma_start3A_157] : memref<6400x16xf32, #tpu.memory_space<vmem>> -> memref<128x16xf32, #tpu.memory_space<vmem>>
      %dma_start3A_159 = arith.constant 0 : i32
      %dma_start3A_160 = tpu.memref_slice %arg5[%add3A_154, %dma_start3A_159] : memref<50x128xi32, #tpu.memory_space<vmem>> -> memref<1x128xi32, #tpu.memory_space<vmem>>
      %dma_start3A_161 = tpu.memref_squeeze %dma_start3A_160 : memref<1x128xi32, #tpu.memory_space<vmem>> -> memref<128xi32, #tpu.memory_space<vmem>>
      %dma_start3A_162 = arith.constant 0 : i32
      %dma_start3A_163 = arith.constant 0 : i32
      %dma_start3A_164 = tpu.memref_slice %arg3[%dma_start3A_162, %dma_start3A_163] : memref<1000000x16xf32, #tpu.memory_space<hbm>> -> memref<1000000x16xf32, #tpu.memory_space<hbm>>
      tpu.enqueue_indirect_dma source(%dma_start3A_164 : memref<1000000x16xf32, #tpu.memory_space<hbm>>) target(%dma_start3A_158 : memref<128x16xf32, #tpu.memory_space<vmem>>) offsets(%dma_start3A_161 : memref<128xi32, #tpu.memory_space<vmem>>) semaphore(%arg8 : memref<!tpu.dma_semaphore, #tpu.memory_space<semaphore_mem>>)
      %mul3A_165 = arith.constant 10 : i32
      %mul3A_166 = arith.muli %scan3A_66, %mul3A_165 : i32
      %add3A_167 = arith.constant 7 : i32
      %add3A_168 = arith.addi %mul3A_166, %add3A_167 : i32
      %mul3A_169 = arith.constant 128 : i32
      %mul3A_170 = arith.muli %add3A_168, %mul3A_169 : i32
      %dma_start3A_171 = arith.constant 0 : i32
      %dma_start3A_172 = tpu.memref_slice %arg6[%mul3A_170, %dma_start3A_171] : memref<6400x16xf32, #tpu.memory_space<vmem>> -> memref<128x16xf32, #tpu.memory_space<vmem>>
      %dma_start3A_173 = arith.constant 0 : i32
      %dma_start3A_174 = tpu.memref_slice %arg5[%add3A_168, %dma_start3A_173] : memref<50x128xi32, #tpu.memory_space<vmem>> -> memref<1x128xi32, #tpu.memory_space<vmem>>
      %dma_start3A_175 = tpu.memref_squeeze %dma_start3A_174 : memref<1x128xi32, #tpu.memory_space<vmem>> -> memref<128xi32, #tpu.memory_space<vmem>>
      %dma_start3A_176 = arith.constant 0 : i32
      %dma_start3A_177 = arith.constant 0 : i32
      %dma_start3A_178 = tpu.memref_slice %arg3[%dma_start3A_176, %dma_start3A_177] : memref<1000000x16xf32, #tpu.memory_space<hbm>> -> memref<1000000x16xf32, #tpu.memory_space<hbm>>
      tpu.enqueue_indirect_dma source(%dma_start3A_178 : memref<1000000x16xf32, #tpu.memory_space<hbm>>) target(%dma_start3A_172 : memref<128x16xf32, #tpu.memory_space<vmem>>) offsets(%dma_start3A_175 : memref<128xi32, #tpu.memory_space<vmem>>) semaphore(%arg8 : memref<!tpu.dma_semaphore, #tpu.memory_space<semaphore_mem>>)
      %mul3A_179 = arith.constant 10 : i32
      %mul3A_180 = arith.muli %scan3A_66, %mul3A_179 : i32
      %add3A_181 = arith.constant 8 : i32
      %add3A_182 = arith.addi %mul3A_180, %add3A_181 : i32
      %mul3A_183 = arith.constant 128 : i32
      %mul3A_184 = arith.muli %add3A_182, %mul3A_183 : i32
      %dma_start3A_185 = arith.constant 0 : i32
      %dma_start3A_186 = tpu.memref_slice %arg6[%mul3A_184, %dma_start3A_185] : memref<6400x16xf32, #tpu.memory_space<vmem>> -> memref<128x16xf32, #tpu.memory_space<vmem>>
      %dma_start3A_187 = arith.constant 0 : i32
      %dma_start3A_188 = tpu.memref_slice %arg5[%add3A_182, %dma_start3A_187] : memref<50x128xi32, #tpu.memory_space<vmem>> -> memref<1x128xi32, #tpu.memory_space<vmem>>
      %dma_start3A_189 = tpu.memref_squeeze %dma_start3A_188 : memref<1x128xi32, #tpu.memory_space<vmem>> -> memref<128xi32, #tpu.memory_space<vmem>>
      %dma_start3A_190 = arith.constant 0 : i32
      %dma_start3A_191 = arith.constant 0 : i32
      %dma_start3A_192 = tpu.memref_slice %arg3[%dma_start3A_190, %dma_start3A_191] : memref<1000000x16xf32, #tpu.memory_space<hbm>> -> memref<1000000x16xf32, #tpu.memory_space<hbm>>
      tpu.enqueue_indirect_dma source(%dma_start3A_192 : memref<1000000x16xf32, #tpu.memory_space<hbm>>) target(%dma_start3A_186 : memref<128x16xf32, #tpu.memory_space<vmem>>) offsets(%dma_start3A_189 : memref<128xi32, #tpu.memory_space<vmem>>) semaphore(%arg8 : memref<!tpu.dma_semaphore, #tpu.memory_space<semaphore_mem>>)
      %mul3A_193 = arith.constant 10 : i32
      %mul3A_194 = arith.muli %scan3A_66, %mul3A_193 : i32
      %add3A_195 = arith.constant 9 : i32
      %add3A_196 = arith.addi %mul3A_194, %add3A_195 : i32
      %mul3A_197 = arith.constant 128 : i32
      %mul3A_198 = arith.muli %add3A_196, %mul3A_197 : i32
      %dma_start3A_199 = arith.constant 0 : i32
      %dma_start3A_200 = tpu.memref_slice %arg6[%mul3A_198, %dma_start3A_199] : memref<6400x16xf32, #tpu.memory_space<vmem>> -> memref<128x16xf32, #tpu.memory_space<vmem>>
      %dma_start3A_201 = arith.constant 0 : i32
      %dma_start3A_202 = tpu.memref_slice %arg5[%add3A_196, %dma_start3A_201] : memref<50x128xi32, #tpu.memory_space<vmem>> -> memref<1x128xi32, #tpu.memory_space<vmem>>
      %dma_start3A_203 = tpu.memref_squeeze %dma_start3A_202 : memref<1x128xi32, #tpu.memory_space<vmem>> -> memref<128xi32, #tpu.memory_space<vmem>>
      %dma_start3A_204 = arith.constant 0 : i32
      %dma_start3A_205 = arith.constant 0 : i32
      %dma_start3A_206 = tpu.memref_slice %arg3[%dma_start3A_204, %dma_start3A_205] : memref<1000000x16xf32, #tpu.memory_space<hbm>> -> memref<1000000x16xf32, #tpu.memory_space<hbm>>
      tpu.enqueue_indirect_dma source(%dma_start3A_206 : memref<1000000x16xf32, #tpu.memory_space<hbm>>) target(%dma_start3A_200 : memref<128x16xf32, #tpu.memory_space<vmem>>) offsets(%dma_start3A_203 : memref<128xi32, #tpu.memory_space<vmem>>) semaphore(%arg8 : memref<!tpu.dma_semaphore, #tpu.memory_space<semaphore_mem>>)
      %dma_wait3A = arith.constant 0 : i32
      %dma_wait3A_207 = tpu.memref_slice %arg6[%mul3A_73, %dma_wait3A] : memref<6400x16xf32, #tpu.memory_space<vmem>> -> memref<128x16xf32, #tpu.memory_space<vmem>>
      %dma_wait3A_208 = arith.constant 0 : i32
      %dma_wait3A_209 = tpu.memref_slice %arg5[%add3A_71, %dma_wait3A_208] : memref<50x128xi32, #tpu.memory_space<vmem>> -> memref<1x128xi32, #tpu.memory_space<vmem>>
      %dma_wait3A_210 = tpu.memref_squeeze %dma_wait3A_209 : memref<1x128xi32, #tpu.memory_space<vmem>> -> memref<128xi32, #tpu.memory_space<vmem>>
      %dma_wait3A_211 = arith.constant 0 : i32
      %dma_wait3A_212 = arith.constant 0 : i32
      %dma_wait3A_213 = tpu.memref_slice %arg3[%dma_wait3A_211, %dma_wait3A_212] : memref<1000000x16xf32, #tpu.memory_space<hbm>> -> memref<1000000x16xf32, #tpu.memory_space<hbm>>
      tpu.wait_indirect_dma semaphore(%arg8 : memref<!tpu.dma_semaphore, #tpu.memory_space<semaphore_mem>>) src(%dma_wait3A_213 : memref<1000000x16xf32, #tpu.memory_space<hbm>>) dst(%dma_wait3A_207 : memref<128x16xf32, #tpu.memory_space<vmem>>)
      %dma_wait3A_214 = arith.constant 0 : i32
      %dma_wait3A_215 = tpu.memref_slice %arg6[%mul3A_86, %dma_wait3A_214] : memref<6400x16xf32, #tpu.memory_space<vmem>> -> memref<128x16xf32, #tpu.memory_space<vmem>>
      %dma_wait3A_216 = arith.constant 0 : i32
      %dma_wait3A_217 = tpu.memref_slice %arg5[%add3A_84, %dma_wait3A_216] : memref<50x128xi32, #tpu.memory_space<vmem>> -> memref<1x128xi32, #tpu.memory_space<vmem>>
      %dma_wait3A_218 = tpu.memref_squeeze %dma_wait3A_217 : memref<1x128xi32, #tpu.memory_space<vmem>> -> memref<128xi32, #tpu.memory_space<vmem>>
      %dma_wait3A_219 = arith.constant 0 : i32
      %dma_wait3A_220 = arith.constant 0 : i32
      %dma_wait3A_221 = tpu.memref_slice %arg3[%dma_wait3A_219, %dma_wait3A_220] : memref<1000000x16xf32, #tpu.memory_space<hbm>> -> memref<1000000x16xf32, #tpu.memory_space<hbm>>
      tpu.wait_indirect_dma semaphore(%arg8 : memref<!tpu.dma_semaphore, #tpu.memory_space<semaphore_mem>>) src(%dma_wait3A_221 : memref<1000000x16xf32, #tpu.memory_space<hbm>>) dst(%dma_wait3A_215 : memref<128x16xf32, #tpu.memory_space<vmem>>)
      %dma_wait3A_222 = arith.constant 0 : i32
      %dma_wait3A_223 = tpu.memref_slice %arg6[%mul3A_100, %dma_wait3A_222] : memref<6400x16xf32, #tpu.memory_space<vmem>> -> memref<128x16xf32, #tpu.memory_space<vmem>>
      %dma_wait3A_224 = arith.constant 0 : i32
      %dma_wait3A_225 = tpu.memref_slice %arg5[%add3A_98, %dma_wait3A_224] : memref<50x128xi32, #tpu.memory_space<vmem>> -> memref<1x128xi32, #tpu.memory_space<vmem>>
      %dma_wait3A_226 = tpu.memref_squeeze %dma_wait3A_225 : memref<1x128xi32, #tpu.memory_space<vmem>> -> memref<128xi32, #tpu.memory_space<vmem>>
      %dma_wait3A_227 = arith.constant 0 : i32
      %dma_wait3A_228 = arith.constant 0 : i32
      %dma_wait3A_229 = tpu.memref_slice %arg3[%dma_wait3A_227, %dma_wait3A_228] : memref<1000000x16xf32, #tpu.memory_space<hbm>> -> memref<1000000x16xf32, #tpu.memory_space<hbm>>
      tpu.wait_indirect_dma semaphore(%arg8 : memref<!tpu.dma_semaphore, #tpu.memory_space<semaphore_mem>>) src(%dma_wait3A_229 : memref<1000000x16xf32, #tpu.memory_space<hbm>>) dst(%dma_wait3A_223 : memref<128x16xf32, #tpu.memory_space<vmem>>)
      %dma_wait3A_230 = arith.constant 0 : i32
      %dma_wait3A_231 = tpu.memref_slice %arg6[%mul3A_114, %dma_wait3A_230] : memref<6400x16xf32, #tpu.memory_space<vmem>> -> memref<128x16xf32, #tpu.memory_space<vmem>>
      %dma_wait3A_232 = arith.constant 0 : i32
      %dma_wait3A_233 = tpu.memref_slice %arg5[%add3A_112, %dma_wait3A_232] : memref<50x128xi32, #tpu.memory_space<vmem>> -> memref<1x128xi32, #tpu.memory_space<vmem>>
      %dma_wait3A_234 = tpu.memref_squeeze %dma_wait3A_233 : memref<1x128xi32, #tpu.memory_space<vmem>> -> memref<128xi32, #tpu.memory_space<vmem>>
      %dma_wait3A_235 = arith.constant 0 : i32
      %dma_wait3A_236 = arith.constant 0 : i32
      %dma_wait3A_237 = tpu.memref_slice %arg3[%dma_wait3A_235, %dma_wait3A_236] : memref<1000000x16xf32, #tpu.memory_space<hbm>> -> memref<1000000x16xf32, #tpu.memory_space<hbm>>
      tpu.wait_indirect_dma semaphore(%arg8 : memref<!tpu.dma_semaphore, #tpu.memory_space<semaphore_mem>>) src(%dma_wait3A_237 : memref<1000000x16xf32, #tpu.memory_space<hbm>>) dst(%dma_wait3A_231 : memref<128x16xf32, #tpu.memory_space<vmem>>)
      %dma_wait3A_238 = arith.constant 0 : i32
      %dma_wait3A_239 = tpu.memref_slice %arg6[%mul3A_128, %dma_wait3A_238] : memref<6400x16xf32, #tpu.memory_space<vmem>> -> memref<128x16xf32, #tpu.memory_space<vmem>>
      %dma_wait3A_240 = arith.constant 0 : i32
      %dma_wait3A_241 = tpu.memref_slice %arg5[%add3A_126, %dma_wait3A_240] : memref<50x128xi32, #tpu.memory_space<vmem>> -> memref<1x128xi32, #tpu.memory_space<vmem>>
      %dma_wait3A_242 = tpu.memref_squeeze %dma_wait3A_241 : memref<1x128xi32, #tpu.memory_space<vmem>> -> memref<128xi32, #tpu.memory_space<vmem>>
      %dma_wait3A_243 = arith.constant 0 : i32
      %dma_wait3A_244 = arith.constant 0 : i32
      %dma_wait3A_245 = tpu.memref_slice %arg3[%dma_wait3A_243, %dma_wait3A_244] : memref<1000000x16xf32, #tpu.memory_space<hbm>> -> memref<1000000x16xf32, #tpu.memory_space<hbm>>
      tpu.wait_indirect_dma semaphore(%arg8 : memref<!tpu.dma_semaphore, #tpu.memory_space<semaphore_mem>>) src(%dma_wait3A_245 : memref<1000000x16xf32, #tpu.memory_space<hbm>>) dst(%dma_wait3A_239 : memref<128x16xf32, #tpu.memory_space<vmem>>)
      %dma_wait3A_246 = arith.constant 0 : i32
      %dma_wait3A_247 = tpu.memref_slice %arg6[%mul3A_142, %dma_wait3A_246] : memref<6400x16xf32, #tpu.memory_space<vmem>> -> memref<128x16xf32, #tpu.memory_space<vmem>>
      %dma_wait3A_248 = arith.constant 0 : i32
      %dma_wait3A_249 = tpu.memref_slice %arg5[%add3A_140, %dma_wait3A_248] : memref<50x128xi32, #tpu.memory_space<vmem>> -> memref<1x128xi32, #tpu.memory_space<vmem>>
      %dma_wait3A_250 = tpu.memref_squeeze %dma_wait3A_249 : memref<1x128xi32, #tpu.memory_space<vmem>> -> memref<128xi32, #tpu.memory_space<vmem>>
      %dma_wait3A_251 = arith.constant 0 : i32
      %dma_wait3A_252 = arith.constant 0 : i32
      %dma_wait3A_253 = tpu.memref_slice %arg3[%dma_wait3A_251, %dma_wait3A_252] : memref<1000000x16xf32, #tpu.memory_space<hbm>> -> memref<1000000x16xf32, #tpu.memory_space<hbm>>
      tpu.wait_indirect_dma semaphore(%arg8 : memref<!tpu.dma_semaphore, #tpu.memory_space<semaphore_mem>>) src(%dma_wait3A_253 : memref<1000000x16xf32, #tpu.memory_space<hbm>>) dst(%dma_wait3A_247 : memref<128x16xf32, #tpu.memory_space<vmem>>)
      %dma_wait3A_254 = arith.constant 0 : i32
      %dma_wait3A_255 = tpu.memref_slice %arg6[%mul3A_156, %dma_wait3A_254] : memref<6400x16xf32, #tpu.memory_space<vmem>> -> memref<128x16xf32, #tpu.memory_space<vmem>>
      %dma_wait3A_256 = arith.constant 0 : i32
      %dma_wait3A_257 = tpu.memref_slice %arg5[%add3A_154, %dma_wait3A_256] : memref<50x128xi32, #tpu.memory_space<vmem>> -> memref<1x128xi32, #tpu.memory_space<vmem>>
      %dma_wait3A_258 = tpu.memref_squeeze %dma_wait3A_257 : memref<1x128xi32, #tpu.memory_space<vmem>> -> memref<128xi32, #tpu.memory_space<vmem>>
      %dma_wait3A_259 = arith.constant 0 : i32
      %dma_wait3A_260 = arith.constant 0 : i32
      %dma_wait3A_261 = tpu.memref_slice %arg3[%dma_wait3A_259, %dma_wait3A_260] : memref<1000000x16xf32, #tpu.memory_space<hbm>> -> memref<1000000x16xf32, #tpu.memory_space<hbm>>
      tpu.wait_indirect_dma semaphore(%arg8 : memref<!tpu.dma_semaphore, #tpu.memory_space<semaphore_mem>>) src(%dma_wait3A_261 : memref<1000000x16xf32, #tpu.memory_space<hbm>>) dst(%dma_wait3A_255 : memref<128x16xf32, #tpu.memory_space<vmem>>)
      %dma_wait3A_262 = arith.constant 0 : i32
      %dma_wait3A_263 = tpu.memref_slice %arg6[%mul3A_170, %dma_wait3A_262] : memref<6400x16xf32, #tpu.memory_space<vmem>> -> memref<128x16xf32, #tpu.memory_space<vmem>>
      %dma_wait3A_264 = arith.constant 0 : i32
      %dma_wait3A_265 = tpu.memref_slice %arg5[%add3A_168, %dma_wait3A_264] : memref<50x128xi32, #tpu.memory_space<vmem>> -> memref<1x128xi32, #tpu.memory_space<vmem>>
      %dma_wait3A_266 = tpu.memref_squeeze %dma_wait3A_265 : memref<1x128xi32, #tpu.memory_space<vmem>> -> memref<128xi32, #tpu.memory_space<vmem>>
      %dma_wait3A_267 = arith.constant 0 : i32
      %dma_wait3A_268 = arith.constant 0 : i32
      %dma_wait3A_269 = tpu.memref_slice %arg3[%dma_wait3A_267, %dma_wait3A_268] : memref<1000000x16xf32, #tpu.memory_space<hbm>> -> memref<1000000x16xf32, #tpu.memory_space<hbm>>
      tpu.wait_indirect_dma semaphore(%arg8 : memref<!tpu.dma_semaphore, #tpu.memory_space<semaphore_mem>>) src(%dma_wait3A_269 : memref<1000000x16xf32, #tpu.memory_space<hbm>>) dst(%dma_wait3A_263 : memref<128x16xf32, #tpu.memory_space<vmem>>)
      %dma_wait3A_270 = arith.constant 0 : i32
      %dma_wait3A_271 = tpu.memref_slice %arg6[%mul3A_184, %dma_wait3A_270] : memref<6400x16xf32, #tpu.memory_space<vmem>> -> memref<128x16xf32, #tpu.memory_space<vmem>>
      %dma_wait3A_272 = arith.constant 0 : i32
      %dma_wait3A_273 = tpu.memref_slice %arg5[%add3A_182, %dma_wait3A_272] : memref<50x128xi32, #tpu.memory_space<vmem>> -> memref<1x128xi32, #tpu.memory_space<vmem>>
      %dma_wait3A_274 = tpu.memref_squeeze %dma_wait3A_273 : memref<1x128xi32, #tpu.memory_space<vmem>> -> memref<128xi32, #tpu.memory_space<vmem>>
      %dma_wait3A_275 = arith.constant 0 : i32
      %dma_wait3A_276 = arith.constant 0 : i32
      %dma_wait3A_277 = tpu.memref_slice %arg3[%dma_wait3A_275, %dma_wait3A_276] : memref<1000000x16xf32, #tpu.memory_space<hbm>> -> memref<1000000x16xf32, #tpu.memory_space<hbm>>
      tpu.wait_indirect_dma semaphore(%arg8 : memref<!tpu.dma_semaphore, #tpu.memory_space<semaphore_mem>>) src(%dma_wait3A_277 : memref<1000000x16xf32, #tpu.memory_space<hbm>>) dst(%dma_wait3A_271 : memref<128x16xf32, #tpu.memory_space<vmem>>)
      %dma_wait3A_278 = arith.constant 0 : i32
      %dma_wait3A_279 = tpu.memref_slice %arg6[%mul3A_198, %dma_wait3A_278] : memref<6400x16xf32, #tpu.memory_space<vmem>> -> memref<128x16xf32, #tpu.memory_space<vmem>>
      %dma_wait3A_280 = arith.constant 0 : i32
      %dma_wait3A_281 = tpu.memref_slice %arg5[%add3A_196, %dma_wait3A_280] : memref<50x128xi32, #tpu.memory_space<vmem>> -> memref<1x128xi32, #tpu.memory_space<vmem>>
      %dma_wait3A_282 = tpu.memref_squeeze %dma_wait3A_281 : memref<1x128xi32, #tpu.memory_space<vmem>> -> memref<128xi32, #tpu.memory_space<vmem>>
      %dma_wait3A_283 = arith.constant 0 : i32
      %dma_wait3A_284 = arith.constant 0 : i32
      %dma_wait3A_285 = tpu.memref_slice %arg3[%dma_wait3A_283, %dma_wait3A_284] : memref<1000000x16xf32, #tpu.memory_space<hbm>> -> memref<1000000x16xf32, #tpu.memory_space<hbm>>
      tpu.wait_indirect_dma semaphore(%arg8 : memref<!tpu.dma_semaphore, #tpu.memory_space<semaphore_mem>>) src(%dma_wait3A_285 : memref<1000000x16xf32, #tpu.memory_space<hbm>>) dst(%dma_wait3A_279 : memref<128x16xf32, #tpu.memory_space<vmem>>)
      %scan3A_286 = arith.constant 0 : i32
      scf.yield %scan3A_286 : i32
    }
    %scan3A_10 = arith.constant 5 : i32
    %scan3A_11 = arith.constant 0 : i32
    %scan3A_12 = arith.constant 0 : i32
    %scan3A_13 = arith.constant 16 : i32
    %scan3A_14 = arith.addi %scan3A_12, %scan3A_13 : i32
    %scan3A_15 = arith.constant 1 : i32
    %scan3A_16 = scf.for %scan3A_66 = %scan3A_12 to %scan3A_14 step %scan3A_15 iter_args(%scan3A_67 = %scan3A_11) -> (i32)  : i32 {
      %mul3A_68 = arith.constant 8 : i32
      %mul3A_69 = arith.muli %scan3A_66, %mul3A_68 : i32
      %broadcast_in_dim3A = arith.constant 0.000000e+00 : f32
      %broadcast_in_dim3A_70 = vector.broadcast %broadcast_in_dim3A : f32 to vector<16xf32>
      %scan3A_71 = arith.constant 0 : i32
      %scan3A_72 = arith.constant 50 : i32
      %scan3A_73 = arith.addi %scan3A_71, %scan3A_72 : i32
      %scan3A_74 = arith.constant 1 : i32
      %scan3A_75:8 = scf.for %scan3A_133 = %scan3A_71 to %scan3A_73 step %scan3A_74 iter_args(%scan3A_134 = %broadcast_in_dim3A_70, %scan3A_135 = %broadcast_in_dim3A_70, %scan3A_136 = %broadcast_in_dim3A_70, %scan3A_137 = %broadcast_in_dim3A_70, %scan3A_138 = %broadcast_in_dim3A_70, %scan3A_139 = %broadcast_in_dim3A_70, %scan3A_140 = %broadcast_in_dim3A_70, %scan3A_141 = %broadcast_in_dim3A_70) -> (vector<16xf32>, vector<16xf32>, vector<16xf32>, vector<16xf32>, vector<16xf32>, vector<16xf32>, vector<16xf32>, vector<16xf32>)  : i32 {
        %mul3A_142 = arith.constant 128 : i32
        %mul3A_143 = arith.muli %scan3A_133, %mul3A_142 : i32
        %add3A_144 = arith.addi %mul3A_143, %mul3A_69 : i32
        %add3A_145 = arith.constant 0 : i32
        %add3A_146 = arith.addi %add3A_144, %add3A_145 : i32
        %get3A = arith.index_cast %add3A_146 : i32 to index
        %get3A_147 = arith.constant 0 : index
        %get3A_148 = tpu.vector_load %arg6[%get3A, %get3A_147] {strides = array<i32>} : memref<6400x16xf32, #tpu.memory_space<vmem>>, vector<1x16xf32>,
        %get3A_149 = vector.shape_cast %get3A_148 : vector<1x16xf32> to vector<16xf32>
        %add3A_150 = arith.addf %scan3A_134, %get3A_149 : vector<16xf32>
        %add3A_151 = arith.constant 1 : i32
        %add3A_152 = arith.addi %add3A_144, %add3A_151 : i32
        %get3A_153 = arith.index_cast %add3A_152 : i32 to index
        %get3A_154 = arith.constant 0 : index
        %get3A_155 = tpu.vector_load %arg6[%get3A_153, %get3A_154] {strides = array<i32>} : memref<6400x16xf32, #tpu.memory_space<vmem>>, vector<1x16xf32>,
        %get3A_156 = vector.shape_cast %get3A_155 : vector<1x16xf32> to vector<16xf32>
        %add3A_157 = arith.addf %scan3A_135, %get3A_156 : vector<16xf32>
        %add3A_158 = arith.constant 2 : i32
        %add3A_159 = arith.addi %add3A_144, %add3A_158 : i32
        %get3A_160 = arith.index_cast %add3A_159 : i32 to index
        %get3A_161 = arith.constant 0 : index
        %get3A_162 = tpu.vector_load %arg6[%get3A_160, %get3A_161] {strides = array<i32>} : memref<6400x16xf32, #tpu.memory_space<vmem>>, vector<1x16xf32>,
        %get3A_163 = vector.shape_cast %get3A_162 : vector<1x16xf32> to vector<16xf32>
        %add3A_164 = arith.addf %scan3A_136, %get3A_163 : vector<16xf32>
        %add3A_165 = arith.constant 3 : i32
        %add3A_166 = arith.addi %add3A_144, %add3A_165 : i32
        %get3A_167 = arith.index_cast %add3A_166 : i32 to index
        %get3A_168 = arith.constant 0 : index
        %get3A_169 = tpu.vector_load %arg6[%get3A_167, %get3A_168] {strides = array<i32>} : memref<6400x16xf32, #tpu.memory_space<vmem>>, vector<1x16xf32>,
        %get3A_170 = vector.shape_cast %get3A_169 : vector<1x16xf32> to vector<16xf32>
        %add3A_171 = arith.addf %scan3A_137, %get3A_170 : vector<16xf32>
        %add3A_172 = arith.constant 4 : i32
        %add3A_173 = arith.addi %add3A_144, %add3A_172 : i32
        %get3A_174 = arith.index_cast %add3A_173 : i32 to index
        %get3A_175 = arith.constant 0 : index
        %get3A_176 = tpu.vector_load %arg6[%get3A_174, %get3A_175] {strides = array<i32>} : memref<6400x16xf32, #tpu.memory_space<vmem>>, vector<1x16xf32>,
        %get3A_177 = vector.shape_cast %get3A_176 : vector<1x16xf32> to vector<16xf32>
        %add3A_178 = arith.addf %scan3A_138, %get3A_177 : vector<16xf32>
        %add3A_179 = arith.constant 5 : i32
        %add3A_180 = arith.addi %add3A_144, %add3A_179 : i32
        %get3A_181 = arith.index_cast %add3A_180 : i32 to index
        %get3A_182 = arith.constant 0 : index
        %get3A_183 = tpu.vector_load %arg6[%get3A_181, %get3A_182] {strides = array<i32>} : memref<6400x16xf32, #tpu.memory_space<vmem>>, vector<1x16xf32>,
        %get3A_184 = vector.shape_cast %get3A_183 : vector<1x16xf32> to vector<16xf32>
        %add3A_185 = arith.addf %scan3A_139, %get3A_184 : vector<16xf32>
        %add3A_186 = arith.constant 6 : i32
        %add3A_187 = arith.addi %add3A_144, %add3A_186 : i32
        %get3A_188 = arith.index_cast %add3A_187 : i32 to index
        %get3A_189 = arith.constant 0 : index
        %get3A_190 = tpu.vector_load %arg6[%get3A_188, %get3A_189] {strides = array<i32>} : memref<6400x16xf32, #tpu.memory_space<vmem>>, vector<1x16xf32>,
        %get3A_191 = vector.shape_cast %get3A_190 : vector<1x16xf32> to vector<16xf32>
        %add3A_192 = arith.addf %scan3A_140, %get3A_191 : vector<16xf32>
        %add3A_193 = arith.constant 7 : i32
        %add3A_194 = arith.addi %add3A_144, %add3A_193 : i32
        %get3A_195 = arith.index_cast %add3A_194 : i32 to index
        %get3A_196 = arith.constant 0 : index
        %get3A_197 = tpu.vector_load %arg6[%get3A_195, %get3A_196] {strides = array<i32>} : memref<6400x16xf32, #tpu.memory_space<vmem>>, vector<1x16xf32>,
        %get3A_198 = vector.shape_cast %get3A_197 : vector<1x16xf32> to vector<16xf32>
        %add3A_199 = arith.addf %scan3A_141, %get3A_198 : vector<16xf32>
        scf.yield %add3A_150, %add3A_157, %add3A_164, %add3A_171, %add3A_178, %add3A_185, %add3A_192, %add3A_199 : vector<16xf32>, vector<16xf32>, vector<16xf32>, vector<16xf32>, vector<16xf32>, vector<16xf32>, vector<16xf32>, vector<16xf32>
      }
      %scan3A_76 = arith.constant 50 : i32
      %add3A_77 = arith.constant 0 : i32
      %add3A_78 = arith.addi %mul3A_69, %add3A_77 : i32
      %swap3A = arith.index_cast %add3A_78 : i32 to index
      %swap3A_79 = arith.constant 0 : index
      %swap3A_80 = tpu.vector_load %arg7[%swap3A, %swap3A_79] {strides = array<i32>} : memref<128x16xf32, #tpu.memory_space<vmem>>, vector<1x16xf32>,
      %swap3A_81 = vector.shape_cast %swap3A_80 : vector<1x16xf32> to vector<16xf32>
      %swap3A_82 = vector.shape_cast %scan3A_75#0 : vector<16xf32> to vector<1x16xf32>
      tpu.vector_store %arg7[%swap3A, %swap3A_79], %swap3A_82 {strides = array<i32>} : memref<128x16xf32, #tpu.memory_space<vmem>>, vector<1x16xf32>,
      %add3A_83 = arith.constant 1 : i32
      %add3A_84 = arith.addi %mul3A_69, %add3A_83 : i32
      %swap3A_85 = arith.index_cast %add3A_84 : i32 to index
      %swap3A_86 = arith.constant 0 : index
      %swap3A_87 = tpu.vector_load %arg7[%swap3A_85, %swap3A_86] {strides = array<i32>} : memref<128x16xf32, #tpu.memory_space<vmem>>, vector<1x16xf32>,
      %swap3A_88 = vector.shape_cast %swap3A_87 : vector<1x16xf32> to vector<16xf32>
      %swap3A_89 = vector.shape_cast %scan3A_75#1 : vector<16xf32> to vector<1x16xf32>
      tpu.vector_store %arg7[%swap3A_85, %swap3A_86], %swap3A_89 {strides = array<i32>} : memref<128x16xf32, #tpu.memory_space<vmem>>, vector<1x16xf32>,
      %add3A_90 = arith.constant 2 : i32
      %add3A_91 = arith.addi %mul3A_69, %add3A_90 : i32
      %swap3A_92 = arith.index_cast %add3A_91 : i32 to index
      %swap3A_93 = arith.constant 0 : index
      %swap3A_94 = tpu.vector_load %arg7[%swap3A_92, %swap3A_93] {strides = array<i32>} : memref<128x16xf32, #tpu.memory_space<vmem>>, vector<1x16xf32>,
      %swap3A_95 = vector.shape_cast %swap3A_94 : vector<1x16xf32> to vector<16xf32>
      %swap3A_96 = vector.shape_cast %scan3A_75#2 : vector<16xf32> to vector<1x16xf32>
      tpu.vector_store %arg7[%swap3A_92, %swap3A_93], %swap3A_96 {strides = array<i32>} : memref<128x16xf32, #tpu.memory_space<vmem>>, vector<1x16xf32>,
      %add3A_97 = arith.constant 3 : i32
      %add3A_98 = arith.addi %mul3A_69, %add3A_97 : i32
      %swap3A_99 = arith.index_cast %add3A_98 : i32 to index
      %swap3A_100 = arith.constant 0 : index
      %swap3A_101 = tpu.vector_load %arg7[%swap3A_99, %swap3A_100] {strides = array<i32>} : memref<128x16xf32, #tpu.memory_space<vmem>>, vector<1x16xf32>,
      %swap3A_102 = vector.shape_cast %swap3A_101 : vector<1x16xf32> to vector<16xf32>
      %swap3A_103 = vector.shape_cast %scan3A_75#3 : vector<16xf32> to vector<1x16xf32>
      tpu.vector_store %arg7[%swap3A_99, %swap3A_100], %swap3A_103 {strides = array<i32>} : memref<128x16xf32, #tpu.memory_space<vmem>>, vector<1x16xf32>,
      %add3A_104 = arith.constant 4 : i32
      %add3A_105 = arith.addi %mul3A_69, %add3A_104 : i32
      %swap3A_106 = arith.index_cast %add3A_105 : i32 to index
      %swap3A_107 = arith.constant 0 : index
      %swap3A_108 = tpu.vector_load %arg7[%swap3A_106, %swap3A_107] {strides = array<i32>} : memref<128x16xf32, #tpu.memory_space<vmem>>, vector<1x16xf32>,
      %swap3A_109 = vector.shape_cast %swap3A_108 : vector<1x16xf32> to vector<16xf32>
      %swap3A_110 = vector.shape_cast %scan3A_75#4 : vector<16xf32> to vector<1x16xf32>
      tpu.vector_store %arg7[%swap3A_106, %swap3A_107], %swap3A_110 {strides = array<i32>} : memref<128x16xf32, #tpu.memory_space<vmem>>, vector<1x16xf32>,
      %add3A_111 = arith.constant 5 : i32
      %add3A_112 = arith.addi %mul3A_69, %add3A_111 : i32
      %swap3A_113 = arith.index_cast %add3A_112 : i32 to index
      %swap3A_114 = arith.constant 0 : index
      %swap3A_115 = tpu.vector_load %arg7[%swap3A_113, %swap3A_114] {strides = array<i32>} : memref<128x16xf32, #tpu.memory_space<vmem>>, vector<1x16xf32>,
      %swap3A_116 = vector.shape_cast %swap3A_115 : vector<1x16xf32> to vector<16xf32>
      %swap3A_117 = vector.shape_cast %scan3A_75#5 : vector<16xf32> to vector<1x16xf32>
      tpu.vector_store %arg7[%swap3A_113, %swap3A_114], %swap3A_117 {strides = array<i32>} : memref<128x16xf32, #tpu.memory_space<vmem>>, vector<1x16xf32>,
      %add3A_118 = arith.constant 6 : i32
      %add3A_119 = arith.addi %mul3A_69, %add3A_118 : i32
      %swap3A_120 = arith.index_cast %add3A_119 : i32 to index
      %swap3A_121 = arith.constant 0 : index
      %swap3A_122 = tpu.vector_load %arg7[%swap3A_120, %swap3A_121] {strides = array<i32>} : memref<128x16xf32, #tpu.memory_space<vmem>>, vector<1x16xf32>,
      %swap3A_123 = vector.shape_cast %swap3A_122 : vector<1x16xf32> to vector<16xf32>
      %swap3A_124 = vector.shape_cast %scan3A_75#6 : vector<16xf32> to vector<1x16xf32>
      tpu.vector_store %arg7[%swap3A_120, %swap3A_121], %swap3A_124 {strides = array<i32>} : memref<128x16xf32, #tpu.memory_space<vmem>>, vector<1x16xf32>,
      %add3A_125 = arith.constant 7 : i32
      %add3A_126 = arith.addi %mul3A_69, %add3A_125 : i32
      %swap3A_127 = arith.index_cast %add3A_126 : i32 to index
      %swap3A_128 = arith.constant 0 : index
      %swap3A_129 = tpu.vector_load %arg7[%swap3A_127, %swap3A_128] {strides = array<i32>} : memref<128x16xf32, #tpu.memory_space<vmem>>, vector<1x16xf32>,
      %swap3A_130 = vector.shape_cast %swap3A_129 : vector<1x16xf32> to vector<16xf32>
      %swap3A_131 = vector.shape_cast %scan3A_75#7 : vector<16xf32> to vector<1x16xf32>
      tpu.vector_store %arg7[%swap3A_127, %swap3A_128], %swap3A_131 {strides = array<i32>} : memref<128x16xf32, #tpu.memory_space<vmem>>, vector<1x16xf32>,
      %scan3A_132 = arith.constant 0 : i32
      scf.yield %scan3A_132 : i32
    }
    %scan3A_17 = arith.constant 16 : i32
    "tpu.region"() ({
      %run_scoped3A = tpu.sem_alloc : memref<!tpu.dma_semaphore, #tpu.memory_space<semaphore_mem>>
      %dma_start3A = arith.constant 0 : i32
      %dma_start3A_66 = tpu.memref_slice %arg4[%add3A_4, %dma_start3A] : memref<16384x16xf32, #tpu.memory_space<hbm>> -> memref<128x16xf32, #tpu.memory_space<hbm>>
      %dma_start3A_67 = arith.constant 0 : i32
      %dma_start3A_68 = tpu.memref_slice %arg4[%add3A_4, %dma_start3A_67] : memref<16384x16xf32, #tpu.memory_space<hbm>> -> memref<128x16xf32, #tpu.memory_space<hbm>>
      tpu.enqueue_dma source(%arg7 : memref<128x16xf32, #tpu.memory_space<vmem>>) target(%dma_start3A_68 : memref<128x16xf32, #tpu.memory_space<hbm>>) target_semaphore(%run_scoped3A : memref<!tpu.dma_semaphore, #tpu.memory_space<semaphore_mem>>)
      %dma_wait3A = arith.constant 0 : i32
      %dma_wait3A_69 = tpu.memref_slice %arg4[%add3A_4, %dma_wait3A] : memref<16384x16xf32, #tpu.memory_space<hbm>> -> memref<128x16xf32, #tpu.memory_space<hbm>>
      %dma_wait3A_70 = arith.constant 0 : i32
      %dma_wait3A_71 = tpu.memref_slice %arg4[%add3A_4, %dma_wait3A_70] : memref<16384x16xf32, #tpu.memory_space<hbm>> -> memref<128x16xf32, #tpu.memory_space<hbm>>
      tpu.wait_dma2 semaphore(%run_scoped3A : memref<!tpu.dma_semaphore, #tpu.memory_space<semaphore_mem>>) src(%arg7 : memref<128x16xf32, #tpu.memory_space<vmem>>) dst(%dma_wait3A_71 : memref<128x16xf32, #tpu.memory_space<hbm>>)
      tpu.yield
    }) : () -> ()
    %add3A_18 = arith.constant 128 : i32
    %add3A_19 = arith.addi %mul3A_2, %add3A_18 : i32
    "tpu.region"() ({
      %run_scoped3A = tpu.sem_alloc : memref<!tpu.dma_semaphore, #tpu.memory_space<semaphore_mem>>
      %dma_start3A = arith.constant 0 : i32
      %dma_start3A_66 = tpu.memref_slice %arg2[%dma_start3A, %add3A_19] : memref<50x16384xi32, #tpu.memory_space<hbm>> -> memref<50x128xi32, #tpu.memory_space<hbm>>
      %dma_start3A_67 = arith.constant 0 : i32
      %dma_start3A_68 = tpu.memref_slice %arg2[%dma_start3A_67, %add3A_19] : memref<50x16384xi32, #tpu.memory_space<hbm>> -> memref<50x128xi32, #tpu.memory_space<hbm>>
      tpu.enqueue_dma source(%dma_start3A_68 : memref<50x128xi32, #tpu.memory_space<hbm>>) target(%arg5 : memref<50x128xi32, #tpu.memory_space<vmem>>) target_semaphore(%run_scoped3A : memref<!tpu.dma_semaphore, #tpu.memory_space<semaphore_mem>>)
      %dma_wait3A = arith.constant 0 : i32
      %dma_wait3A_69 = tpu.memref_slice %arg2[%dma_wait3A, %add3A_19] : memref<50x16384xi32, #tpu.memory_space<hbm>> -> memref<50x128xi32, #tpu.memory_space<hbm>>
      %dma_wait3A_70 = arith.constant 0 : i32
      %dma_wait3A_71 = tpu.memref_slice %arg2[%dma_wait3A_70, %add3A_19] : memref<50x16384xi32, #tpu.memory_space<hbm>> -> memref<50x128xi32, #tpu.memory_space<hbm>>
      tpu.wait_dma2 semaphore(%run_scoped3A : memref<!tpu.dma_semaphore, #tpu.memory_space<semaphore_mem>>) src(%dma_wait3A_71 : memref<50x128xi32, #tpu.memory_space<hbm>>) dst(%arg5 : memref<50x128xi32, #tpu.memory_space<vmem>>)
      tpu.yield
    }) : () -> ()
    %scan3A_20 = arith.constant 0 : i32
    %scan3A_21 = arith.constant 0 : i32
    %scan3A_22 = arith.constant 5 : i32
    %scan3A_23 = arith.addi %scan3A_21, %scan3A_22 : i32
    %scan3A_24 = arith.constant 1 : i32
    %scan3A_25 = scf.for %scan3A_66 = %scan3A_21 to %scan3A_23 step %scan3A_24 iter_args(%scan3A_67 = %scan3A_20) -> (i32)  : i32 {
      %mul3A_68 = arith.constant 10 : i32
      %mul3A_69 = arith.muli %scan3A_66, %mul3A_68 : i32
      %add3A_70 = arith.constant 0 : i32
      %add3A_71 = arith.addi %mul3A_69, %add3A_70 : i32
      %mul3A_72 = arith.constant 128 : i32
      %mul3A_73 = arith.muli %add3A_71, %mul3A_72 : i32
      %dma_start3A = arith.constant 0 : i32
      %dma_start3A_74 = tpu.memref_slice %arg6[%mul3A_73, %dma_start3A] : memref<6400x16xf32, #tpu.memory_space<vmem>> -> memref<128x16xf32, #tpu.memory_space<vmem>>
      %dma_start3A_75 = arith.constant 0 : i32
      %dma_start3A_76 = tpu.memref_slice %arg5[%add3A_71, %dma_start3A_75] : memref<50x128xi32, #tpu.memory_space<vmem>> -> memref<1x128xi32, #tpu.memory_space<vmem>>
      %dma_start3A_77 = tpu.memref_squeeze %dma_start3A_76 : memref<1x128xi32, #tpu.memory_space<vmem>> -> memref<128xi32, #tpu.memory_space<vmem>>
      %dma_start3A_78 = arith.constant 0 : i32
      %dma_start3A_79 = arith.constant 0 : i32
      %dma_start3A_80 = tpu.memref_slice %arg3[%dma_start3A_78, %dma_start3A_79] : memref<1000000x16xf32, #tpu.memory_space<hbm>> -> memref<1000000x16xf32, #tpu.memory_space<hbm>>
      tpu.enqueue_indirect_dma source(%dma_start3A_80 : memref<1000000x16xf32, #tpu.memory_space<hbm>>) target(%dma_start3A_74 : memref<128x16xf32, #tpu.memory_space<vmem>>) offsets(%dma_start3A_77 : memref<128xi32, #tpu.memory_space<vmem>>) semaphore(%arg8 : memref<!tpu.dma_semaphore, #tpu.memory_space<semaphore_mem>>)
      %mul3A_81 = arith.constant 10 : i32
      %mul3A_82 = arith.muli %scan3A_66, %mul3A_81 : i32
      %add3A_83 = arith.constant 1 : i32
      %add3A_84 = arith.addi %mul3A_82, %add3A_83 : i32
      %mul3A_85 = arith.constant 128 : i32
      %mul3A_86 = arith.muli %add3A_84, %mul3A_85 : i32
      %dma_start3A_87 = arith.constant 0 : i32
      %dma_start3A_88 = tpu.memref_slice %arg6[%mul3A_86, %dma_start3A_87] : memref<6400x16xf32, #tpu.memory_space<vmem>> -> memref<128x16xf32, #tpu.memory_space<vmem>>
      %dma_start3A_89 = arith.constant 0 : i32
      %dma_start3A_90 = tpu.memref_slice %arg5[%add3A_84, %dma_start3A_89] : memref<50x128xi32, #tpu.memory_space<vmem>> -> memref<1x128xi32, #tpu.memory_space<vmem>>
      %dma_start3A_91 = tpu.memref_squeeze %dma_start3A_90 : memref<1x128xi32, #tpu.memory_space<vmem>> -> memref<128xi32, #tpu.memory_space<vmem>>
      %dma_start3A_92 = arith.constant 0 : i32
      %dma_start3A_93 = arith.constant 0 : i32
      %dma_start3A_94 = tpu.memref_slice %arg3[%dma_start3A_92, %dma_start3A_93] : memref<1000000x16xf32, #tpu.memory_space<hbm>> -> memref<1000000x16xf32, #tpu.memory_space<hbm>>
      tpu.enqueue_indirect_dma source(%dma_start3A_94 : memref<1000000x16xf32, #tpu.memory_space<hbm>>) target(%dma_start3A_88 : memref<128x16xf32, #tpu.memory_space<vmem>>) offsets(%dma_start3A_91 : memref<128xi32, #tpu.memory_space<vmem>>) semaphore(%arg8 : memref<!tpu.dma_semaphore, #tpu.memory_space<semaphore_mem>>)
      %mul3A_95 = arith.constant 10 : i32
      %mul3A_96 = arith.muli %scan3A_66, %mul3A_95 : i32
      %add3A_97 = arith.constant 2 : i32
      %add3A_98 = arith.addi %mul3A_96, %add3A_97 : i32
      %mul3A_99 = arith.constant 128 : i32
      %mul3A_100 = arith.muli %add3A_98, %mul3A_99 : i32
      %dma_start3A_101 = arith.constant 0 : i32
      %dma_start3A_102 = tpu.memref_slice %arg6[%mul3A_100, %dma_start3A_101] : memref<6400x16xf32, #tpu.memory_space<vmem>> -> memref<128x16xf32, #tpu.memory_space<vmem>>
      %dma_start3A_103 = arith.constant 0 : i32
      %dma_start3A_104 = tpu.memref_slice %arg5[%add3A_98, %dma_start3A_103] : memref<50x128xi32, #tpu.memory_space<vmem>> -> memref<1x128xi32, #tpu.memory_space<vmem>>
      %dma_start3A_105 = tpu.memref_squeeze %dma_start3A_104 : memref<1x128xi32, #tpu.memory_space<vmem>> -> memref<128xi32, #tpu.memory_space<vmem>>
      %dma_start3A_106 = arith.constant 0 : i32
      %dma_start3A_107 = arith.constant 0 : i32
      %dma_start3A_108 = tpu.memref_slice %arg3[%dma_start3A_106, %dma_start3A_107] : memref<1000000x16xf32, #tpu.memory_space<hbm>> -> memref<1000000x16xf32, #tpu.memory_space<hbm>>
      tpu.enqueue_indirect_dma source(%dma_start3A_108 : memref<1000000x16xf32, #tpu.memory_space<hbm>>) target(%dma_start3A_102 : memref<128x16xf32, #tpu.memory_space<vmem>>) offsets(%dma_start3A_105 : memref<128xi32, #tpu.memory_space<vmem>>) semaphore(%arg8 : memref<!tpu.dma_semaphore, #tpu.memory_space<semaphore_mem>>)
      %mul3A_109 = arith.constant 10 : i32
      %mul3A_110 = arith.muli %scan3A_66, %mul3A_109 : i32
      %add3A_111 = arith.constant 3 : i32
      %add3A_112 = arith.addi %mul3A_110, %add3A_111 : i32
      %mul3A_113 = arith.constant 128 : i32
      %mul3A_114 = arith.muli %add3A_112, %mul3A_113 : i32
      %dma_start3A_115 = arith.constant 0 : i32
      %dma_start3A_116 = tpu.memref_slice %arg6[%mul3A_114, %dma_start3A_115] : memref<6400x16xf32, #tpu.memory_space<vmem>> -> memref<128x16xf32, #tpu.memory_space<vmem>>
      %dma_start3A_117 = arith.constant 0 : i32
      %dma_start3A_118 = tpu.memref_slice %arg5[%add3A_112, %dma_start3A_117] : memref<50x128xi32, #tpu.memory_space<vmem>> -> memref<1x128xi32, #tpu.memory_space<vmem>>
      %dma_start3A_119 = tpu.memref_squeeze %dma_start3A_118 : memref<1x128xi32, #tpu.memory_space<vmem>> -> memref<128xi32, #tpu.memory_space<vmem>>
      %dma_start3A_120 = arith.constant 0 : i32
      %dma_start3A_121 = arith.constant 0 : i32
      %dma_start3A_122 = tpu.memref_slice %arg3[%dma_start3A_120, %dma_start3A_121] : memref<1000000x16xf32, #tpu.memory_space<hbm>> -> memref<1000000x16xf32, #tpu.memory_space<hbm>>
      tpu.enqueue_indirect_dma source(%dma_start3A_122 : memref<1000000x16xf32, #tpu.memory_space<hbm>>) target(%dma_start3A_116 : memref<128x16xf32, #tpu.memory_space<vmem>>) offsets(%dma_start3A_119 : memref<128xi32, #tpu.memory_space<vmem>>) semaphore(%arg8 : memref<!tpu.dma_semaphore, #tpu.memory_space<semaphore_mem>>)
      %mul3A_123 = arith.constant 10 : i32
      %mul3A_124 = arith.muli %scan3A_66, %mul3A_123 : i32
      %add3A_125 = arith.constant 4 : i32
      %add3A_126 = arith.addi %mul3A_124, %add3A_125 : i32
      %mul3A_127 = arith.constant 128 : i32
      %mul3A_128 = arith.muli %add3A_126, %mul3A_127 : i32
      %dma_start3A_129 = arith.constant 0 : i32
      %dma_start3A_130 = tpu.memref_slice %arg6[%mul3A_128, %dma_start3A_129] : memref<6400x16xf32, #tpu.memory_space<vmem>> -> memref<128x16xf32, #tpu.memory_space<vmem>>
      %dma_start3A_131 = arith.constant 0 : i32
      %dma_start3A_132 = tpu.memref_slice %arg5[%add3A_126, %dma_start3A_131] : memref<50x128xi32, #tpu.memory_space<vmem>> -> memref<1x128xi32, #tpu.memory_space<vmem>>
      %dma_start3A_133 = tpu.memref_squeeze %dma_start3A_132 : memref<1x128xi32, #tpu.memory_space<vmem>> -> memref<128xi32, #tpu.memory_space<vmem>>
      %dma_start3A_134 = arith.constant 0 : i32
      %dma_start3A_135 = arith.constant 0 : i32
      %dma_start3A_136 = tpu.memref_slice %arg3[%dma_start3A_134, %dma_start3A_135] : memref<1000000x16xf32, #tpu.memory_space<hbm>> -> memref<1000000x16xf32, #tpu.memory_space<hbm>>
      tpu.enqueue_indirect_dma source(%dma_start3A_136 : memref<1000000x16xf32, #tpu.memory_space<hbm>>) target(%dma_start3A_130 : memref<128x16xf32, #tpu.memory_space<vmem>>) offsets(%dma_start3A_133 : memref<128xi32, #tpu.memory_space<vmem>>) semaphore(%arg8 : memref<!tpu.dma_semaphore, #tpu.memory_space<semaphore_mem>>)
      %mul3A_137 = arith.constant 10 : i32
      %mul3A_138 = arith.muli %scan3A_66, %mul3A_137 : i32
      %add3A_139 = arith.constant 5 : i32
      %add3A_140 = arith.addi %mul3A_138, %add3A_139 : i32
      %mul3A_141 = arith.constant 128 : i32
      %mul3A_142 = arith.muli %add3A_140, %mul3A_141 : i32
      %dma_start3A_143 = arith.constant 0 : i32
      %dma_start3A_144 = tpu.memref_slice %arg6[%mul3A_142, %dma_start3A_143] : memref<6400x16xf32, #tpu.memory_space<vmem>> -> memref<128x16xf32, #tpu.memory_space<vmem>>
      %dma_start3A_145 = arith.constant 0 : i32
      %dma_start3A_146 = tpu.memref_slice %arg5[%add3A_140, %dma_start3A_145] : memref<50x128xi32, #tpu.memory_space<vmem>> -> memref<1x128xi32, #tpu.memory_space<vmem>>
      %dma_start3A_147 = tpu.memref_squeeze %dma_start3A_146 : memref<1x128xi32, #tpu.memory_space<vmem>> -> memref<128xi32, #tpu.memory_space<vmem>>
      %dma_start3A_148 = arith.constant 0 : i32
      %dma_start3A_149 = arith.constant 0 : i32
      %dma_start3A_150 = tpu.memref_slice %arg3[%dma_start3A_148, %dma_start3A_149] : memref<1000000x16xf32, #tpu.memory_space<hbm>> -> memref<1000000x16xf32, #tpu.memory_space<hbm>>
      tpu.enqueue_indirect_dma source(%dma_start3A_150 : memref<1000000x16xf32, #tpu.memory_space<hbm>>) target(%dma_start3A_144 : memref<128x16xf32, #tpu.memory_space<vmem>>) offsets(%dma_start3A_147 : memref<128xi32, #tpu.memory_space<vmem>>) semaphore(%arg8 : memref<!tpu.dma_semaphore, #tpu.memory_space<semaphore_mem>>)
      %mul3A_151 = arith.constant 10 : i32
      %mul3A_152 = arith.muli %scan3A_66, %mul3A_151 : i32
      %add3A_153 = arith.constant 6 : i32
      %add3A_154 = arith.addi %mul3A_152, %add3A_153 : i32
      %mul3A_155 = arith.constant 128 : i32
      %mul3A_156 = arith.muli %add3A_154, %mul3A_155 : i32
      %dma_start3A_157 = arith.constant 0 : i32
      %dma_start3A_158 = tpu.memref_slice %arg6[%mul3A_156, %dma_start3A_157] : memref<6400x16xf32, #tpu.memory_space<vmem>> -> memref<128x16xf32, #tpu.memory_space<vmem>>
      %dma_start3A_159 = arith.constant 0 : i32
      %dma_start3A_160 = tpu.memref_slice %arg5[%add3A_154, %dma_start3A_159] : memref<50x128xi32, #tpu.memory_space<vmem>> -> memref<1x128xi32, #tpu.memory_space<vmem>>
      %dma_start3A_161 = tpu.memref_squeeze %dma_start3A_160 : memref<1x128xi32, #tpu.memory_space<vmem>> -> memref<128xi32, #tpu.memory_space<vmem>>
      %dma_start3A_162 = arith.constant 0 : i32
      %dma_start3A_163 = arith.constant 0 : i32
      %dma_start3A_164 = tpu.memref_slice %arg3[%dma_start3A_162, %dma_start3A_163] : memref<1000000x16xf32, #tpu.memory_space<hbm>> -> memref<1000000x16xf32, #tpu.memory_space<hbm>>
      tpu.enqueue_indirect_dma source(%dma_start3A_164 : memref<1000000x16xf32, #tpu.memory_space<hbm>>) target(%dma_start3A_158 : memref<128x16xf32, #tpu.memory_space<vmem>>) offsets(%dma_start3A_161 : memref<128xi32, #tpu.memory_space<vmem>>) semaphore(%arg8 : memref<!tpu.dma_semaphore, #tpu.memory_space<semaphore_mem>>)
      %mul3A_165 = arith.constant 10 : i32
      %mul3A_166 = arith.muli %scan3A_66, %mul3A_165 : i32
      %add3A_167 = arith.constant 7 : i32
      %add3A_168 = arith.addi %mul3A_166, %add3A_167 : i32
      %mul3A_169 = arith.constant 128 : i32
      %mul3A_170 = arith.muli %add3A_168, %mul3A_169 : i32
      %dma_start3A_171 = arith.constant 0 : i32
      %dma_start3A_172 = tpu.memref_slice %arg6[%mul3A_170, %dma_start3A_171] : memref<6400x16xf32, #tpu.memory_space<vmem>> -> memref<128x16xf32, #tpu.memory_space<vmem>>
      %dma_start3A_173 = arith.constant 0 : i32
      %dma_start3A_174 = tpu.memref_slice %arg5[%add3A_168, %dma_start3A_173] : memref<50x128xi32, #tpu.memory_space<vmem>> -> memref<1x128xi32, #tpu.memory_space<vmem>>
      %dma_start3A_175 = tpu.memref_squeeze %dma_start3A_174 : memref<1x128xi32, #tpu.memory_space<vmem>> -> memref<128xi32, #tpu.memory_space<vmem>>
      %dma_start3A_176 = arith.constant 0 : i32
      %dma_start3A_177 = arith.constant 0 : i32
      %dma_start3A_178 = tpu.memref_slice %arg3[%dma_start3A_176, %dma_start3A_177] : memref<1000000x16xf32, #tpu.memory_space<hbm>> -> memref<1000000x16xf32, #tpu.memory_space<hbm>>
      tpu.enqueue_indirect_dma source(%dma_start3A_178 : memref<1000000x16xf32, #tpu.memory_space<hbm>>) target(%dma_start3A_172 : memref<128x16xf32, #tpu.memory_space<vmem>>) offsets(%dma_start3A_175 : memref<128xi32, #tpu.memory_space<vmem>>) semaphore(%arg8 : memref<!tpu.dma_semaphore, #tpu.memory_space<semaphore_mem>>)
      %mul3A_179 = arith.constant 10 : i32
      %mul3A_180 = arith.muli %scan3A_66, %mul3A_179 : i32
      %add3A_181 = arith.constant 8 : i32
      %add3A_182 = arith.addi %mul3A_180, %add3A_181 : i32
      %mul3A_183 = arith.constant 128 : i32
      %mul3A_184 = arith.muli %add3A_182, %mul3A_183 : i32
      %dma_start3A_185 = arith.constant 0 : i32
      %dma_start3A_186 = tpu.memref_slice %arg6[%mul3A_184, %dma_start3A_185] : memref<6400x16xf32, #tpu.memory_space<vmem>> -> memref<128x16xf32, #tpu.memory_space<vmem>>
      %dma_start3A_187 = arith.constant 0 : i32
      %dma_start3A_188 = tpu.memref_slice %arg5[%add3A_182, %dma_start3A_187] : memref<50x128xi32, #tpu.memory_space<vmem>> -> memref<1x128xi32, #tpu.memory_space<vmem>>
      %dma_start3A_189 = tpu.memref_squeeze %dma_start3A_188 : memref<1x128xi32, #tpu.memory_space<vmem>> -> memref<128xi32, #tpu.memory_space<vmem>>
      %dma_start3A_190 = arith.constant 0 : i32
      %dma_start3A_191 = arith.constant 0 : i32
      %dma_start3A_192 = tpu.memref_slice %arg3[%dma_start3A_190, %dma_start3A_191] : memref<1000000x16xf32, #tpu.memory_space<hbm>> -> memref<1000000x16xf32, #tpu.memory_space<hbm>>
      tpu.enqueue_indirect_dma source(%dma_start3A_192 : memref<1000000x16xf32, #tpu.memory_space<hbm>>) target(%dma_start3A_186 : memref<128x16xf32, #tpu.memory_space<vmem>>) offsets(%dma_start3A_189 : memref<128xi32, #tpu.memory_space<vmem>>) semaphore(%arg8 : memref<!tpu.dma_semaphore, #tpu.memory_space<semaphore_mem>>)
      %mul3A_193 = arith.constant 10 : i32
      %mul3A_194 = arith.muli %scan3A_66, %mul3A_193 : i32
      %add3A_195 = arith.constant 9 : i32
      %add3A_196 = arith.addi %mul3A_194, %add3A_195 : i32
      %mul3A_197 = arith.constant 128 : i32
      %mul3A_198 = arith.muli %add3A_196, %mul3A_197 : i32
      %dma_start3A_199 = arith.constant 0 : i32
      %dma_start3A_200 = tpu.memref_slice %arg6[%mul3A_198, %dma_start3A_199] : memref<6400x16xf32, #tpu.memory_space<vmem>> -> memref<128x16xf32, #tpu.memory_space<vmem>>
      %dma_start3A_201 = arith.constant 0 : i32
      %dma_start3A_202 = tpu.memref_slice %arg5[%add3A_196, %dma_start3A_201] : memref<50x128xi32, #tpu.memory_space<vmem>> -> memref<1x128xi32, #tpu.memory_space<vmem>>
      %dma_start3A_203 = tpu.memref_squeeze %dma_start3A_202 : memref<1x128xi32, #tpu.memory_space<vmem>> -> memref<128xi32, #tpu.memory_space<vmem>>
      %dma_start3A_204 = arith.constant 0 : i32
      %dma_start3A_205 = arith.constant 0 : i32
      %dma_start3A_206 = tpu.memref_slice %arg3[%dma_start3A_204, %dma_start3A_205] : memref<1000000x16xf32, #tpu.memory_space<hbm>> -> memref<1000000x16xf32, #tpu.memory_space<hbm>>
      tpu.enqueue_indirect_dma source(%dma_start3A_206 : memref<1000000x16xf32, #tpu.memory_space<hbm>>) target(%dma_start3A_200 : memref<128x16xf32, #tpu.memory_space<vmem>>) offsets(%dma_start3A_203 : memref<128xi32, #tpu.memory_space<vmem>>) semaphore(%arg8 : memref<!tpu.dma_semaphore, #tpu.memory_space<semaphore_mem>>)
      %dma_wait3A = arith.constant 0 : i32
      %dma_wait3A_207 = tpu.memref_slice %arg6[%mul3A_73, %dma_wait3A] : memref<6400x16xf32, #tpu.memory_space<vmem>> -> memref<128x16xf32, #tpu.memory_space<vmem>>
      %dma_wait3A_208 = arith.constant 0 : i32
      %dma_wait3A_209 = tpu.memref_slice %arg5[%add3A_71, %dma_wait3A_208] : memref<50x128xi32, #tpu.memory_space<vmem>> -> memref<1x128xi32, #tpu.memory_space<vmem>>
      %dma_wait3A_210 = tpu.memref_squeeze %dma_wait3A_209 : memref<1x128xi32, #tpu.memory_space<vmem>> -> memref<128xi32, #tpu.memory_space<vmem>>
      %dma_wait3A_211 = arith.constant 0 : i32
      %dma_wait3A_212 = arith.constant 0 : i32
      %dma_wait3A_213 = tpu.memref_slice %arg3[%dma_wait3A_211, %dma_wait3A_212] : memref<1000000x16xf32, #tpu.memory_space<hbm>> -> memref<1000000x16xf32, #tpu.memory_space<hbm>>
      tpu.wait_indirect_dma semaphore(%arg8 : memref<!tpu.dma_semaphore, #tpu.memory_space<semaphore_mem>>) src(%dma_wait3A_213 : memref<1000000x16xf32, #tpu.memory_space<hbm>>) dst(%dma_wait3A_207 : memref<128x16xf32, #tpu.memory_space<vmem>>)
      %dma_wait3A_214 = arith.constant 0 : i32
      %dma_wait3A_215 = tpu.memref_slice %arg6[%mul3A_86, %dma_wait3A_214] : memref<6400x16xf32, #tpu.memory_space<vmem>> -> memref<128x16xf32, #tpu.memory_space<vmem>>
      %dma_wait3A_216 = arith.constant 0 : i32
      %dma_wait3A_217 = tpu.memref_slice %arg5[%add3A_84, %dma_wait3A_216] : memref<50x128xi32, #tpu.memory_space<vmem>> -> memref<1x128xi32, #tpu.memory_space<vmem>>
      %dma_wait3A_218 = tpu.memref_squeeze %dma_wait3A_217 : memref<1x128xi32, #tpu.memory_space<vmem>> -> memref<128xi32, #tpu.memory_space<vmem>>
      %dma_wait3A_219 = arith.constant 0 : i32
      %dma_wait3A_220 = arith.constant 0 : i32
      %dma_wait3A_221 = tpu.memref_slice %arg3[%dma_wait3A_219, %dma_wait3A_220] : memref<1000000x16xf32, #tpu.memory_space<hbm>> -> memref<1000000x16xf32, #tpu.memory_space<hbm>>
      tpu.wait_indirect_dma semaphore(%arg8 : memref<!tpu.dma_semaphore, #tpu.memory_space<semaphore_mem>>) src(%dma_wait3A_221 : memref<1000000x16xf32, #tpu.memory_space<hbm>>) dst(%dma_wait3A_215 : memref<128x16xf32, #tpu.memory_space<vmem>>)
      %dma_wait3A_222 = arith.constant 0 : i32
      %dma_wait3A_223 = tpu.memref_slice %arg6[%mul3A_100, %dma_wait3A_222] : memref<6400x16xf32, #tpu.memory_space<vmem>> -> memref<128x16xf32, #tpu.memory_space<vmem>>
      %dma_wait3A_224 = arith.constant 0 : i32
      %dma_wait3A_225 = tpu.memref_slice %arg5[%add3A_98, %dma_wait3A_224] : memref<50x128xi32, #tpu.memory_space<vmem>> -> memref<1x128xi32, #tpu.memory_space<vmem>>
      %dma_wait3A_226 = tpu.memref_squeeze %dma_wait3A_225 : memref<1x128xi32, #tpu.memory_space<vmem>> -> memref<128xi32, #tpu.memory_space<vmem>>
      %dma_wait3A_227 = arith.constant 0 : i32
      %dma_wait3A_228 = arith.constant 0 : i32
      %dma_wait3A_229 = tpu.memref_slice %arg3[%dma_wait3A_227, %dma_wait3A_228] : memref<1000000x16xf32, #tpu.memory_space<hbm>> -> memref<1000000x16xf32, #tpu.memory_space<hbm>>
      tpu.wait_indirect_dma semaphore(%arg8 : memref<!tpu.dma_semaphore, #tpu.memory_space<semaphore_mem>>) src(%dma_wait3A_229 : memref<1000000x16xf32, #tpu.memory_space<hbm>>) dst(%dma_wait3A_223 : memref<128x16xf32, #tpu.memory_space<vmem>>)
      %dma_wait3A_230 = arith.constant 0 : i32
      %dma_wait3A_231 = tpu.memref_slice %arg6[%mul3A_114, %dma_wait3A_230] : memref<6400x16xf32, #tpu.memory_space<vmem>> -> memref<128x16xf32, #tpu.memory_space<vmem>>
      %dma_wait3A_232 = arith.constant 0 : i32
      %dma_wait3A_233 = tpu.memref_slice %arg5[%add3A_112, %dma_wait3A_232] : memref<50x128xi32, #tpu.memory_space<vmem>> -> memref<1x128xi32, #tpu.memory_space<vmem>>
      %dma_wait3A_234 = tpu.memref_squeeze %dma_wait3A_233 : memref<1x128xi32, #tpu.memory_space<vmem>> -> memref<128xi32, #tpu.memory_space<vmem>>
      %dma_wait3A_235 = arith.constant 0 : i32
      %dma_wait3A_236 = arith.constant 0 : i32
      %dma_wait3A_237 = tpu.memref_slice %arg3[%dma_wait3A_235, %dma_wait3A_236] : memref<1000000x16xf32, #tpu.memory_space<hbm>> -> memref<1000000x16xf32, #tpu.memory_space<hbm>>
      tpu.wait_indirect_dma semaphore(%arg8 : memref<!tpu.dma_semaphore, #tpu.memory_space<semaphore_mem>>) src(%dma_wait3A_237 : memref<1000000x16xf32, #tpu.memory_space<hbm>>) dst(%dma_wait3A_231 : memref<128x16xf32, #tpu.memory_space<vmem>>)
      %dma_wait3A_238 = arith.constant 0 : i32
      %dma_wait3A_239 = tpu.memref_slice %arg6[%mul3A_128, %dma_wait3A_238] : memref<6400x16xf32, #tpu.memory_space<vmem>> -> memref<128x16xf32, #tpu.memory_space<vmem>>
      %dma_wait3A_240 = arith.constant 0 : i32
      %dma_wait3A_241 = tpu.memref_slice %arg5[%add3A_126, %dma_wait3A_240] : memref<50x128xi32, #tpu.memory_space<vmem>> -> memref<1x128xi32, #tpu.memory_space<vmem>>
      %dma_wait3A_242 = tpu.memref_squeeze %dma_wait3A_241 : memref<1x128xi32, #tpu.memory_space<vmem>> -> memref<128xi32, #tpu.memory_space<vmem>>
      %dma_wait3A_243 = arith.constant 0 : i32
      %dma_wait3A_244 = arith.constant 0 : i32
      %dma_wait3A_245 = tpu.memref_slice %arg3[%dma_wait3A_243, %dma_wait3A_244] : memref<1000000x16xf32, #tpu.memory_space<hbm>> -> memref<1000000x16xf32, #tpu.memory_space<hbm>>
      tpu.wait_indirect_dma semaphore(%arg8 : memref<!tpu.dma_semaphore, #tpu.memory_space<semaphore_mem>>) src(%dma_wait3A_245 : memref<1000000x16xf32, #tpu.memory_space<hbm>>) dst(%dma_wait3A_239 : memref<128x16xf32, #tpu.memory_space<vmem>>)
      %dma_wait3A_246 = arith.constant 0 : i32
      %dma_wait3A_247 = tpu.memref_slice %arg6[%mul3A_142, %dma_wait3A_246] : memref<6400x16xf32, #tpu.memory_space<vmem>> -> memref<128x16xf32, #tpu.memory_space<vmem>>
      %dma_wait3A_248 = arith.constant 0 : i32
      %dma_wait3A_249 = tpu.memref_slice %arg5[%add3A_140, %dma_wait3A_248] : memref<50x128xi32, #tpu.memory_space<vmem>> -> memref<1x128xi32, #tpu.memory_space<vmem>>
      %dma_wait3A_250 = tpu.memref_squeeze %dma_wait3A_249 : memref<1x128xi32, #tpu.memory_space<vmem>> -> memref<128xi32, #tpu.memory_space<vmem>>
      %dma_wait3A_251 = arith.constant 0 : i32
      %dma_wait3A_252 = arith.constant 0 : i32
      %dma_wait3A_253 = tpu.memref_slice %arg3[%dma_wait3A_251, %dma_wait3A_252] : memref<1000000x16xf32, #tpu.memory_space<hbm>> -> memref<1000000x16xf32, #tpu.memory_space<hbm>>
      tpu.wait_indirect_dma semaphore(%arg8 : memref<!tpu.dma_semaphore, #tpu.memory_space<semaphore_mem>>) src(%dma_wait3A_253 : memref<1000000x16xf32, #tpu.memory_space<hbm>>) dst(%dma_wait3A_247 : memref<128x16xf32, #tpu.memory_space<vmem>>)
      %dma_wait3A_254 = arith.constant 0 : i32
      %dma_wait3A_255 = tpu.memref_slice %arg6[%mul3A_156, %dma_wait3A_254] : memref<6400x16xf32, #tpu.memory_space<vmem>> -> memref<128x16xf32, #tpu.memory_space<vmem>>
      %dma_wait3A_256 = arith.constant 0 : i32
      %dma_wait3A_257 = tpu.memref_slice %arg5[%add3A_154, %dma_wait3A_256] : memref<50x128xi32, #tpu.memory_space<vmem>> -> memref<1x128xi32, #tpu.memory_space<vmem>>
      %dma_wait3A_258 = tpu.memref_squeeze %dma_wait3A_257 : memref<1x128xi32, #tpu.memory_space<vmem>> -> memref<128xi32, #tpu.memory_space<vmem>>
      %dma_wait3A_259 = arith.constant 0 : i32
      %dma_wait3A_260 = arith.constant 0 : i32
      %dma_wait3A_261 = tpu.memref_slice %arg3[%dma_wait3A_259, %dma_wait3A_260] : memref<1000000x16xf32, #tpu.memory_space<hbm>> -> memref<1000000x16xf32, #tpu.memory_space<hbm>>
      tpu.wait_indirect_dma semaphore(%arg8 : memref<!tpu.dma_semaphore, #tpu.memory_space<semaphore_mem>>) src(%dma_wait3A_261 : memref<1000000x16xf32, #tpu.memory_space<hbm>>) dst(%dma_wait3A_255 : memref<128x16xf32, #tpu.memory_space<vmem>>)
      %dma_wait3A_262 = arith.constant 0 : i32
      %dma_wait3A_263 = tpu.memref_slice %arg6[%mul3A_170, %dma_wait3A_262] : memref<6400x16xf32, #tpu.memory_space<vmem>> -> memref<128x16xf32, #tpu.memory_space<vmem>>
      %dma_wait3A_264 = arith.constant 0 : i32
      %dma_wait3A_265 = tpu.memref_slice %arg5[%add3A_168, %dma_wait3A_264] : memref<50x128xi32, #tpu.memory_space<vmem>> -> memref<1x128xi32, #tpu.memory_space<vmem>>
      %dma_wait3A_266 = tpu.memref_squeeze %dma_wait3A_265 : memref<1x128xi32, #tpu.memory_space<vmem>> -> memref<128xi32, #tpu.memory_space<vmem>>
      %dma_wait3A_267 = arith.constant 0 : i32
      %dma_wait3A_268 = arith.constant 0 : i32
      %dma_wait3A_269 = tpu.memref_slice %arg3[%dma_wait3A_267, %dma_wait3A_268] : memref<1000000x16xf32, #tpu.memory_space<hbm>> -> memref<1000000x16xf32, #tpu.memory_space<hbm>>
      tpu.wait_indirect_dma semaphore(%arg8 : memref<!tpu.dma_semaphore, #tpu.memory_space<semaphore_mem>>) src(%dma_wait3A_269 : memref<1000000x16xf32, #tpu.memory_space<hbm>>) dst(%dma_wait3A_263 : memref<128x16xf32, #tpu.memory_space<vmem>>)
      %dma_wait3A_270 = arith.constant 0 : i32
      %dma_wait3A_271 = tpu.memref_slice %arg6[%mul3A_184, %dma_wait3A_270] : memref<6400x16xf32, #tpu.memory_space<vmem>> -> memref<128x16xf32, #tpu.memory_space<vmem>>
      %dma_wait3A_272 = arith.constant 0 : i32
      %dma_wait3A_273 = tpu.memref_slice %arg5[%add3A_182, %dma_wait3A_272] : memref<50x128xi32, #tpu.memory_space<vmem>> -> memref<1x128xi32, #tpu.memory_space<vmem>>
      %dma_wait3A_274 = tpu.memref_squeeze %dma_wait3A_273 : memref<1x128xi32, #tpu.memory_space<vmem>> -> memref<128xi32, #tpu.memory_space<vmem>>
      %dma_wait3A_275 = arith.constant 0 : i32
      %dma_wait3A_276 = arith.constant 0 : i32
      %dma_wait3A_277 = tpu.memref_slice %arg3[%dma_wait3A_275, %dma_wait3A_276] : memref<1000000x16xf32, #tpu.memory_space<hbm>> -> memref<1000000x16xf32, #tpu.memory_space<hbm>>
      tpu.wait_indirect_dma semaphore(%arg8 : memref<!tpu.dma_semaphore, #tpu.memory_space<semaphore_mem>>) src(%dma_wait3A_277 : memref<1000000x16xf32, #tpu.memory_space<hbm>>) dst(%dma_wait3A_271 : memref<128x16xf32, #tpu.memory_space<vmem>>)
      %dma_wait3A_278 = arith.constant 0 : i32
      %dma_wait3A_279 = tpu.memref_slice %arg6[%mul3A_198, %dma_wait3A_278] : memref<6400x16xf32, #tpu.memory_space<vmem>> -> memref<128x16xf32, #tpu.memory_space<vmem>>
      %dma_wait3A_280 = arith.constant 0 : i32
      %dma_wait3A_281 = tpu.memref_slice %arg5[%add3A_196, %dma_wait3A_280] : memref<50x128xi32, #tpu.memory_space<vmem>> -> memref<1x128xi32, #tpu.memory_space<vmem>>
      %dma_wait3A_282 = tpu.memref_squeeze %dma_wait3A_281 : memref<1x128xi32, #tpu.memory_space<vmem>> -> memref<128xi32, #tpu.memory_space<vmem>>
      %dma_wait3A_283 = arith.constant 0 : i32
      %dma_wait3A_284 = arith.constant 0 : i32
      %dma_wait3A_285 = tpu.memref_slice %arg3[%dma_wait3A_283, %dma_wait3A_284] : memref<1000000x16xf32, #tpu.memory_space<hbm>> -> memref<1000000x16xf32, #tpu.memory_space<hbm>>
      tpu.wait_indirect_dma semaphore(%arg8 : memref<!tpu.dma_semaphore, #tpu.memory_space<semaphore_mem>>) src(%dma_wait3A_285 : memref<1000000x16xf32, #tpu.memory_space<hbm>>) dst(%dma_wait3A_279 : memref<128x16xf32, #tpu.memory_space<vmem>>)
      %scan3A_286 = arith.constant 0 : i32
      scf.yield %scan3A_286 : i32
    }
    %scan3A_26 = arith.constant 5 : i32
    %scan3A_27 = arith.constant 0 : i32
    %scan3A_28 = arith.constant 0 : i32
    %scan3A_29 = arith.constant 16 : i32
    %scan3A_30 = arith.addi %scan3A_28, %scan3A_29 : i32
    %scan3A_31 = arith.constant 1 : i32
    %scan3A_32 = scf.for %scan3A_66 = %scan3A_28 to %scan3A_30 step %scan3A_31 iter_args(%scan3A_67 = %scan3A_27) -> (i32)  : i32 {
      %mul3A_68 = arith.constant 8 : i32
      %mul3A_69 = arith.muli %scan3A_66, %mul3A_68 : i32
      %broadcast_in_dim3A = arith.constant 0.000000e+00 : f32
      %broadcast_in_dim3A_70 = vector.broadcast %broadcast_in_dim3A : f32 to vector<16xf32>
      %scan3A_71 = arith.constant 0 : i32
      %scan3A_72 = arith.constant 50 : i32
      %scan3A_73 = arith.addi %scan3A_71, %scan3A_72 : i32
      %scan3A_74 = arith.constant 1 : i32
      %scan3A_75:8 = scf.for %scan3A_133 = %scan3A_71 to %scan3A_73 step %scan3A_74 iter_args(%scan3A_134 = %broadcast_in_dim3A_70, %scan3A_135 = %broadcast_in_dim3A_70, %scan3A_136 = %broadcast_in_dim3A_70, %scan3A_137 = %broadcast_in_dim3A_70, %scan3A_138 = %broadcast_in_dim3A_70, %scan3A_139 = %broadcast_in_dim3A_70, %scan3A_140 = %broadcast_in_dim3A_70, %scan3A_141 = %broadcast_in_dim3A_70) -> (vector<16xf32>, vector<16xf32>, vector<16xf32>, vector<16xf32>, vector<16xf32>, vector<16xf32>, vector<16xf32>, vector<16xf32>)  : i32 {
        %mul3A_142 = arith.constant 128 : i32
        %mul3A_143 = arith.muli %scan3A_133, %mul3A_142 : i32
        %add3A_144 = arith.addi %mul3A_143, %mul3A_69 : i32
        %add3A_145 = arith.constant 0 : i32
        %add3A_146 = arith.addi %add3A_144, %add3A_145 : i32
        %get3A = arith.index_cast %add3A_146 : i32 to index
        %get3A_147 = arith.constant 0 : index
        %get3A_148 = tpu.vector_load %arg6[%get3A, %get3A_147] {strides = array<i32>} : memref<6400x16xf32, #tpu.memory_space<vmem>>, vector<1x16xf32>,
        %get3A_149 = vector.shape_cast %get3A_148 : vector<1x16xf32> to vector<16xf32>
        %add3A_150 = arith.addf %scan3A_134, %get3A_149 : vector<16xf32>
        %add3A_151 = arith.constant 1 : i32
        %add3A_152 = arith.addi %add3A_144, %add3A_151 : i32
        %get3A_153 = arith.index_cast %add3A_152 : i32 to index
        %get3A_154 = arith.constant 0 : index
        %get3A_155 = tpu.vector_load %arg6[%get3A_153, %get3A_154] {strides = array<i32>} : memref<6400x16xf32, #tpu.memory_space<vmem>>, vector<1x16xf32>,
        %get3A_156 = vector.shape_cast %get3A_155 : vector<1x16xf32> to vector<16xf32>
        %add3A_157 = arith.addf %scan3A_135, %get3A_156 : vector<16xf32>
        %add3A_158 = arith.constant 2 : i32
        %add3A_159 = arith.addi %add3A_144, %add3A_158 : i32
        %get3A_160 = arith.index_cast %add3A_159 : i32 to index
        %get3A_161 = arith.constant 0 : index
        %get3A_162 = tpu.vector_load %arg6[%get3A_160, %get3A_161] {strides = array<i32>} : memref<6400x16xf32, #tpu.memory_space<vmem>>, vector<1x16xf32>,
        %get3A_163 = vector.shape_cast %get3A_162 : vector<1x16xf32> to vector<16xf32>
        %add3A_164 = arith.addf %scan3A_136, %get3A_163 : vector<16xf32>
        %add3A_165 = arith.constant 3 : i32
        %add3A_166 = arith.addi %add3A_144, %add3A_165 : i32
        %get3A_167 = arith.index_cast %add3A_166 : i32 to index
        %get3A_168 = arith.constant 0 : index
        %get3A_169 = tpu.vector_load %arg6[%get3A_167, %get3A_168] {strides = array<i32>} : memref<6400x16xf32, #tpu.memory_space<vmem>>, vector<1x16xf32>,
        %get3A_170 = vector.shape_cast %get3A_169 : vector<1x16xf32> to vector<16xf32>
        %add3A_171 = arith.addf %scan3A_137, %get3A_170 : vector<16xf32>
        %add3A_172 = arith.constant 4 : i32
        %add3A_173 = arith.addi %add3A_144, %add3A_172 : i32
        %get3A_174 = arith.index_cast %add3A_173 : i32 to index
        %get3A_175 = arith.constant 0 : index
        %get3A_176 = tpu.vector_load %arg6[%get3A_174, %get3A_175] {strides = array<i32>} : memref<6400x16xf32, #tpu.memory_space<vmem>>, vector<1x16xf32>,
        %get3A_177 = vector.shape_cast %get3A_176 : vector<1x16xf32> to vector<16xf32>
        %add3A_178 = arith.addf %scan3A_138, %get3A_177 : vector<16xf32>
        %add3A_179 = arith.constant 5 : i32
        %add3A_180 = arith.addi %add3A_144, %add3A_179 : i32
        %get3A_181 = arith.index_cast %add3A_180 : i32 to index
        %get3A_182 = arith.constant 0 : index
        %get3A_183 = tpu.vector_load %arg6[%get3A_181, %get3A_182] {strides = array<i32>} : memref<6400x16xf32, #tpu.memory_space<vmem>>, vector<1x16xf32>,
        %get3A_184 = vector.shape_cast %get3A_183 : vector<1x16xf32> to vector<16xf32>
        %add3A_185 = arith.addf %scan3A_139, %get3A_184 : vector<16xf32>
        %add3A_186 = arith.constant 6 : i32
        %add3A_187 = arith.addi %add3A_144, %add3A_186 : i32
        %get3A_188 = arith.index_cast %add3A_187 : i32 to index
        %get3A_189 = arith.constant 0 : index
        %get3A_190 = tpu.vector_load %arg6[%get3A_188, %get3A_189] {strides = array<i32>} : memref<6400x16xf32, #tpu.memory_space<vmem>>, vector<1x16xf32>,
        %get3A_191 = vector.shape_cast %get3A_190 : vector<1x16xf32> to vector<16xf32>
        %add3A_192 = arith.addf %scan3A_140, %get3A_191 : vector<16xf32>
        %add3A_193 = arith.constant 7 : i32
        %add3A_194 = arith.addi %add3A_144, %add3A_193 : i32
        %get3A_195 = arith.index_cast %add3A_194 : i32 to index
        %get3A_196 = arith.constant 0 : index
        %get3A_197 = tpu.vector_load %arg6[%get3A_195, %get3A_196] {strides = array<i32>} : memref<6400x16xf32, #tpu.memory_space<vmem>>, vector<1x16xf32>,
        %get3A_198 = vector.shape_cast %get3A_197 : vector<1x16xf32> to vector<16xf32>
        %add3A_199 = arith.addf %scan3A_141, %get3A_198 : vector<16xf32>
        scf.yield %add3A_150, %add3A_157, %add3A_164, %add3A_171, %add3A_178, %add3A_185, %add3A_192, %add3A_199 : vector<16xf32>, vector<16xf32>, vector<16xf32>, vector<16xf32>, vector<16xf32>, vector<16xf32>, vector<16xf32>, vector<16xf32>
      }
      %scan3A_76 = arith.constant 50 : i32
      %add3A_77 = arith.constant 0 : i32
      %add3A_78 = arith.addi %mul3A_69, %add3A_77 : i32
      %swap3A = arith.index_cast %add3A_78 : i32 to index
      %swap3A_79 = arith.constant 0 : index
      %swap3A_80 = tpu.vector_load %arg7[%swap3A, %swap3A_79] {strides = array<i32>} : memref<128x16xf32, #tpu.memory_space<vmem>>, vector<1x16xf32>,
      %swap3A_81 = vector.shape_cast %swap3A_80 : vector<1x16xf32> to vector<16xf32>
      %swap3A_82 = vector.shape_cast %scan3A_75#0 : vector<16xf32> to vector<1x16xf32>
      tpu.vector_store %arg7[%swap3A, %swap3A_79], %swap3A_82 {strides = array<i32>} : memref<128x16xf32, #tpu.memory_space<vmem>>, vector<1x16xf32>,
      %add3A_83 = arith.constant 1 : i32
      %add3A_84 = arith.addi %mul3A_69, %add3A_83 : i32
      %swap3A_85 = arith.index_cast %add3A_84 : i32 to index
      %swap3A_86 = arith.constant 0 : index
      %swap3A_87 = tpu.vector_load %arg7[%swap3A_85, %swap3A_86] {strides = array<i32>} : memref<128x16xf32, #tpu.memory_space<vmem>>, vector<1x16xf32>,
      %swap3A_88 = vector.shape_cast %swap3A_87 : vector<1x16xf32> to vector<16xf32>
      %swap3A_89 = vector.shape_cast %scan3A_75#1 : vector<16xf32> to vector<1x16xf32>
      tpu.vector_store %arg7[%swap3A_85, %swap3A_86], %swap3A_89 {strides = array<i32>} : memref<128x16xf32, #tpu.memory_space<vmem>>, vector<1x16xf32>,
      %add3A_90 = arith.constant 2 : i32
      %add3A_91 = arith.addi %mul3A_69, %add3A_90 : i32
      %swap3A_92 = arith.index_cast %add3A_91 : i32 to index
      %swap3A_93 = arith.constant 0 : index
      %swap3A_94 = tpu.vector_load %arg7[%swap3A_92, %swap3A_93] {strides = array<i32>} : memref<128x16xf32, #tpu.memory_space<vmem>>, vector<1x16xf32>,
      %swap3A_95 = vector.shape_cast %swap3A_94 : vector<1x16xf32> to vector<16xf32>
      %swap3A_96 = vector.shape_cast %scan3A_75#2 : vector<16xf32> to vector<1x16xf32>
      tpu.vector_store %arg7[%swap3A_92, %swap3A_93], %swap3A_96 {strides = array<i32>} : memref<128x16xf32, #tpu.memory_space<vmem>>, vector<1x16xf32>,
      %add3A_97 = arith.constant 3 : i32
      %add3A_98 = arith.addi %mul3A_69, %add3A_97 : i32
      %swap3A_99 = arith.index_cast %add3A_98 : i32 to index
      %swap3A_100 = arith.constant 0 : index
      %swap3A_101 = tpu.vector_load %arg7[%swap3A_99, %swap3A_100] {strides = array<i32>} : memref<128x16xf32, #tpu.memory_space<vmem>>, vector<1x16xf32>,
      %swap3A_102 = vector.shape_cast %swap3A_101 : vector<1x16xf32> to vector<16xf32>
      %swap3A_103 = vector.shape_cast %scan3A_75#3 : vector<16xf32> to vector<1x16xf32>
      tpu.vector_store %arg7[%swap3A_99, %swap3A_100], %swap3A_103 {strides = array<i32>} : memref<128x16xf32, #tpu.memory_space<vmem>>, vector<1x16xf32>,
      %add3A_104 = arith.constant 4 : i32
      %add3A_105 = arith.addi %mul3A_69, %add3A_104 : i32
      %swap3A_106 = arith.index_cast %add3A_105 : i32 to index
      %swap3A_107 = arith.constant 0 : index
      %swap3A_108 = tpu.vector_load %arg7[%swap3A_106, %swap3A_107] {strides = array<i32>} : memref<128x16xf32, #tpu.memory_space<vmem>>, vector<1x16xf32>,
      %swap3A_109 = vector.shape_cast %swap3A_108 : vector<1x16xf32> to vector<16xf32>
      %swap3A_110 = vector.shape_cast %scan3A_75#4 : vector<16xf32> to vector<1x16xf32>
      tpu.vector_store %arg7[%swap3A_106, %swap3A_107], %swap3A_110 {strides = array<i32>} : memref<128x16xf32, #tpu.memory_space<vmem>>, vector<1x16xf32>,
      %add3A_111 = arith.constant 5 : i32
      %add3A_112 = arith.addi %mul3A_69, %add3A_111 : i32
      %swap3A_113 = arith.index_cast %add3A_112 : i32 to index
      %swap3A_114 = arith.constant 0 : index
      %swap3A_115 = tpu.vector_load %arg7[%swap3A_113, %swap3A_114] {strides = array<i32>} : memref<128x16xf32, #tpu.memory_space<vmem>>, vector<1x16xf32>,
      %swap3A_116 = vector.shape_cast %swap3A_115 : vector<1x16xf32> to vector<16xf32>
      %swap3A_117 = vector.shape_cast %scan3A_75#5 : vector<16xf32> to vector<1x16xf32>
      tpu.vector_store %arg7[%swap3A_113, %swap3A_114], %swap3A_117 {strides = array<i32>} : memref<128x16xf32, #tpu.memory_space<vmem>>, vector<1x16xf32>,
      %add3A_118 = arith.constant 6 : i32
      %add3A_119 = arith.addi %mul3A_69, %add3A_118 : i32
      %swap3A_120 = arith.index_cast %add3A_119 : i32 to index
      %swap3A_121 = arith.constant 0 : index
      %swap3A_122 = tpu.vector_load %arg7[%swap3A_120, %swap3A_121] {strides = array<i32>} : memref<128x16xf32, #tpu.memory_space<vmem>>, vector<1x16xf32>,
      %swap3A_123 = vector.shape_cast %swap3A_122 : vector<1x16xf32> to vector<16xf32>
      %swap3A_124 = vector.shape_cast %scan3A_75#6 : vector<16xf32> to vector<1x16xf32>
      tpu.vector_store %arg7[%swap3A_120, %swap3A_121], %swap3A_124 {strides = array<i32>} : memref<128x16xf32, #tpu.memory_space<vmem>>, vector<1x16xf32>,
      %add3A_125 = arith.constant 7 : i32
      %add3A_126 = arith.addi %mul3A_69, %add3A_125 : i32
      %swap3A_127 = arith.index_cast %add3A_126 : i32 to index
      %swap3A_128 = arith.constant 0 : index
      %swap3A_129 = tpu.vector_load %arg7[%swap3A_127, %swap3A_128] {strides = array<i32>} : memref<128x16xf32, #tpu.memory_space<vmem>>, vector<1x16xf32>,
      %swap3A_130 = vector.shape_cast %swap3A_129 : vector<1x16xf32> to vector<16xf32>
      %swap3A_131 = vector.shape_cast %scan3A_75#7 : vector<16xf32> to vector<1x16xf32>
      tpu.vector_store %arg7[%swap3A_127, %swap3A_128], %swap3A_131 {strides = array<i32>} : memref<128x16xf32, #tpu.memory_space<vmem>>, vector<1x16xf32>,
      %scan3A_132 = arith.constant 0 : i32
      scf.yield %scan3A_132 : i32
    }
    %scan3A_33 = arith.constant 16 : i32
    "tpu.region"() ({
      %run_scoped3A = tpu.sem_alloc : memref<!tpu.dma_semaphore, #tpu.memory_space<semaphore_mem>>
      %dma_start3A = arith.constant 0 : i32
      %dma_start3A_66 = tpu.memref_slice %arg4[%add3A_19, %dma_start3A] : memref<16384x16xf32, #tpu.memory_space<hbm>> -> memref<128x16xf32, #tpu.memory_space<hbm>>
      %dma_start3A_67 = arith.constant 0 : i32
      %dma_start3A_68 = tpu.memref_slice %arg4[%add3A_19, %dma_start3A_67] : memref<16384x16xf32, #tpu.memory_space<hbm>> -> memref<128x16xf32, #tpu.memory_space<hbm>>
      tpu.enqueue_dma source(%arg7 : memref<128x16xf32, #tpu.memory_space<vmem>>) target(%dma_start3A_68 : memref<128x16xf32, #tpu.memory_space<hbm>>) target_semaphore(%run_scoped3A : memref<!tpu.dma_semaphore, #tpu.memory_space<semaphore_mem>>)
      %dma_wait3A = arith.constant 0 : i32
      %dma_wait3A_69 = tpu.memref_slice %arg4[%add3A_19, %dma_wait3A] : memref<16384x16xf32, #tpu.memory_space<hbm>> -> memref<128x16xf32, #tpu.memory_space<hbm>>
      %dma_wait3A_70 = arith.constant 0 : i32
      %dma_wait3A_71 = tpu.memref_slice %arg4[%add3A_19, %dma_wait3A_70] : memref<16384x16xf32, #tpu.memory_space<hbm>> -> memref<128x16xf32, #tpu.memory_space<hbm>>
      tpu.wait_dma2 semaphore(%run_scoped3A : memref<!tpu.dma_semaphore, #tpu.memory_space<semaphore_mem>>) src(%arg7 : memref<128x16xf32, #tpu.memory_space<vmem>>) dst(%dma_wait3A_71 : memref<128x16xf32, #tpu.memory_space<hbm>>)
      tpu.yield
    }) : () -> ()
    %add3A_34 = arith.constant 256 : i32
    %add3A_35 = arith.addi %mul3A_2, %add3A_34 : i32
    "tpu.region"() ({
      %run_scoped3A = tpu.sem_alloc : memref<!tpu.dma_semaphore, #tpu.memory_space<semaphore_mem>>
      %dma_start3A = arith.constant 0 : i32
      %dma_start3A_66 = tpu.memref_slice %arg2[%dma_start3A, %add3A_35] : memref<50x16384xi32, #tpu.memory_space<hbm>> -> memref<50x128xi32, #tpu.memory_space<hbm>>
      %dma_start3A_67 = arith.constant 0 : i32
      %dma_start3A_68 = tpu.memref_slice %arg2[%dma_start3A_67, %add3A_35] : memref<50x16384xi32, #tpu.memory_space<hbm>> -> memref<50x128xi32, #tpu.memory_space<hbm>>
      tpu.enqueue_dma source(%dma_start3A_68 : memref<50x128xi32, #tpu.memory_space<hbm>>) target(%arg5 : memref<50x128xi32, #tpu.memory_space<vmem>>) target_semaphore(%run_scoped3A : memref<!tpu.dma_semaphore, #tpu.memory_space<semaphore_mem>>)
      %dma_wait3A = arith.constant 0 : i32
      %dma_wait3A_69 = tpu.memref_slice %arg2[%dma_wait3A, %add3A_35] : memref<50x16384xi32, #tpu.memory_space<hbm>> -> memref<50x128xi32, #tpu.memory_space<hbm>>
      %dma_wait3A_70 = arith.constant 0 : i32
      %dma_wait3A_71 = tpu.memref_slice %arg2[%dma_wait3A_70, %add3A_35] : memref<50x16384xi32, #tpu.memory_space<hbm>> -> memref<50x128xi32, #tpu.memory_space<hbm>>
      tpu.wait_dma2 semaphore(%run_scoped3A : memref<!tpu.dma_semaphore, #tpu.memory_space<semaphore_mem>>) src(%dma_wait3A_71 : memref<50x128xi32, #tpu.memory_space<hbm>>) dst(%arg5 : memref<50x128xi32, #tpu.memory_space<vmem>>)
      tpu.yield
    }) : () -> ()
    %scan3A_36 = arith.constant 0 : i32
    %scan3A_37 = arith.constant 0 : i32
    %scan3A_38 = arith.constant 5 : i32
    %scan3A_39 = arith.addi %scan3A_37, %scan3A_38 : i32
    %scan3A_40 = arith.constant 1 : i32
    %scan3A_41 = scf.for %scan3A_66 = %scan3A_37 to %scan3A_39 step %scan3A_40 iter_args(%scan3A_67 = %scan3A_36) -> (i32)  : i32 {
      %mul3A_68 = arith.constant 10 : i32
      %mul3A_69 = arith.muli %scan3A_66, %mul3A_68 : i32
      %add3A_70 = arith.constant 0 : i32
      %add3A_71 = arith.addi %mul3A_69, %add3A_70 : i32
      %mul3A_72 = arith.constant 128 : i32
      %mul3A_73 = arith.muli %add3A_71, %mul3A_72 : i32
      %dma_start3A = arith.constant 0 : i32
      %dma_start3A_74 = tpu.memref_slice %arg6[%mul3A_73, %dma_start3A] : memref<6400x16xf32, #tpu.memory_space<vmem>> -> memref<128x16xf32, #tpu.memory_space<vmem>>
      %dma_start3A_75 = arith.constant 0 : i32
      %dma_start3A_76 = tpu.memref_slice %arg5[%add3A_71, %dma_start3A_75] : memref<50x128xi32, #tpu.memory_space<vmem>> -> memref<1x128xi32, #tpu.memory_space<vmem>>
      %dma_start3A_77 = tpu.memref_squeeze %dma_start3A_76 : memref<1x128xi32, #tpu.memory_space<vmem>> -> memref<128xi32, #tpu.memory_space<vmem>>
      %dma_start3A_78 = arith.constant 0 : i32
      %dma_start3A_79 = arith.constant 0 : i32
      %dma_start3A_80 = tpu.memref_slice %arg3[%dma_start3A_78, %dma_start3A_79] : memref<1000000x16xf32, #tpu.memory_space<hbm>> -> memref<1000000x16xf32, #tpu.memory_space<hbm>>
      tpu.enqueue_indirect_dma source(%dma_start3A_80 : memref<1000000x16xf32, #tpu.memory_space<hbm>>) target(%dma_start3A_74 : memref<128x16xf32, #tpu.memory_space<vmem>>) offsets(%dma_start3A_77 : memref<128xi32, #tpu.memory_space<vmem>>) semaphore(%arg8 : memref<!tpu.dma_semaphore, #tpu.memory_space<semaphore_mem>>)
      %mul3A_81 = arith.constant 10 : i32
      %mul3A_82 = arith.muli %scan3A_66, %mul3A_81 : i32
      %add3A_83 = arith.constant 1 : i32
      %add3A_84 = arith.addi %mul3A_82, %add3A_83 : i32
      %mul3A_85 = arith.constant 128 : i32
      %mul3A_86 = arith.muli %add3A_84, %mul3A_85 : i32
      %dma_start3A_87 = arith.constant 0 : i32
      %dma_start3A_88 = tpu.memref_slice %arg6[%mul3A_86, %dma_start3A_87] : memref<6400x16xf32, #tpu.memory_space<vmem>> -> memref<128x16xf32, #tpu.memory_space<vmem>>
      %dma_start3A_89 = arith.constant 0 : i32
      %dma_start3A_90 = tpu.memref_slice %arg5[%add3A_84, %dma_start3A_89] : memref<50x128xi32, #tpu.memory_space<vmem>> -> memref<1x128xi32, #tpu.memory_space<vmem>>
      %dma_start3A_91 = tpu.memref_squeeze %dma_start3A_90 : memref<1x128xi32, #tpu.memory_space<vmem>> -> memref<128xi32, #tpu.memory_space<vmem>>
      %dma_start3A_92 = arith.constant 0 : i32
      %dma_start3A_93 = arith.constant 0 : i32
      %dma_start3A_94 = tpu.memref_slice %arg3[%dma_start3A_92, %dma_start3A_93] : memref<1000000x16xf32, #tpu.memory_space<hbm>> -> memref<1000000x16xf32, #tpu.memory_space<hbm>>
      tpu.enqueue_indirect_dma source(%dma_start3A_94 : memref<1000000x16xf32, #tpu.memory_space<hbm>>) target(%dma_start3A_88 : memref<128x16xf32, #tpu.memory_space<vmem>>) offsets(%dma_start3A_91 : memref<128xi32, #tpu.memory_space<vmem>>) semaphore(%arg8 : memref<!tpu.dma_semaphore, #tpu.memory_space<semaphore_mem>>)
      %mul3A_95 = arith.constant 10 : i32
      %mul3A_96 = arith.muli %scan3A_66, %mul3A_95 : i32
      %add3A_97 = arith.constant 2 : i32
      %add3A_98 = arith.addi %mul3A_96, %add3A_97 : i32
      %mul3A_99 = arith.constant 128 : i32
      %mul3A_100 = arith.muli %add3A_98, %mul3A_99 : i32
      %dma_start3A_101 = arith.constant 0 : i32
      %dma_start3A_102 = tpu.memref_slice %arg6[%mul3A_100, %dma_start3A_101] : memref<6400x16xf32, #tpu.memory_space<vmem>> -> memref<128x16xf32, #tpu.memory_space<vmem>>
      %dma_start3A_103 = arith.constant 0 : i32
      %dma_start3A_104 = tpu.memref_slice %arg5[%add3A_98, %dma_start3A_103] : memref<50x128xi32, #tpu.memory_space<vmem>> -> memref<1x128xi32, #tpu.memory_space<vmem>>
      %dma_start3A_105 = tpu.memref_squeeze %dma_start3A_104 : memref<1x128xi32, #tpu.memory_space<vmem>> -> memref<128xi32, #tpu.memory_space<vmem>>
      %dma_start3A_106 = arith.constant 0 : i32
      %dma_start3A_107 = arith.constant 0 : i32
      %dma_start3A_108 = tpu.memref_slice %arg3[%dma_start3A_106, %dma_start3A_107] : memref<1000000x16xf32, #tpu.memory_space<hbm>> -> memref<1000000x16xf32, #tpu.memory_space<hbm>>
      tpu.enqueue_indirect_dma source(%dma_start3A_108 : memref<1000000x16xf32, #tpu.memory_space<hbm>>) target(%dma_start3A_102 : memref<128x16xf32, #tpu.memory_space<vmem>>) offsets(%dma_start3A_105 : memref<128xi32, #tpu.memory_space<vmem>>) semaphore(%arg8 : memref<!tpu.dma_semaphore, #tpu.memory_space<semaphore_mem>>)
      %mul3A_109 = arith.constant 10 : i32
      %mul3A_110 = arith.muli %scan3A_66, %mul3A_109 : i32
      %add3A_111 = arith.constant 3 : i32
      %add3A_112 = arith.addi %mul3A_110, %add3A_111 : i32
      %mul3A_113 = arith.constant 128 : i32
      %mul3A_114 = arith.muli %add3A_112, %mul3A_113 : i32
      %dma_start3A_115 = arith.constant 0 : i32
      %dma_start3A_116 = tpu.memref_slice %arg6[%mul3A_114, %dma_start3A_115] : memref<6400x16xf32, #tpu.memory_space<vmem>> -> memref<128x16xf32, #tpu.memory_space<vmem>>
      %dma_start3A_117 = arith.constant 0 : i32
      %dma_start3A_118 = tpu.memref_slice %arg5[%add3A_112, %dma_start3A_117] : memref<50x128xi32, #tpu.memory_space<vmem>> -> memref<1x128xi32, #tpu.memory_space<vmem>>
      %dma_start3A_119 = tpu.memref_squeeze %dma_start3A_118 : memref<1x128xi32, #tpu.memory_space<vmem>> -> memref<128xi32, #tpu.memory_space<vmem>>
      %dma_start3A_120 = arith.constant 0 : i32
      %dma_start3A_121 = arith.constant 0 : i32
      %dma_start3A_122 = tpu.memref_slice %arg3[%dma_start3A_120, %dma_start3A_121] : memref<1000000x16xf32, #tpu.memory_space<hbm>> -> memref<1000000x16xf32, #tpu.memory_space<hbm>>
      tpu.enqueue_indirect_dma source(%dma_start3A_122 : memref<1000000x16xf32, #tpu.memory_space<hbm>>) target(%dma_start3A_116 : memref<128x16xf32, #tpu.memory_space<vmem>>) offsets(%dma_start3A_119 : memref<128xi32, #tpu.memory_space<vmem>>) semaphore(%arg8 : memref<!tpu.dma_semaphore, #tpu.memory_space<semaphore_mem>>)
      %mul3A_123 = arith.constant 10 : i32
      %mul3A_124 = arith.muli %scan3A_66, %mul3A_123 : i32
      %add3A_125 = arith.constant 4 : i32
      %add3A_126 = arith.addi %mul3A_124, %add3A_125 : i32
      %mul3A_127 = arith.constant 128 : i32
      %mul3A_128 = arith.muli %add3A_126, %mul3A_127 : i32
      %dma_start3A_129 = arith.constant 0 : i32
      %dma_start3A_130 = tpu.memref_slice %arg6[%mul3A_128, %dma_start3A_129] : memref<6400x16xf32, #tpu.memory_space<vmem>> -> memref<128x16xf32, #tpu.memory_space<vmem>>
      %dma_start3A_131 = arith.constant 0 : i32
      %dma_start3A_132 = tpu.memref_slice %arg5[%add3A_126, %dma_start3A_131] : memref<50x128xi32, #tpu.memory_space<vmem>> -> memref<1x128xi32, #tpu.memory_space<vmem>>
      %dma_start3A_133 = tpu.memref_squeeze %dma_start3A_132 : memref<1x128xi32, #tpu.memory_space<vmem>> -> memref<128xi32, #tpu.memory_space<vmem>>
      %dma_start3A_134 = arith.constant 0 : i32
      %dma_start3A_135 = arith.constant 0 : i32
      %dma_start3A_136 = tpu.memref_slice %arg3[%dma_start3A_134, %dma_start3A_135] : memref<1000000x16xf32, #tpu.memory_space<hbm>> -> memref<1000000x16xf32, #tpu.memory_space<hbm>>
      tpu.enqueue_indirect_dma source(%dma_start3A_136 : memref<1000000x16xf32, #tpu.memory_space<hbm>>) target(%dma_start3A_130 : memref<128x16xf32, #tpu.memory_space<vmem>>) offsets(%dma_start3A_133 : memref<128xi32, #tpu.memory_space<vmem>>) semaphore(%arg8 : memref<!tpu.dma_semaphore, #tpu.memory_space<semaphore_mem>>)
      %mul3A_137 = arith.constant 10 : i32
      %mul3A_138 = arith.muli %scan3A_66, %mul3A_137 : i32
      %add3A_139 = arith.constant 5 : i32
      %add3A_140 = arith.addi %mul3A_138, %add3A_139 : i32
      %mul3A_141 = arith.constant 128 : i32
      %mul3A_142 = arith.muli %add3A_140, %mul3A_141 : i32
      %dma_start3A_143 = arith.constant 0 : i32
      %dma_start3A_144 = tpu.memref_slice %arg6[%mul3A_142, %dma_start3A_143] : memref<6400x16xf32, #tpu.memory_space<vmem>> -> memref<128x16xf32, #tpu.memory_space<vmem>>
      %dma_start3A_145 = arith.constant 0 : i32
      %dma_start3A_146 = tpu.memref_slice %arg5[%add3A_140, %dma_start3A_145] : memref<50x128xi32, #tpu.memory_space<vmem>> -> memref<1x128xi32, #tpu.memory_space<vmem>>
      %dma_start3A_147 = tpu.memref_squeeze %dma_start3A_146 : memref<1x128xi32, #tpu.memory_space<vmem>> -> memref<128xi32, #tpu.memory_space<vmem>>
      %dma_start3A_148 = arith.constant 0 : i32
      %dma_start3A_149 = arith.constant 0 : i32
      %dma_start3A_150 = tpu.memref_slice %arg3[%dma_start3A_148, %dma_start3A_149] : memref<1000000x16xf32, #tpu.memory_space<hbm>> -> memref<1000000x16xf32, #tpu.memory_space<hbm>>
      tpu.enqueue_indirect_dma source(%dma_start3A_150 : memref<1000000x16xf32, #tpu.memory_space<hbm>>) target(%dma_start3A_144 : memref<128x16xf32, #tpu.memory_space<vmem>>) offsets(%dma_start3A_147 : memref<128xi32, #tpu.memory_space<vmem>>) semaphore(%arg8 : memref<!tpu.dma_semaphore, #tpu.memory_space<semaphore_mem>>)
      %mul3A_151 = arith.constant 10 : i32
      %mul3A_152 = arith.muli %scan3A_66, %mul3A_151 : i32
      %add3A_153 = arith.constant 6 : i32
      %add3A_154 = arith.addi %mul3A_152, %add3A_153 : i32
      %mul3A_155 = arith.constant 128 : i32
      %mul3A_156 = arith.muli %add3A_154, %mul3A_155 : i32
      %dma_start3A_157 = arith.constant 0 : i32
      %dma_start3A_158 = tpu.memref_slice %arg6[%mul3A_156, %dma_start3A_157] : memref<6400x16xf32, #tpu.memory_space<vmem>> -> memref<128x16xf32, #tpu.memory_space<vmem>>
      %dma_start3A_159 = arith.constant 0 : i32
      %dma_start3A_160 = tpu.memref_slice %arg5[%add3A_154, %dma_start3A_159] : memref<50x128xi32, #tpu.memory_space<vmem>> -> memref<1x128xi32, #tpu.memory_space<vmem>>
      %dma_start3A_161 = tpu.memref_squeeze %dma_start3A_160 : memref<1x128xi32, #tpu.memory_space<vmem>> -> memref<128xi32, #tpu.memory_space<vmem>>
      %dma_start3A_162 = arith.constant 0 : i32
      %dma_start3A_163 = arith.constant 0 : i32
      %dma_start3A_164 = tpu.memref_slice %arg3[%dma_start3A_162, %dma_start3A_163] : memref<1000000x16xf32, #tpu.memory_space<hbm>> -> memref<1000000x16xf32, #tpu.memory_space<hbm>>
      tpu.enqueue_indirect_dma source(%dma_start3A_164 : memref<1000000x16xf32, #tpu.memory_space<hbm>>) target(%dma_start3A_158 : memref<128x16xf32, #tpu.memory_space<vmem>>) offsets(%dma_start3A_161 : memref<128xi32, #tpu.memory_space<vmem>>) semaphore(%arg8 : memref<!tpu.dma_semaphore, #tpu.memory_space<semaphore_mem>>)
      %mul3A_165 = arith.constant 10 : i32
      %mul3A_166 = arith.muli %scan3A_66, %mul3A_165 : i32
      %add3A_167 = arith.constant 7 : i32
      %add3A_168 = arith.addi %mul3A_166, %add3A_167 : i32
      %mul3A_169 = arith.constant 128 : i32
      %mul3A_170 = arith.muli %add3A_168, %mul3A_169 : i32
      %dma_start3A_171 = arith.constant 0 : i32
      %dma_start3A_172 = tpu.memref_slice %arg6[%mul3A_170, %dma_start3A_171] : memref<6400x16xf32, #tpu.memory_space<vmem>> -> memref<128x16xf32, #tpu.memory_space<vmem>>
      %dma_start3A_173 = arith.constant 0 : i32
      %dma_start3A_174 = tpu.memref_slice %arg5[%add3A_168, %dma_start3A_173] : memref<50x128xi32, #tpu.memory_space<vmem>> -> memref<1x128xi32, #tpu.memory_space<vmem>>
      %dma_start3A_175 = tpu.memref_squeeze %dma_start3A_174 : memref<1x128xi32, #tpu.memory_space<vmem>> -> memref<128xi32, #tpu.memory_space<vmem>>
      %dma_start3A_176 = arith.constant 0 : i32
      %dma_start3A_177 = arith.constant 0 : i32
      %dma_start3A_178 = tpu.memref_slice %arg3[%dma_start3A_176, %dma_start3A_177] : memref<1000000x16xf32, #tpu.memory_space<hbm>> -> memref<1000000x16xf32, #tpu.memory_space<hbm>>
      tpu.enqueue_indirect_dma source(%dma_start3A_178 : memref<1000000x16xf32, #tpu.memory_space<hbm>>) target(%dma_start3A_172 : memref<128x16xf32, #tpu.memory_space<vmem>>) offsets(%dma_start3A_175 : memref<128xi32, #tpu.memory_space<vmem>>) semaphore(%arg8 : memref<!tpu.dma_semaphore, #tpu.memory_space<semaphore_mem>>)
      %mul3A_179 = arith.constant 10 : i32
      %mul3A_180 = arith.muli %scan3A_66, %mul3A_179 : i32
      %add3A_181 = arith.constant 8 : i32
      %add3A_182 = arith.addi %mul3A_180, %add3A_181 : i32
      %mul3A_183 = arith.constant 128 : i32
      %mul3A_184 = arith.muli %add3A_182, %mul3A_183 : i32
      %dma_start3A_185 = arith.constant 0 : i32
      %dma_start3A_186 = tpu.memref_slice %arg6[%mul3A_184, %dma_start3A_185] : memref<6400x16xf32, #tpu.memory_space<vmem>> -> memref<128x16xf32, #tpu.memory_space<vmem>>
      %dma_start3A_187 = arith.constant 0 : i32
      %dma_start3A_188 = tpu.memref_slice %arg5[%add3A_182, %dma_start3A_187] : memref<50x128xi32, #tpu.memory_space<vmem>> -> memref<1x128xi32, #tpu.memory_space<vmem>>
      %dma_start3A_189 = tpu.memref_squeeze %dma_start3A_188 : memref<1x128xi32, #tpu.memory_space<vmem>> -> memref<128xi32, #tpu.memory_space<vmem>>
      %dma_start3A_190 = arith.constant 0 : i32
      %dma_start3A_191 = arith.constant 0 : i32
      %dma_start3A_192 = tpu.memref_slice %arg3[%dma_start3A_190, %dma_start3A_191] : memref<1000000x16xf32, #tpu.memory_space<hbm>> -> memref<1000000x16xf32, #tpu.memory_space<hbm>>
      tpu.enqueue_indirect_dma source(%dma_start3A_192 : memref<1000000x16xf32, #tpu.memory_space<hbm>>) target(%dma_start3A_186 : memref<128x16xf32, #tpu.memory_space<vmem>>) offsets(%dma_start3A_189 : memref<128xi32, #tpu.memory_space<vmem>>) semaphore(%arg8 : memref<!tpu.dma_semaphore, #tpu.memory_space<semaphore_mem>>)
      %mul3A_193 = arith.constant 10 : i32
      %mul3A_194 = arith.muli %scan3A_66, %mul3A_193 : i32
      %add3A_195 = arith.constant 9 : i32
      %add3A_196 = arith.addi %mul3A_194, %add3A_195 : i32
      %mul3A_197 = arith.constant 128 : i32
      %mul3A_198 = arith.muli %add3A_196, %mul3A_197 : i32
      %dma_start3A_199 = arith.constant 0 : i32
      %dma_start3A_200 = tpu.memref_slice %arg6[%mul3A_198, %dma_start3A_199] : memref<6400x16xf32, #tpu.memory_space<vmem>> -> memref<128x16xf32, #tpu.memory_space<vmem>>
      %dma_start3A_201 = arith.constant 0 : i32
      %dma_start3A_202 = tpu.memref_slice %arg5[%add3A_196, %dma_start3A_201] : memref<50x128xi32, #tpu.memory_space<vmem>> -> memref<1x128xi32, #tpu.memory_space<vmem>>
      %dma_start3A_203 = tpu.memref_squeeze %dma_start3A_202 : memref<1x128xi32, #tpu.memory_space<vmem>> -> memref<128xi32, #tpu.memory_space<vmem>>
      %dma_start3A_204 = arith.constant 0 : i32
      %dma_start3A_205 = arith.constant 0 : i32
      %dma_start3A_206 = tpu.memref_slice %arg3[%dma_start3A_204, %dma_start3A_205] : memref<1000000x16xf32, #tpu.memory_space<hbm>> -> memref<1000000x16xf32, #tpu.memory_space<hbm>>
      tpu.enqueue_indirect_dma source(%dma_start3A_206 : memref<1000000x16xf32, #tpu.memory_space<hbm>>) target(%dma_start3A_200 : memref<128x16xf32, #tpu.memory_space<vmem>>) offsets(%dma_start3A_203 : memref<128xi32, #tpu.memory_space<vmem>>) semaphore(%arg8 : memref<!tpu.dma_semaphore, #tpu.memory_space<semaphore_mem>>)
      %dma_wait3A = arith.constant 0 : i32
      %dma_wait3A_207 = tpu.memref_slice %arg6[%mul3A_73, %dma_wait3A] : memref<6400x16xf32, #tpu.memory_space<vmem>> -> memref<128x16xf32, #tpu.memory_space<vmem>>
      %dma_wait3A_208 = arith.constant 0 : i32
      %dma_wait3A_209 = tpu.memref_slice %arg5[%add3A_71, %dma_wait3A_208] : memref<50x128xi32, #tpu.memory_space<vmem>> -> memref<1x128xi32, #tpu.memory_space<vmem>>
      %dma_wait3A_210 = tpu.memref_squeeze %dma_wait3A_209 : memref<1x128xi32, #tpu.memory_space<vmem>> -> memref<128xi32, #tpu.memory_space<vmem>>
      %dma_wait3A_211 = arith.constant 0 : i32
      %dma_wait3A_212 = arith.constant 0 : i32
      %dma_wait3A_213 = tpu.memref_slice %arg3[%dma_wait3A_211, %dma_wait3A_212] : memref<1000000x16xf32, #tpu.memory_space<hbm>> -> memref<1000000x16xf32, #tpu.memory_space<hbm>>
      tpu.wait_indirect_dma semaphore(%arg8 : memref<!tpu.dma_semaphore, #tpu.memory_space<semaphore_mem>>) src(%dma_wait3A_213 : memref<1000000x16xf32, #tpu.memory_space<hbm>>) dst(%dma_wait3A_207 : memref<128x16xf32, #tpu.memory_space<vmem>>)
      %dma_wait3A_214 = arith.constant 0 : i32
      %dma_wait3A_215 = tpu.memref_slice %arg6[%mul3A_86, %dma_wait3A_214] : memref<6400x16xf32, #tpu.memory_space<vmem>> -> memref<128x16xf32, #tpu.memory_space<vmem>>
      %dma_wait3A_216 = arith.constant 0 : i32
      %dma_wait3A_217 = tpu.memref_slice %arg5[%add3A_84, %dma_wait3A_216] : memref<50x128xi32, #tpu.memory_space<vmem>> -> memref<1x128xi32, #tpu.memory_space<vmem>>
      %dma_wait3A_218 = tpu.memref_squeeze %dma_wait3A_217 : memref<1x128xi32, #tpu.memory_space<vmem>> -> memref<128xi32, #tpu.memory_space<vmem>>
      %dma_wait3A_219 = arith.constant 0 : i32
      %dma_wait3A_220 = arith.constant 0 : i32
      %dma_wait3A_221 = tpu.memref_slice %arg3[%dma_wait3A_219, %dma_wait3A_220] : memref<1000000x16xf32, #tpu.memory_space<hbm>> -> memref<1000000x16xf32, #tpu.memory_space<hbm>>
      tpu.wait_indirect_dma semaphore(%arg8 : memref<!tpu.dma_semaphore, #tpu.memory_space<semaphore_mem>>) src(%dma_wait3A_221 : memref<1000000x16xf32, #tpu.memory_space<hbm>>) dst(%dma_wait3A_215 : memref<128x16xf32, #tpu.memory_space<vmem>>)
      %dma_wait3A_222 = arith.constant 0 : i32
      %dma_wait3A_223 = tpu.memref_slice %arg6[%mul3A_100, %dma_wait3A_222] : memref<6400x16xf32, #tpu.memory_space<vmem>> -> memref<128x16xf32, #tpu.memory_space<vmem>>
      %dma_wait3A_224 = arith.constant 0 : i32
      %dma_wait3A_225 = tpu.memref_slice %arg5[%add3A_98, %dma_wait3A_224] : memref<50x128xi32, #tpu.memory_space<vmem>> -> memref<1x128xi32, #tpu.memory_space<vmem>>
      %dma_wait3A_226 = tpu.memref_squeeze %dma_wait3A_225 : memref<1x128xi32, #tpu.memory_space<vmem>> -> memref<128xi32, #tpu.memory_space<vmem>>
      %dma_wait3A_227 = arith.constant 0 : i32
      %dma_wait3A_228 = arith.constant 0 : i32
      %dma_wait3A_229 = tpu.memref_slice %arg3[%dma_wait3A_227, %dma_wait3A_228] : memref<1000000x16xf32, #tpu.memory_space<hbm>> -> memref<1000000x16xf32, #tpu.memory_space<hbm>>
      tpu.wait_indirect_dma semaphore(%arg8 : memref<!tpu.dma_semaphore, #tpu.memory_space<semaphore_mem>>) src(%dma_wait3A_229 : memref<1000000x16xf32, #tpu.memory_space<hbm>>) dst(%dma_wait3A_223 : memref<128x16xf32, #tpu.memory_space<vmem>>)
      %dma_wait3A_230 = arith.constant 0 : i32
      %dma_wait3A_231 = tpu.memref_slice %arg6[%mul3A_114, %dma_wait3A_230] : memref<6400x16xf32, #tpu.memory_space<vmem>> -> memref<128x16xf32, #tpu.memory_space<vmem>>
      %dma_wait3A_232 = arith.constant 0 : i32
      %dma_wait3A_233 = tpu.memref_slice %arg5[%add3A_112, %dma_wait3A_232] : memref<50x128xi32, #tpu.memory_space<vmem>> -> memref<1x128xi32, #tpu.memory_space<vmem>>
      %dma_wait3A_234 = tpu.memref_squeeze %dma_wait3A_233 : memref<1x128xi32, #tpu.memory_space<vmem>> -> memref<128xi32, #tpu.memory_space<vmem>>
      %dma_wait3A_235 = arith.constant 0 : i32
      %dma_wait3A_236 = arith.constant 0 : i32
      %dma_wait3A_237 = tpu.memref_slice %arg3[%dma_wait3A_235, %dma_wait3A_236] : memref<1000000x16xf32, #tpu.memory_space<hbm>> -> memref<1000000x16xf32, #tpu.memory_space<hbm>>
      tpu.wait_indirect_dma semaphore(%arg8 : memref<!tpu.dma_semaphore, #tpu.memory_space<semaphore_mem>>) src(%dma_wait3A_237 : memref<1000000x16xf32, #tpu.memory_space<hbm>>) dst(%dma_wait3A_231 : memref<128x16xf32, #tpu.memory_space<vmem>>)
      %dma_wait3A_238 = arith.constant 0 : i32
      %dma_wait3A_239 = tpu.memref_slice %arg6[%mul3A_128, %dma_wait3A_238] : memref<6400x16xf32, #tpu.memory_space<vmem>> -> memref<128x16xf32, #tpu.memory_space<vmem>>
      %dma_wait3A_240 = arith.constant 0 : i32
      %dma_wait3A_241 = tpu.memref_slice %arg5[%add3A_126, %dma_wait3A_240] : memref<50x128xi32, #tpu.memory_space<vmem>> -> memref<1x128xi32, #tpu.memory_space<vmem>>
      %dma_wait3A_242 = tpu.memref_squeeze %dma_wait3A_241 : memref<1x128xi32, #tpu.memory_space<vmem>> -> memref<128xi32, #tpu.memory_space<vmem>>
      %dma_wait3A_243 = arith.constant 0 : i32
      %dma_wait3A_244 = arith.constant 0 : i32
      %dma_wait3A_245 = tpu.memref_slice %arg3[%dma_wait3A_243, %dma_wait3A_244] : memref<1000000x16xf32, #tpu.memory_space<hbm>> -> memref<1000000x16xf32, #tpu.memory_space<hbm>>
      tpu.wait_indirect_dma semaphore(%arg8 : memref<!tpu.dma_semaphore, #tpu.memory_space<semaphore_mem>>) src(%dma_wait3A_245 : memref<1000000x16xf32, #tpu.memory_space<hbm>>) dst(%dma_wait3A_239 : memref<128x16xf32, #tpu.memory_space<vmem>>)
      %dma_wait3A_246 = arith.constant 0 : i32
      %dma_wait3A_247 = tpu.memref_slice %arg6[%mul3A_142, %dma_wait3A_246] : memref<6400x16xf32, #tpu.memory_space<vmem>> -> memref<128x16xf32, #tpu.memory_space<vmem>>
      %dma_wait3A_248 = arith.constant 0 : i32
      %dma_wait3A_249 = tpu.memref_slice %arg5[%add3A_140, %dma_wait3A_248] : memref<50x128xi32, #tpu.memory_space<vmem>> -> memref<1x128xi32, #tpu.memory_space<vmem>>
      %dma_wait3A_250 = tpu.memref_squeeze %dma_wait3A_249 : memref<1x128xi32, #tpu.memory_space<vmem>> -> memref<128xi32, #tpu.memory_space<vmem>>
      %dma_wait3A_251 = arith.constant 0 : i32
      %dma_wait3A_252 = arith.constant 0 : i32
      %dma_wait3A_253 = tpu.memref_slice %arg3[%dma_wait3A_251, %dma_wait3A_252] : memref<1000000x16xf32, #tpu.memory_space<hbm>> -> memref<1000000x16xf32, #tpu.memory_space<hbm>>
      tpu.wait_indirect_dma semaphore(%arg8 : memref<!tpu.dma_semaphore, #tpu.memory_space<semaphore_mem>>) src(%dma_wait3A_253 : memref<1000000x16xf32, #tpu.memory_space<hbm>>) dst(%dma_wait3A_247 : memref<128x16xf32, #tpu.memory_space<vmem>>)
      %dma_wait3A_254 = arith.constant 0 : i32
      %dma_wait3A_255 = tpu.memref_slice %arg6[%mul3A_156, %dma_wait3A_254] : memref<6400x16xf32, #tpu.memory_space<vmem>> -> memref<128x16xf32, #tpu.memory_space<vmem>>
      %dma_wait3A_256 = arith.constant 0 : i32
      %dma_wait3A_257 = tpu.memref_slice %arg5[%add3A_154, %dma_wait3A_256] : memref<50x128xi32, #tpu.memory_space<vmem>> -> memref<1x128xi32, #tpu.memory_space<vmem>>
      %dma_wait3A_258 = tpu.memref_squeeze %dma_wait3A_257 : memref<1x128xi32, #tpu.memory_space<vmem>> -> memref<128xi32, #tpu.memory_space<vmem>>
      %dma_wait3A_259 = arith.constant 0 : i32
      %dma_wait3A_260 = arith.constant 0 : i32
      %dma_wait3A_261 = tpu.memref_slice %arg3[%dma_wait3A_259, %dma_wait3A_260] : memref<1000000x16xf32, #tpu.memory_space<hbm>> -> memref<1000000x16xf32, #tpu.memory_space<hbm>>
      tpu.wait_indirect_dma semaphore(%arg8 : memref<!tpu.dma_semaphore, #tpu.memory_space<semaphore_mem>>) src(%dma_wait3A_261 : memref<1000000x16xf32, #tpu.memory_space<hbm>>) dst(%dma_wait3A_255 : memref<128x16xf32, #tpu.memory_space<vmem>>)
      %dma_wait3A_262 = arith.constant 0 : i32
      %dma_wait3A_263 = tpu.memref_slice %arg6[%mul3A_170, %dma_wait3A_262] : memref<6400x16xf32, #tpu.memory_space<vmem>> -> memref<128x16xf32, #tpu.memory_space<vmem>>
      %dma_wait3A_264 = arith.constant 0 : i32
      %dma_wait3A_265 = tpu.memref_slice %arg5[%add3A_168, %dma_wait3A_264] : memref<50x128xi32, #tpu.memory_space<vmem>> -> memref<1x128xi32, #tpu.memory_space<vmem>>
      %dma_wait3A_266 = tpu.memref_squeeze %dma_wait3A_265 : memref<1x128xi32, #tpu.memory_space<vmem>> -> memref<128xi32, #tpu.memory_space<vmem>>
      %dma_wait3A_267 = arith.constant 0 : i32
      %dma_wait3A_268 = arith.constant 0 : i32
      %dma_wait3A_269 = tpu.memref_slice %arg3[%dma_wait3A_267, %dma_wait3A_268] : memref<1000000x16xf32, #tpu.memory_space<hbm>> -> memref<1000000x16xf32, #tpu.memory_space<hbm>>
      tpu.wait_indirect_dma semaphore(%arg8 : memref<!tpu.dma_semaphore, #tpu.memory_space<semaphore_mem>>) src(%dma_wait3A_269 : memref<1000000x16xf32, #tpu.memory_space<hbm>>) dst(%dma_wait3A_263 : memref<128x16xf32, #tpu.memory_space<vmem>>)
      %dma_wait3A_270 = arith.constant 0 : i32
      %dma_wait3A_271 = tpu.memref_slice %arg6[%mul3A_184, %dma_wait3A_270] : memref<6400x16xf32, #tpu.memory_space<vmem>> -> memref<128x16xf32, #tpu.memory_space<vmem>>
      %dma_wait3A_272 = arith.constant 0 : i32
      %dma_wait3A_273 = tpu.memref_slice %arg5[%add3A_182, %dma_wait3A_272] : memref<50x128xi32, #tpu.memory_space<vmem>> -> memref<1x128xi32, #tpu.memory_space<vmem>>
      %dma_wait3A_274 = tpu.memref_squeeze %dma_wait3A_273 : memref<1x128xi32, #tpu.memory_space<vmem>> -> memref<128xi32, #tpu.memory_space<vmem>>
      %dma_wait3A_275 = arith.constant 0 : i32
      %dma_wait3A_276 = arith.constant 0 : i32
      %dma_wait3A_277 = tpu.memref_slice %arg3[%dma_wait3A_275, %dma_wait3A_276] : memref<1000000x16xf32, #tpu.memory_space<hbm>> -> memref<1000000x16xf32, #tpu.memory_space<hbm>>
      tpu.wait_indirect_dma semaphore(%arg8 : memref<!tpu.dma_semaphore, #tpu.memory_space<semaphore_mem>>) src(%dma_wait3A_277 : memref<1000000x16xf32, #tpu.memory_space<hbm>>) dst(%dma_wait3A_271 : memref<128x16xf32, #tpu.memory_space<vmem>>)
      %dma_wait3A_278 = arith.constant 0 : i32
      %dma_wait3A_279 = tpu.memref_slice %arg6[%mul3A_198, %dma_wait3A_278] : memref<6400x16xf32, #tpu.memory_space<vmem>> -> memref<128x16xf32, #tpu.memory_space<vmem>>
      %dma_wait3A_280 = arith.constant 0 : i32
      %dma_wait3A_281 = tpu.memref_slice %arg5[%add3A_196, %dma_wait3A_280] : memref<50x128xi32, #tpu.memory_space<vmem>> -> memref<1x128xi32, #tpu.memory_space<vmem>>
      %dma_wait3A_282 = tpu.memref_squeeze %dma_wait3A_281 : memref<1x128xi32, #tpu.memory_space<vmem>> -> memref<128xi32, #tpu.memory_space<vmem>>
      %dma_wait3A_283 = arith.constant 0 : i32
      %dma_wait3A_284 = arith.constant 0 : i32
      %dma_wait3A_285 = tpu.memref_slice %arg3[%dma_wait3A_283, %dma_wait3A_284] : memref<1000000x16xf32, #tpu.memory_space<hbm>> -> memref<1000000x16xf32, #tpu.memory_space<hbm>>
      tpu.wait_indirect_dma semaphore(%arg8 : memref<!tpu.dma_semaphore, #tpu.memory_space<semaphore_mem>>) src(%dma_wait3A_285 : memref<1000000x16xf32, #tpu.memory_space<hbm>>) dst(%dma_wait3A_279 : memref<128x16xf32, #tpu.memory_space<vmem>>)
      %scan3A_286 = arith.constant 0 : i32
      scf.yield %scan3A_286 : i32
    }
    %scan3A_42 = arith.constant 5 : i32
    %scan3A_43 = arith.constant 0 : i32
    %scan3A_44 = arith.constant 0 : i32
    %scan3A_45 = arith.constant 16 : i32
    %scan3A_46 = arith.addi %scan3A_44, %scan3A_45 : i32
    %scan3A_47 = arith.constant 1 : i32
    %scan3A_48 = scf.for %scan3A_66 = %scan3A_44 to %scan3A_46 step %scan3A_47 iter_args(%scan3A_67 = %scan3A_43) -> (i32)  : i32 {
      %mul3A_68 = arith.constant 8 : i32
      %mul3A_69 = arith.muli %scan3A_66, %mul3A_68 : i32
      %broadcast_in_dim3A = arith.constant 0.000000e+00 : f32
      %broadcast_in_dim3A_70 = vector.broadcast %broadcast_in_dim3A : f32 to vector<16xf32>
      %scan3A_71 = arith.constant 0 : i32
      %scan3A_72 = arith.constant 50 : i32
      %scan3A_73 = arith.addi %scan3A_71, %scan3A_72 : i32
      %scan3A_74 = arith.constant 1 : i32
      %scan3A_75:8 = scf.for %scan3A_133 = %scan3A_71 to %scan3A_73 step %scan3A_74 iter_args(%scan3A_134 = %broadcast_in_dim3A_70, %scan3A_135 = %broadcast_in_dim3A_70, %scan3A_136 = %broadcast_in_dim3A_70, %scan3A_137 = %broadcast_in_dim3A_70, %scan3A_138 = %broadcast_in_dim3A_70, %scan3A_139 = %broadcast_in_dim3A_70, %scan3A_140 = %broadcast_in_dim3A_70, %scan3A_141 = %broadcast_in_dim3A_70) -> (vector<16xf32>, vector<16xf32>, vector<16xf32>, vector<16xf32>, vector<16xf32>, vector<16xf32>, vector<16xf32>, vector<16xf32>)  : i32 {
        %mul3A_142 = arith.constant 128 : i32
        %mul3A_143 = arith.muli %scan3A_133, %mul3A_142 : i32
        %add3A_144 = arith.addi %mul3A_143, %mul3A_69 : i32
        %add3A_145 = arith.constant 0 : i32
        %add3A_146 = arith.addi %add3A_144, %add3A_145 : i32
        %get3A = arith.index_cast %add3A_146 : i32 to index
        %get3A_147 = arith.constant 0 : index
        %get3A_148 = tpu.vector_load %arg6[%get3A, %get3A_147] {strides = array<i32>} : memref<6400x16xf32, #tpu.memory_space<vmem>>, vector<1x16xf32>,
        %get3A_149 = vector.shape_cast %get3A_148 : vector<1x16xf32> to vector<16xf32>
        %add3A_150 = arith.addf %scan3A_134, %get3A_149 : vector<16xf32>
        %add3A_151 = arith.constant 1 : i32
        %add3A_152 = arith.addi %add3A_144, %add3A_151 : i32
        %get3A_153 = arith.index_cast %add3A_152 : i32 to index
        %get3A_154 = arith.constant 0 : index
        %get3A_155 = tpu.vector_load %arg6[%get3A_153, %get3A_154] {strides = array<i32>} : memref<6400x16xf32, #tpu.memory_space<vmem>>, vector<1x16xf32>,
        %get3A_156 = vector.shape_cast %get3A_155 : vector<1x16xf32> to vector<16xf32>
        %add3A_157 = arith.addf %scan3A_135, %get3A_156 : vector<16xf32>
        %add3A_158 = arith.constant 2 : i32
        %add3A_159 = arith.addi %add3A_144, %add3A_158 : i32
        %get3A_160 = arith.index_cast %add3A_159 : i32 to index
        %get3A_161 = arith.constant 0 : index
        %get3A_162 = tpu.vector_load %arg6[%get3A_160, %get3A_161] {strides = array<i32>} : memref<6400x16xf32, #tpu.memory_space<vmem>>, vector<1x16xf32>,
        %get3A_163 = vector.shape_cast %get3A_162 : vector<1x16xf32> to vector<16xf32>
        %add3A_164 = arith.addf %scan3A_136, %get3A_163 : vector<16xf32>
        %add3A_165 = arith.constant 3 : i32
        %add3A_166 = arith.addi %add3A_144, %add3A_165 : i32
        %get3A_167 = arith.index_cast %add3A_166 : i32 to index
        %get3A_168 = arith.constant 0 : index
        %get3A_169 = tpu.vector_load %arg6[%get3A_167, %get3A_168] {strides = array<i32>} : memref<6400x16xf32, #tpu.memory_space<vmem>>, vector<1x16xf32>,
        %get3A_170 = vector.shape_cast %get3A_169 : vector<1x16xf32> to vector<16xf32>
        %add3A_171 = arith.addf %scan3A_137, %get3A_170 : vector<16xf32>
        %add3A_172 = arith.constant 4 : i32
        %add3A_173 = arith.addi %add3A_144, %add3A_172 : i32
        %get3A_174 = arith.index_cast %add3A_173 : i32 to index
        %get3A_175 = arith.constant 0 : index
        %get3A_176 = tpu.vector_load %arg6[%get3A_174, %get3A_175] {strides = array<i32>} : memref<6400x16xf32, #tpu.memory_space<vmem>>, vector<1x16xf32>,
        %get3A_177 = vector.shape_cast %get3A_176 : vector<1x16xf32> to vector<16xf32>
        %add3A_178 = arith.addf %scan3A_138, %get3A_177 : vector<16xf32>
        %add3A_179 = arith.constant 5 : i32
        %add3A_180 = arith.addi %add3A_144, %add3A_179 : i32
        %get3A_181 = arith.index_cast %add3A_180 : i32 to index
        %get3A_182 = arith.constant 0 : index
        %get3A_183 = tpu.vector_load %arg6[%get3A_181, %get3A_182] {strides = array<i32>} : memref<6400x16xf32, #tpu.memory_space<vmem>>, vector<1x16xf32>,
        %get3A_184 = vector.shape_cast %get3A_183 : vector<1x16xf32> to vector<16xf32>
        %add3A_185 = arith.addf %scan3A_139, %get3A_184 : vector<16xf32>
        %add3A_186 = arith.constant 6 : i32
        %add3A_187 = arith.addi %add3A_144, %add3A_186 : i32
        %get3A_188 = arith.index_cast %add3A_187 : i32 to index
        %get3A_189 = arith.constant 0 : index
        %get3A_190 = tpu.vector_load %arg6[%get3A_188, %get3A_189] {strides = array<i32>} : memref<6400x16xf32, #tpu.memory_space<vmem>>, vector<1x16xf32>,
        %get3A_191 = vector.shape_cast %get3A_190 : vector<1x16xf32> to vector<16xf32>
        %add3A_192 = arith.addf %scan3A_140, %get3A_191 : vector<16xf32>
        %add3A_193 = arith.constant 7 : i32
        %add3A_194 = arith.addi %add3A_144, %add3A_193 : i32
        %get3A_195 = arith.index_cast %add3A_194 : i32 to index
        %get3A_196 = arith.constant 0 : index
        %get3A_197 = tpu.vector_load %arg6[%get3A_195, %get3A_196] {strides = array<i32>} : memref<6400x16xf32, #tpu.memory_space<vmem>>, vector<1x16xf32>,
        %get3A_198 = vector.shape_cast %get3A_197 : vector<1x16xf32> to vector<16xf32>
        %add3A_199 = arith.addf %scan3A_141, %get3A_198 : vector<16xf32>
        scf.yield %add3A_150, %add3A_157, %add3A_164, %add3A_171, %add3A_178, %add3A_185, %add3A_192, %add3A_199 : vector<16xf32>, vector<16xf32>, vector<16xf32>, vector<16xf32>, vector<16xf32>, vector<16xf32>, vector<16xf32>, vector<16xf32>
      }
      %scan3A_76 = arith.constant 50 : i32
      %add3A_77 = arith.constant 0 : i32
      %add3A_78 = arith.addi %mul3A_69, %add3A_77 : i32
      %swap3A = arith.index_cast %add3A_78 : i32 to index
      %swap3A_79 = arith.constant 0 : index
      %swap3A_80 = tpu.vector_load %arg7[%swap3A, %swap3A_79] {strides = array<i32>} : memref<128x16xf32, #tpu.memory_space<vmem>>, vector<1x16xf32>,
      %swap3A_81 = vector.shape_cast %swap3A_80 : vector<1x16xf32> to vector<16xf32>
      %swap3A_82 = vector.shape_cast %scan3A_75#0 : vector<16xf32> to vector<1x16xf32>
      tpu.vector_store %arg7[%swap3A, %swap3A_79], %swap3A_82 {strides = array<i32>} : memref<128x16xf32, #tpu.memory_space<vmem>>, vector<1x16xf32>,
      %add3A_83 = arith.constant 1 : i32
      %add3A_84 = arith.addi %mul3A_69, %add3A_83 : i32
      %swap3A_85 = arith.index_cast %add3A_84 : i32 to index
      %swap3A_86 = arith.constant 0 : index
      %swap3A_87 = tpu.vector_load %arg7[%swap3A_85, %swap3A_86] {strides = array<i32>} : memref<128x16xf32, #tpu.memory_space<vmem>>, vector<1x16xf32>,
      %swap3A_88 = vector.shape_cast %swap3A_87 : vector<1x16xf32> to vector<16xf32>
      %swap3A_89 = vector.shape_cast %scan3A_75#1 : vector<16xf32> to vector<1x16xf32>
      tpu.vector_store %arg7[%swap3A_85, %swap3A_86], %swap3A_89 {strides = array<i32>} : memref<128x16xf32, #tpu.memory_space<vmem>>, vector<1x16xf32>,
      %add3A_90 = arith.constant 2 : i32
      %add3A_91 = arith.addi %mul3A_69, %add3A_90 : i32
      %swap3A_92 = arith.index_cast %add3A_91 : i32 to index
      %swap3A_93 = arith.constant 0 : index
      %swap3A_94 = tpu.vector_load %arg7[%swap3A_92, %swap3A_93] {strides = array<i32>} : memref<128x16xf32, #tpu.memory_space<vmem>>, vector<1x16xf32>,
      %swap3A_95 = vector.shape_cast %swap3A_94 : vector<1x16xf32> to vector<16xf32>
      %swap3A_96 = vector.shape_cast %scan3A_75#2 : vector<16xf32> to vector<1x16xf32>
      tpu.vector_store %arg7[%swap3A_92, %swap3A_93], %swap3A_96 {strides = array<i32>} : memref<128x16xf32, #tpu.memory_space<vmem>>, vector<1x16xf32>,
      %add3A_97 = arith.constant 3 : i32
      %add3A_98 = arith.addi %mul3A_69, %add3A_97 : i32
      %swap3A_99 = arith.index_cast %add3A_98 : i32 to index
      %swap3A_100 = arith.constant 0 : index
      %swap3A_101 = tpu.vector_load %arg7[%swap3A_99, %swap3A_100] {strides = array<i32>} : memref<128x16xf32, #tpu.memory_space<vmem>>, vector<1x16xf32>,
      %swap3A_102 = vector.shape_cast %swap3A_101 : vector<1x16xf32> to vector<16xf32>
      %swap3A_103 = vector.shape_cast %scan3A_75#3 : vector<16xf32> to vector<1x16xf32>
      tpu.vector_store %arg7[%swap3A_99, %swap3A_100], %swap3A_103 {strides = array<i32>} : memref<128x16xf32, #tpu.memory_space<vmem>>, vector<1x16xf32>,
      %add3A_104 = arith.constant 4 : i32
      %add3A_105 = arith.addi %mul3A_69, %add3A_104 : i32
      %swap3A_106 = arith.index_cast %add3A_105 : i32 to index
      %swap3A_107 = arith.constant 0 : index
      %swap3A_108 = tpu.vector_load %arg7[%swap3A_106, %swap3A_107] {strides = array<i32>} : memref<128x16xf32, #tpu.memory_space<vmem>>, vector<1x16xf32>,
      %swap3A_109 = vector.shape_cast %swap3A_108 : vector<1x16xf32> to vector<16xf32>
      %swap3A_110 = vector.shape_cast %scan3A_75#4 : vector<16xf32> to vector<1x16xf32>
      tpu.vector_store %arg7[%swap3A_106, %swap3A_107], %swap3A_110 {strides = array<i32>} : memref<128x16xf32, #tpu.memory_space<vmem>>, vector<1x16xf32>,
      %add3A_111 = arith.constant 5 : i32
      %add3A_112 = arith.addi %mul3A_69, %add3A_111 : i32
      %swap3A_113 = arith.index_cast %add3A_112 : i32 to index
      %swap3A_114 = arith.constant 0 : index
      %swap3A_115 = tpu.vector_load %arg7[%swap3A_113, %swap3A_114] {strides = array<i32>} : memref<128x16xf32, #tpu.memory_space<vmem>>, vector<1x16xf32>,
      %swap3A_116 = vector.shape_cast %swap3A_115 : vector<1x16xf32> to vector<16xf32>
      %swap3A_117 = vector.shape_cast %scan3A_75#5 : vector<16xf32> to vector<1x16xf32>
      tpu.vector_store %arg7[%swap3A_113, %swap3A_114], %swap3A_117 {strides = array<i32>} : memref<128x16xf32, #tpu.memory_space<vmem>>, vector<1x16xf32>,
      %add3A_118 = arith.constant 6 : i32
      %add3A_119 = arith.addi %mul3A_69, %add3A_118 : i32
      %swap3A_120 = arith.index_cast %add3A_119 : i32 to index
      %swap3A_121 = arith.constant 0 : index
      %swap3A_122 = tpu.vector_load %arg7[%swap3A_120, %swap3A_121] {strides = array<i32>} : memref<128x16xf32, #tpu.memory_space<vmem>>, vector<1x16xf32>,
      %swap3A_123 = vector.shape_cast %swap3A_122 : vector<1x16xf32> to vector<16xf32>
      %swap3A_124 = vector.shape_cast %scan3A_75#6 : vector<16xf32> to vector<1x16xf32>
      tpu.vector_store %arg7[%swap3A_120, %swap3A_121], %swap3A_124 {strides = array<i32>} : memref<128x16xf32, #tpu.memory_space<vmem>>, vector<1x16xf32>,
      %add3A_125 = arith.constant 7 : i32
      %add3A_126 = arith.addi %mul3A_69, %add3A_125 : i32
      %swap3A_127 = arith.index_cast %add3A_126 : i32 to index
      %swap3A_128 = arith.constant 0 : index
      %swap3A_129 = tpu.vector_load %arg7[%swap3A_127, %swap3A_128] {strides = array<i32>} : memref<128x16xf32, #tpu.memory_space<vmem>>, vector<1x16xf32>,
      %swap3A_130 = vector.shape_cast %swap3A_129 : vector<1x16xf32> to vector<16xf32>
      %swap3A_131 = vector.shape_cast %scan3A_75#7 : vector<16xf32> to vector<1x16xf32>
      tpu.vector_store %arg7[%swap3A_127, %swap3A_128], %swap3A_131 {strides = array<i32>} : memref<128x16xf32, #tpu.memory_space<vmem>>, vector<1x16xf32>,
      %scan3A_132 = arith.constant 0 : i32
      scf.yield %scan3A_132 : i32
    }
    %scan3A_49 = arith.constant 16 : i32
    "tpu.region"() ({
      %run_scoped3A = tpu.sem_alloc : memref<!tpu.dma_semaphore, #tpu.memory_space<semaphore_mem>>
      %dma_start3A = arith.constant 0 : i32
      %dma_start3A_66 = tpu.memref_slice %arg4[%add3A_35, %dma_start3A] : memref<16384x16xf32, #tpu.memory_space<hbm>> -> memref<128x16xf32, #tpu.memory_space<hbm>>
      %dma_start3A_67 = arith.constant 0 : i32
      %dma_start3A_68 = tpu.memref_slice %arg4[%add3A_35, %dma_start3A_67] : memref<16384x16xf32, #tpu.memory_space<hbm>> -> memref<128x16xf32, #tpu.memory_space<hbm>>
      tpu.enqueue_dma source(%arg7 : memref<128x16xf32, #tpu.memory_space<vmem>>) target(%dma_start3A_68 : memref<128x16xf32, #tpu.memory_space<hbm>>) target_semaphore(%run_scoped3A : memref<!tpu.dma_semaphore, #tpu.memory_space<semaphore_mem>>)
      %dma_wait3A = arith.constant 0 : i32
      %dma_wait3A_69 = tpu.memref_slice %arg4[%add3A_35, %dma_wait3A] : memref<16384x16xf32, #tpu.memory_space<hbm>> -> memref<128x16xf32, #tpu.memory_space<hbm>>
      %dma_wait3A_70 = arith.constant 0 : i32
      %dma_wait3A_71 = tpu.memref_slice %arg4[%add3A_35, %dma_wait3A_70] : memref<16384x16xf32, #tpu.memory_space<hbm>> -> memref<128x16xf32, #tpu.memory_space<hbm>>
      tpu.wait_dma2 semaphore(%run_scoped3A : memref<!tpu.dma_semaphore, #tpu.memory_space<semaphore_mem>>) src(%arg7 : memref<128x16xf32, #tpu.memory_space<vmem>>) dst(%dma_wait3A_71 : memref<128x16xf32, #tpu.memory_space<hbm>>)
      tpu.yield
    }) : () -> ()
    %add3A_50 = arith.constant 384 : i32
    %add3A_51 = arith.addi %mul3A_2, %add3A_50 : i32
    "tpu.region"() ({
      %run_scoped3A = tpu.sem_alloc : memref<!tpu.dma_semaphore, #tpu.memory_space<semaphore_mem>>
      %dma_start3A = arith.constant 0 : i32
      %dma_start3A_66 = tpu.memref_slice %arg2[%dma_start3A, %add3A_51] : memref<50x16384xi32, #tpu.memory_space<hbm>> -> memref<50x128xi32, #tpu.memory_space<hbm>>
      %dma_start3A_67 = arith.constant 0 : i32
      %dma_start3A_68 = tpu.memref_slice %arg2[%dma_start3A_67, %add3A_51] : memref<50x16384xi32, #tpu.memory_space<hbm>> -> memref<50x128xi32, #tpu.memory_space<hbm>>
      tpu.enqueue_dma source(%dma_start3A_68 : memref<50x128xi32, #tpu.memory_space<hbm>>) target(%arg5 : memref<50x128xi32, #tpu.memory_space<vmem>>) target_semaphore(%run_scoped3A : memref<!tpu.dma_semaphore, #tpu.memory_space<semaphore_mem>>)
      %dma_wait3A = arith.constant 0 : i32
      %dma_wait3A_69 = tpu.memref_slice %arg2[%dma_wait3A, %add3A_51] : memref<50x16384xi32, #tpu.memory_space<hbm>> -> memref<50x128xi32, #tpu.memory_space<hbm>>
      %dma_wait3A_70 = arith.constant 0 : i32
      %dma_wait3A_71 = tpu.memref_slice %arg2[%dma_wait3A_70, %add3A_51] : memref<50x16384xi32, #tpu.memory_space<hbm>> -> memref<50x128xi32, #tpu.memory_space<hbm>>
      tpu.wait_dma2 semaphore(%run_scoped3A : memref<!tpu.dma_semaphore, #tpu.memory_space<semaphore_mem>>) src(%dma_wait3A_71 : memref<50x128xi32, #tpu.memory_space<hbm>>) dst(%arg5 : memref<50x128xi32, #tpu.memory_space<vmem>>)
      tpu.yield
    }) : () -> ()
    %scan3A_52 = arith.constant 0 : i32
    %scan3A_53 = arith.constant 0 : i32
    %scan3A_54 = arith.constant 5 : i32
    %scan3A_55 = arith.addi %scan3A_53, %scan3A_54 : i32
    %scan3A_56 = arith.constant 1 : i32
    %scan3A_57 = scf.for %scan3A_66 = %scan3A_53 to %scan3A_55 step %scan3A_56 iter_args(%scan3A_67 = %scan3A_52) -> (i32)  : i32 {
      %mul3A_68 = arith.constant 10 : i32
      %mul3A_69 = arith.muli %scan3A_66, %mul3A_68 : i32
      %add3A_70 = arith.constant 0 : i32
      %add3A_71 = arith.addi %mul3A_69, %add3A_70 : i32
      %mul3A_72 = arith.constant 128 : i32
      %mul3A_73 = arith.muli %add3A_71, %mul3A_72 : i32
      %dma_start3A = arith.constant 0 : i32
      %dma_start3A_74 = tpu.memref_slice %arg6[%mul3A_73, %dma_start3A] : memref<6400x16xf32, #tpu.memory_space<vmem>> -> memref<128x16xf32, #tpu.memory_space<vmem>>
      %dma_start3A_75 = arith.constant 0 : i32
      %dma_start3A_76 = tpu.memref_slice %arg5[%add3A_71, %dma_start3A_75] : memref<50x128xi32, #tpu.memory_space<vmem>> -> memref<1x128xi32, #tpu.memory_space<vmem>>
      %dma_start3A_77 = tpu.memref_squeeze %dma_start3A_76 : memref<1x128xi32, #tpu.memory_space<vmem>> -> memref<128xi32, #tpu.memory_space<vmem>>
      %dma_start3A_78 = arith.constant 0 : i32
      %dma_start3A_79 = arith.constant 0 : i32
      %dma_start3A_80 = tpu.memref_slice %arg3[%dma_start3A_78, %dma_start3A_79] : memref<1000000x16xf32, #tpu.memory_space<hbm>> -> memref<1000000x16xf32, #tpu.memory_space<hbm>>
      tpu.enqueue_indirect_dma source(%dma_start3A_80 : memref<1000000x16xf32, #tpu.memory_space<hbm>>) target(%dma_start3A_74 : memref<128x16xf32, #tpu.memory_space<vmem>>) offsets(%dma_start3A_77 : memref<128xi32, #tpu.memory_space<vmem>>) semaphore(%arg8 : memref<!tpu.dma_semaphore, #tpu.memory_space<semaphore_mem>>)
      %mul3A_81 = arith.constant 10 : i32
      %mul3A_82 = arith.muli %scan3A_66, %mul3A_81 : i32
      %add3A_83 = arith.constant 1 : i32
      %add3A_84 = arith.addi %mul3A_82, %add3A_83 : i32
      %mul3A_85 = arith.constant 128 : i32
      %mul3A_86 = arith.muli %add3A_84, %mul3A_85 : i32
      %dma_start3A_87 = arith.constant 0 : i32
      %dma_start3A_88 = tpu.memref_slice %arg6[%mul3A_86, %dma_start3A_87] : memref<6400x16xf32, #tpu.memory_space<vmem>> -> memref<128x16xf32, #tpu.memory_space<vmem>>
      %dma_start3A_89 = arith.constant 0 : i32
      %dma_start3A_90 = tpu.memref_slice %arg5[%add3A_84, %dma_start3A_89] : memref<50x128xi32, #tpu.memory_space<vmem>> -> memref<1x128xi32, #tpu.memory_space<vmem>>
      %dma_start3A_91 = tpu.memref_squeeze %dma_start3A_90 : memref<1x128xi32, #tpu.memory_space<vmem>> -> memref<128xi32, #tpu.memory_space<vmem>>
      %dma_start3A_92 = arith.constant 0 : i32
      %dma_start3A_93 = arith.constant 0 : i32
      %dma_start3A_94 = tpu.memref_slice %arg3[%dma_start3A_92, %dma_start3A_93] : memref<1000000x16xf32, #tpu.memory_space<hbm>> -> memref<1000000x16xf32, #tpu.memory_space<hbm>>
      tpu.enqueue_indirect_dma source(%dma_start3A_94 : memref<1000000x16xf32, #tpu.memory_space<hbm>>) target(%dma_start3A_88 : memref<128x16xf32, #tpu.memory_space<vmem>>) offsets(%dma_start3A_91 : memref<128xi32, #tpu.memory_space<vmem>>) semaphore(%arg8 : memref<!tpu.dma_semaphore, #tpu.memory_space<semaphore_mem>>)
      %mul3A_95 = arith.constant 10 : i32
      %mul3A_96 = arith.muli %scan3A_66, %mul3A_95 : i32
      %add3A_97 = arith.constant 2 : i32
      %add3A_98 = arith.addi %mul3A_96, %add3A_97 : i32
      %mul3A_99 = arith.constant 128 : i32
      %mul3A_100 = arith.muli %add3A_98, %mul3A_99 : i32
      %dma_start3A_101 = arith.constant 0 : i32
      %dma_start3A_102 = tpu.memref_slice %arg6[%mul3A_100, %dma_start3A_101] : memref<6400x16xf32, #tpu.memory_space<vmem>> -> memref<128x16xf32, #tpu.memory_space<vmem>>
      %dma_start3A_103 = arith.constant 0 : i32
      %dma_start3A_104 = tpu.memref_slice %arg5[%add3A_98, %dma_start3A_103] : memref<50x128xi32, #tpu.memory_space<vmem>> -> memref<1x128xi32, #tpu.memory_space<vmem>>
      %dma_start3A_105 = tpu.memref_squeeze %dma_start3A_104 : memref<1x128xi32, #tpu.memory_space<vmem>> -> memref<128xi32, #tpu.memory_space<vmem>>
      %dma_start3A_106 = arith.constant 0 : i32
      %dma_start3A_107 = arith.constant 0 : i32
      %dma_start3A_108 = tpu.memref_slice %arg3[%dma_start3A_106, %dma_start3A_107] : memref<1000000x16xf32, #tpu.memory_space<hbm>> -> memref<1000000x16xf32, #tpu.memory_space<hbm>>
      tpu.enqueue_indirect_dma source(%dma_start3A_108 : memref<1000000x16xf32, #tpu.memory_space<hbm>>) target(%dma_start3A_102 : memref<128x16xf32, #tpu.memory_space<vmem>>) offsets(%dma_start3A_105 : memref<128xi32, #tpu.memory_space<vmem>>) semaphore(%arg8 : memref<!tpu.dma_semaphore, #tpu.memory_space<semaphore_mem>>)
      %mul3A_109 = arith.constant 10 : i32
      %mul3A_110 = arith.muli %scan3A_66, %mul3A_109 : i32
      %add3A_111 = arith.constant 3 : i32
      %add3A_112 = arith.addi %mul3A_110, %add3A_111 : i32
      %mul3A_113 = arith.constant 128 : i32
      %mul3A_114 = arith.muli %add3A_112, %mul3A_113 : i32
      %dma_start3A_115 = arith.constant 0 : i32
      %dma_start3A_116 = tpu.memref_slice %arg6[%mul3A_114, %dma_start3A_115] : memref<6400x16xf32, #tpu.memory_space<vmem>> -> memref<128x16xf32, #tpu.memory_space<vmem>>
      %dma_start3A_117 = arith.constant 0 : i32
      %dma_start3A_118 = tpu.memref_slice %arg5[%add3A_112, %dma_start3A_117] : memref<50x128xi32, #tpu.memory_space<vmem>> -> memref<1x128xi32, #tpu.memory_space<vmem>>
      %dma_start3A_119 = tpu.memref_squeeze %dma_start3A_118 : memref<1x128xi32, #tpu.memory_space<vmem>> -> memref<128xi32, #tpu.memory_space<vmem>>
      %dma_start3A_120 = arith.constant 0 : i32
      %dma_start3A_121 = arith.constant 0 : i32
      %dma_start3A_122 = tpu.memref_slice %arg3[%dma_start3A_120, %dma_start3A_121] : memref<1000000x16xf32, #tpu.memory_space<hbm>> -> memref<1000000x16xf32, #tpu.memory_space<hbm>>
      tpu.enqueue_indirect_dma source(%dma_start3A_122 : memref<1000000x16xf32, #tpu.memory_space<hbm>>) target(%dma_start3A_116 : memref<128x16xf32, #tpu.memory_space<vmem>>) offsets(%dma_start3A_119 : memref<128xi32, #tpu.memory_space<vmem>>) semaphore(%arg8 : memref<!tpu.dma_semaphore, #tpu.memory_space<semaphore_mem>>)
      %mul3A_123 = arith.constant 10 : i32
      %mul3A_124 = arith.muli %scan3A_66, %mul3A_123 : i32
      %add3A_125 = arith.constant 4 : i32
      %add3A_126 = arith.addi %mul3A_124, %add3A_125 : i32
      %mul3A_127 = arith.constant 128 : i32
      %mul3A_128 = arith.muli %add3A_126, %mul3A_127 : i32
      %dma_start3A_129 = arith.constant 0 : i32
      %dma_start3A_130 = tpu.memref_slice %arg6[%mul3A_128, %dma_start3A_129] : memref<6400x16xf32, #tpu.memory_space<vmem>> -> memref<128x16xf32, #tpu.memory_space<vmem>>
      %dma_start3A_131 = arith.constant 0 : i32
      %dma_start3A_132 = tpu.memref_slice %arg5[%add3A_126, %dma_start3A_131] : memref<50x128xi32, #tpu.memory_space<vmem>> -> memref<1x128xi32, #tpu.memory_space<vmem>>
      %dma_start3A_133 = tpu.memref_squeeze %dma_start3A_132 : memref<1x128xi32, #tpu.memory_space<vmem>> -> memref<128xi32, #tpu.memory_space<vmem>>
      %dma_start3A_134 = arith.constant 0 : i32
      %dma_start3A_135 = arith.constant 0 : i32
      %dma_start3A_136 = tpu.memref_slice %arg3[%dma_start3A_134, %dma_start3A_135] : memref<1000000x16xf32, #tpu.memory_space<hbm>> -> memref<1000000x16xf32, #tpu.memory_space<hbm>>
      tpu.enqueue_indirect_dma source(%dma_start3A_136 : memref<1000000x16xf32, #tpu.memory_space<hbm>>) target(%dma_start3A_130 : memref<128x16xf32, #tpu.memory_space<vmem>>) offsets(%dma_start3A_133 : memref<128xi32, #tpu.memory_space<vmem>>) semaphore(%arg8 : memref<!tpu.dma_semaphore, #tpu.memory_space<semaphore_mem>>)
      %mul3A_137 = arith.constant 10 : i32
      %mul3A_138 = arith.muli %scan3A_66, %mul3A_137 : i32
      %add3A_139 = arith.constant 5 : i32
      %add3A_140 = arith.addi %mul3A_138, %add3A_139 : i32
      %mul3A_141 = arith.constant 128 : i32
      %mul3A_142 = arith.muli %add3A_140, %mul3A_141 : i32
      %dma_start3A_143 = arith.constant 0 : i32
      %dma_start3A_144 = tpu.memref_slice %arg6[%mul3A_142, %dma_start3A_143] : memref<6400x16xf32, #tpu.memory_space<vmem>> -> memref<128x16xf32, #tpu.memory_space<vmem>>
      %dma_start3A_145 = arith.constant 0 : i32
      %dma_start3A_146 = tpu.memref_slice %arg5[%add3A_140, %dma_start3A_145] : memref<50x128xi32, #tpu.memory_space<vmem>> -> memref<1x128xi32, #tpu.memory_space<vmem>>
      %dma_start3A_147 = tpu.memref_squeeze %dma_start3A_146 : memref<1x128xi32, #tpu.memory_space<vmem>> -> memref<128xi32, #tpu.memory_space<vmem>>
      %dma_start3A_148 = arith.constant 0 : i32
      %dma_start3A_149 = arith.constant 0 : i32
      %dma_start3A_150 = tpu.memref_slice %arg3[%dma_start3A_148, %dma_start3A_149] : memref<1000000x16xf32, #tpu.memory_space<hbm>> -> memref<1000000x16xf32, #tpu.memory_space<hbm>>
      tpu.enqueue_indirect_dma source(%dma_start3A_150 : memref<1000000x16xf32, #tpu.memory_space<hbm>>) target(%dma_start3A_144 : memref<128x16xf32, #tpu.memory_space<vmem>>) offsets(%dma_start3A_147 : memref<128xi32, #tpu.memory_space<vmem>>) semaphore(%arg8 : memref<!tpu.dma_semaphore, #tpu.memory_space<semaphore_mem>>)
      %mul3A_151 = arith.constant 10 : i32
      %mul3A_152 = arith.muli %scan3A_66, %mul3A_151 : i32
      %add3A_153 = arith.constant 6 : i32
      %add3A_154 = arith.addi %mul3A_152, %add3A_153 : i32
      %mul3A_155 = arith.constant 128 : i32
      %mul3A_156 = arith.muli %add3A_154, %mul3A_155 : i32
      %dma_start3A_157 = arith.constant 0 : i32
      %dma_start3A_158 = tpu.memref_slice %arg6[%mul3A_156, %dma_start3A_157] : memref<6400x16xf32, #tpu.memory_space<vmem>> -> memref<128x16xf32, #tpu.memory_space<vmem>>
      %dma_start3A_159 = arith.constant 0 : i32
      %dma_start3A_160 = tpu.memref_slice %arg5[%add3A_154, %dma_start3A_159] : memref<50x128xi32, #tpu.memory_space<vmem>> -> memref<1x128xi32, #tpu.memory_space<vmem>>
      %dma_start3A_161 = tpu.memref_squeeze %dma_start3A_160 : memref<1x128xi32, #tpu.memory_space<vmem>> -> memref<128xi32, #tpu.memory_space<vmem>>
      %dma_start3A_162 = arith.constant 0 : i32
      %dma_start3A_163 = arith.constant 0 : i32
      %dma_start3A_164 = tpu.memref_slice %arg3[%dma_start3A_162, %dma_start3A_163] : memref<1000000x16xf32, #tpu.memory_space<hbm>> -> memref<1000000x16xf32, #tpu.memory_space<hbm>>
      tpu.enqueue_indirect_dma source(%dma_start3A_164 : memref<1000000x16xf32, #tpu.memory_space<hbm>>) target(%dma_start3A_158 : memref<128x16xf32, #tpu.memory_space<vmem>>) offsets(%dma_start3A_161 : memref<128xi32, #tpu.memory_space<vmem>>) semaphore(%arg8 : memref<!tpu.dma_semaphore, #tpu.memory_space<semaphore_mem>>)
      %mul3A_165 = arith.constant 10 : i32
      %mul3A_166 = arith.muli %scan3A_66, %mul3A_165 : i32
      %add3A_167 = arith.constant 7 : i32
      %add3A_168 = arith.addi %mul3A_166, %add3A_167 : i32
      %mul3A_169 = arith.constant 128 : i32
      %mul3A_170 = arith.muli %add3A_168, %mul3A_169 : i32
      %dma_start3A_171 = arith.constant 0 : i32
      %dma_start3A_172 = tpu.memref_slice %arg6[%mul3A_170, %dma_start3A_171] : memref<6400x16xf32, #tpu.memory_space<vmem>> -> memref<128x16xf32, #tpu.memory_space<vmem>>
      %dma_start3A_173 = arith.constant 0 : i32
      %dma_start3A_174 = tpu.memref_slice %arg5[%add3A_168, %dma_start3A_173] : memref<50x128xi32, #tpu.memory_space<vmem>> -> memref<1x128xi32, #tpu.memory_space<vmem>>
      %dma_start3A_175 = tpu.memref_squeeze %dma_start3A_174 : memref<1x128xi32, #tpu.memory_space<vmem>> -> memref<128xi32, #tpu.memory_space<vmem>>
      %dma_start3A_176 = arith.constant 0 : i32
      %dma_start3A_177 = arith.constant 0 : i32
      %dma_start3A_178 = tpu.memref_slice %arg3[%dma_start3A_176, %dma_start3A_177] : memref<1000000x16xf32, #tpu.memory_space<hbm>> -> memref<1000000x16xf32, #tpu.memory_space<hbm>>
      tpu.enqueue_indirect_dma source(%dma_start3A_178 : memref<1000000x16xf32, #tpu.memory_space<hbm>>) target(%dma_start3A_172 : memref<128x16xf32, #tpu.memory_space<vmem>>) offsets(%dma_start3A_175 : memref<128xi32, #tpu.memory_space<vmem>>) semaphore(%arg8 : memref<!tpu.dma_semaphore, #tpu.memory_space<semaphore_mem>>)
      %mul3A_179 = arith.constant 10 : i32
      %mul3A_180 = arith.muli %scan3A_66, %mul3A_179 : i32
      %add3A_181 = arith.constant 8 : i32
      %add3A_182 = arith.addi %mul3A_180, %add3A_181 : i32
      %mul3A_183 = arith.constant 128 : i32
      %mul3A_184 = arith.muli %add3A_182, %mul3A_183 : i32
      %dma_start3A_185 = arith.constant 0 : i32
      %dma_start3A_186 = tpu.memref_slice %arg6[%mul3A_184, %dma_start3A_185] : memref<6400x16xf32, #tpu.memory_space<vmem>> -> memref<128x16xf32, #tpu.memory_space<vmem>>
      %dma_start3A_187 = arith.constant 0 : i32
      %dma_start3A_188 = tpu.memref_slice %arg5[%add3A_182, %dma_start3A_187] : memref<50x128xi32, #tpu.memory_space<vmem>> -> memref<1x128xi32, #tpu.memory_space<vmem>>
      %dma_start3A_189 = tpu.memref_squeeze %dma_start3A_188 : memref<1x128xi32, #tpu.memory_space<vmem>> -> memref<128xi32, #tpu.memory_space<vmem>>
      %dma_start3A_190 = arith.constant 0 : i32
      %dma_start3A_191 = arith.constant 0 : i32
      %dma_start3A_192 = tpu.memref_slice %arg3[%dma_start3A_190, %dma_start3A_191] : memref<1000000x16xf32, #tpu.memory_space<hbm>> -> memref<1000000x16xf32, #tpu.memory_space<hbm>>
      tpu.enqueue_indirect_dma source(%dma_start3A_192 : memref<1000000x16xf32, #tpu.memory_space<hbm>>) target(%dma_start3A_186 : memref<128x16xf32, #tpu.memory_space<vmem>>) offsets(%dma_start3A_189 : memref<128xi32, #tpu.memory_space<vmem>>) semaphore(%arg8 : memref<!tpu.dma_semaphore, #tpu.memory_space<semaphore_mem>>)
      %mul3A_193 = arith.constant 10 : i32
      %mul3A_194 = arith.muli %scan3A_66, %mul3A_193 : i32
      %add3A_195 = arith.constant 9 : i32
      %add3A_196 = arith.addi %mul3A_194, %add3A_195 : i32
      %mul3A_197 = arith.constant 128 : i32
      %mul3A_198 = arith.muli %add3A_196, %mul3A_197 : i32
      %dma_start3A_199 = arith.constant 0 : i32
      %dma_start3A_200 = tpu.memref_slice %arg6[%mul3A_198, %dma_start3A_199] : memref<6400x16xf32, #tpu.memory_space<vmem>> -> memref<128x16xf32, #tpu.memory_space<vmem>>
      %dma_start3A_201 = arith.constant 0 : i32
      %dma_start3A_202 = tpu.memref_slice %arg5[%add3A_196, %dma_start3A_201] : memref<50x128xi32, #tpu.memory_space<vmem>> -> memref<1x128xi32, #tpu.memory_space<vmem>>
      %dma_start3A_203 = tpu.memref_squeeze %dma_start3A_202 : memref<1x128xi32, #tpu.memory_space<vmem>> -> memref<128xi32, #tpu.memory_space<vmem>>
      %dma_start3A_204 = arith.constant 0 : i32
      %dma_start3A_205 = arith.constant 0 : i32
      %dma_start3A_206 = tpu.memref_slice %arg3[%dma_start3A_204, %dma_start3A_205] : memref<1000000x16xf32, #tpu.memory_space<hbm>> -> memref<1000000x16xf32, #tpu.memory_space<hbm>>
      tpu.enqueue_indirect_dma source(%dma_start3A_206 : memref<1000000x16xf32, #tpu.memory_space<hbm>>) target(%dma_start3A_200 : memref<128x16xf32, #tpu.memory_space<vmem>>) offsets(%dma_start3A_203 : memref<128xi32, #tpu.memory_space<vmem>>) semaphore(%arg8 : memref<!tpu.dma_semaphore, #tpu.memory_space<semaphore_mem>>)
      %dma_wait3A = arith.constant 0 : i32
      %dma_wait3A_207 = tpu.memref_slice %arg6[%mul3A_73, %dma_wait3A] : memref<6400x16xf32, #tpu.memory_space<vmem>> -> memref<128x16xf32, #tpu.memory_space<vmem>>
      %dma_wait3A_208 = arith.constant 0 : i32
      %dma_wait3A_209 = tpu.memref_slice %arg5[%add3A_71, %dma_wait3A_208] : memref<50x128xi32, #tpu.memory_space<vmem>> -> memref<1x128xi32, #tpu.memory_space<vmem>>
      %dma_wait3A_210 = tpu.memref_squeeze %dma_wait3A_209 : memref<1x128xi32, #tpu.memory_space<vmem>> -> memref<128xi32, #tpu.memory_space<vmem>>
      %dma_wait3A_211 = arith.constant 0 : i32
      %dma_wait3A_212 = arith.constant 0 : i32
      %dma_wait3A_213 = tpu.memref_slice %arg3[%dma_wait3A_211, %dma_wait3A_212] : memref<1000000x16xf32, #tpu.memory_space<hbm>> -> memref<1000000x16xf32, #tpu.memory_space<hbm>>
      tpu.wait_indirect_dma semaphore(%arg8 : memref<!tpu.dma_semaphore, #tpu.memory_space<semaphore_mem>>) src(%dma_wait3A_213 : memref<1000000x16xf32, #tpu.memory_space<hbm>>) dst(%dma_wait3A_207 : memref<128x16xf32, #tpu.memory_space<vmem>>)
      %dma_wait3A_214 = arith.constant 0 : i32
      %dma_wait3A_215 = tpu.memref_slice %arg6[%mul3A_86, %dma_wait3A_214] : memref<6400x16xf32, #tpu.memory_space<vmem>> -> memref<128x16xf32, #tpu.memory_space<vmem>>
      %dma_wait3A_216 = arith.constant 0 : i32
      %dma_wait3A_217 = tpu.memref_slice %arg5[%add3A_84, %dma_wait3A_216] : memref<50x128xi32, #tpu.memory_space<vmem>> -> memref<1x128xi32, #tpu.memory_space<vmem>>
      %dma_wait3A_218 = tpu.memref_squeeze %dma_wait3A_217 : memref<1x128xi32, #tpu.memory_space<vmem>> -> memref<128xi32, #tpu.memory_space<vmem>>
      %dma_wait3A_219 = arith.constant 0 : i32
      %dma_wait3A_220 = arith.constant 0 : i32
      %dma_wait3A_221 = tpu.memref_slice %arg3[%dma_wait3A_219, %dma_wait3A_220] : memref<1000000x16xf32, #tpu.memory_space<hbm>> -> memref<1000000x16xf32, #tpu.memory_space<hbm>>
      tpu.wait_indirect_dma semaphore(%arg8 : memref<!tpu.dma_semaphore, #tpu.memory_space<semaphore_mem>>) src(%dma_wait3A_221 : memref<1000000x16xf32, #tpu.memory_space<hbm>>) dst(%dma_wait3A_215 : memref<128x16xf32, #tpu.memory_space<vmem>>)
      %dma_wait3A_222 = arith.constant 0 : i32
      %dma_wait3A_223 = tpu.memref_slice %arg6[%mul3A_100, %dma_wait3A_222] : memref<6400x16xf32, #tpu.memory_space<vmem>> -> memref<128x16xf32, #tpu.memory_space<vmem>>
      %dma_wait3A_224 = arith.constant 0 : i32
      %dma_wait3A_225 = tpu.memref_slice %arg5[%add3A_98, %dma_wait3A_224] : memref<50x128xi32, #tpu.memory_space<vmem>> -> memref<1x128xi32, #tpu.memory_space<vmem>>
      %dma_wait3A_226 = tpu.memref_squeeze %dma_wait3A_225 : memref<1x128xi32, #tpu.memory_space<vmem>> -> memref<128xi32, #tpu.memory_space<vmem>>
      %dma_wait3A_227 = arith.constant 0 : i32
      %dma_wait3A_228 = arith.constant 0 : i32
      %dma_wait3A_229 = tpu.memref_slice %arg3[%dma_wait3A_227, %dma_wait3A_228] : memref<1000000x16xf32, #tpu.memory_space<hbm>> -> memref<1000000x16xf32, #tpu.memory_space<hbm>>
      tpu.wait_indirect_dma semaphore(%arg8 : memref<!tpu.dma_semaphore, #tpu.memory_space<semaphore_mem>>) src(%dma_wait3A_229 : memref<1000000x16xf32, #tpu.memory_space<hbm>>) dst(%dma_wait3A_223 : memref<128x16xf32, #tpu.memory_space<vmem>>)
      %dma_wait3A_230 = arith.constant 0 : i32
      %dma_wait3A_231 = tpu.memref_slice %arg6[%mul3A_114, %dma_wait3A_230] : memref<6400x16xf32, #tpu.memory_space<vmem>> -> memref<128x16xf32, #tpu.memory_space<vmem>>
      %dma_wait3A_232 = arith.constant 0 : i32
      %dma_wait3A_233 = tpu.memref_slice %arg5[%add3A_112, %dma_wait3A_232] : memref<50x128xi32, #tpu.memory_space<vmem>> -> memref<1x128xi32, #tpu.memory_space<vmem>>
      %dma_wait3A_234 = tpu.memref_squeeze %dma_wait3A_233 : memref<1x128xi32, #tpu.memory_space<vmem>> -> memref<128xi32, #tpu.memory_space<vmem>>
      %dma_wait3A_235 = arith.constant 0 : i32
      %dma_wait3A_236 = arith.constant 0 : i32
      %dma_wait3A_237 = tpu.memref_slice %arg3[%dma_wait3A_235, %dma_wait3A_236] : memref<1000000x16xf32, #tpu.memory_space<hbm>> -> memref<1000000x16xf32, #tpu.memory_space<hbm>>
      tpu.wait_indirect_dma semaphore(%arg8 : memref<!tpu.dma_semaphore, #tpu.memory_space<semaphore_mem>>) src(%dma_wait3A_237 : memref<1000000x16xf32, #tpu.memory_space<hbm>>) dst(%dma_wait3A_231 : memref<128x16xf32, #tpu.memory_space<vmem>>)
      %dma_wait3A_238 = arith.constant 0 : i32
      %dma_wait3A_239 = tpu.memref_slice %arg6[%mul3A_128, %dma_wait3A_238] : memref<6400x16xf32, #tpu.memory_space<vmem>> -> memref<128x16xf32, #tpu.memory_space<vmem>>
      %dma_wait3A_240 = arith.constant 0 : i32
      %dma_wait3A_241 = tpu.memref_slice %arg5[%add3A_126, %dma_wait3A_240] : memref<50x128xi32, #tpu.memory_space<vmem>> -> memref<1x128xi32, #tpu.memory_space<vmem>>
      %dma_wait3A_242 = tpu.memref_squeeze %dma_wait3A_241 : memref<1x128xi32, #tpu.memory_space<vmem>> -> memref<128xi32, #tpu.memory_space<vmem>>
      %dma_wait3A_243 = arith.constant 0 : i32
      %dma_wait3A_244 = arith.constant 0 : i32
      %dma_wait3A_245 = tpu.memref_slice %arg3[%dma_wait3A_243, %dma_wait3A_244] : memref<1000000x16xf32, #tpu.memory_space<hbm>> -> memref<1000000x16xf32, #tpu.memory_space<hbm>>
      tpu.wait_indirect_dma semaphore(%arg8 : memref<!tpu.dma_semaphore, #tpu.memory_space<semaphore_mem>>) src(%dma_wait3A_245 : memref<1000000x16xf32, #tpu.memory_space<hbm>>) dst(%dma_wait3A_239 : memref<128x16xf32, #tpu.memory_space<vmem>>)
      %dma_wait3A_246 = arith.constant 0 : i32
      %dma_wait3A_247 = tpu.memref_slice %arg6[%mul3A_142, %dma_wait3A_246] : memref<6400x16xf32, #tpu.memory_space<vmem>> -> memref<128x16xf32, #tpu.memory_space<vmem>>
      %dma_wait3A_248 = arith.constant 0 : i32
      %dma_wait3A_249 = tpu.memref_slice %arg5[%add3A_140, %dma_wait3A_248] : memref<50x128xi32, #tpu.memory_space<vmem>> -> memref<1x128xi32, #tpu.memory_space<vmem>>
      %dma_wait3A_250 = tpu.memref_squeeze %dma_wait3A_249 : memref<1x128xi32, #tpu.memory_space<vmem>> -> memref<128xi32, #tpu.memory_space<vmem>>
      %dma_wait3A_251 = arith.constant 0 : i32
      %dma_wait3A_252 = arith.constant 0 : i32
      %dma_wait3A_253 = tpu.memref_slice %arg3[%dma_wait3A_251, %dma_wait3A_252] : memref<1000000x16xf32, #tpu.memory_space<hbm>> -> memref<1000000x16xf32, #tpu.memory_space<hbm>>
      tpu.wait_indirect_dma semaphore(%arg8 : memref<!tpu.dma_semaphore, #tpu.memory_space<semaphore_mem>>) src(%dma_wait3A_253 : memref<1000000x16xf32, #tpu.memory_space<hbm>>) dst(%dma_wait3A_247 : memref<128x16xf32, #tpu.memory_space<vmem>>)
      %dma_wait3A_254 = arith.constant 0 : i32
      %dma_wait3A_255 = tpu.memref_slice %arg6[%mul3A_156, %dma_wait3A_254] : memref<6400x16xf32, #tpu.memory_space<vmem>> -> memref<128x16xf32, #tpu.memory_space<vmem>>
      %dma_wait3A_256 = arith.constant 0 : i32
      %dma_wait3A_257 = tpu.memref_slice %arg5[%add3A_154, %dma_wait3A_256] : memref<50x128xi32, #tpu.memory_space<vmem>> -> memref<1x128xi32, #tpu.memory_space<vmem>>
      %dma_wait3A_258 = tpu.memref_squeeze %dma_wait3A_257 : memref<1x128xi32, #tpu.memory_space<vmem>> -> memref<128xi32, #tpu.memory_space<vmem>>
      %dma_wait3A_259 = arith.constant 0 : i32
      %dma_wait3A_260 = arith.constant 0 : i32
      %dma_wait3A_261 = tpu.memref_slice %arg3[%dma_wait3A_259, %dma_wait3A_260] : memref<1000000x16xf32, #tpu.memory_space<hbm>> -> memref<1000000x16xf32, #tpu.memory_space<hbm>>
      tpu.wait_indirect_dma semaphore(%arg8 : memref<!tpu.dma_semaphore, #tpu.memory_space<semaphore_mem>>) src(%dma_wait3A_261 : memref<1000000x16xf32, #tpu.memory_space<hbm>>) dst(%dma_wait3A_255 : memref<128x16xf32, #tpu.memory_space<vmem>>)
      %dma_wait3A_262 = arith.constant 0 : i32
      %dma_wait3A_263 = tpu.memref_slice %arg6[%mul3A_170, %dma_wait3A_262] : memref<6400x16xf32, #tpu.memory_space<vmem>> -> memref<128x16xf32, #tpu.memory_space<vmem>>
      %dma_wait3A_264 = arith.constant 0 : i32
      %dma_wait3A_265 = tpu.memref_slice %arg5[%add3A_168, %dma_wait3A_264] : memref<50x128xi32, #tpu.memory_space<vmem>> -> memref<1x128xi32, #tpu.memory_space<vmem>>
      %dma_wait3A_266 = tpu.memref_squeeze %dma_wait3A_265 : memref<1x128xi32, #tpu.memory_space<vmem>> -> memref<128xi32, #tpu.memory_space<vmem>>
      %dma_wait3A_267 = arith.constant 0 : i32
      %dma_wait3A_268 = arith.constant 0 : i32
      %dma_wait3A_269 = tpu.memref_slice %arg3[%dma_wait3A_267, %dma_wait3A_268] : memref<1000000x16xf32, #tpu.memory_space<hbm>> -> memref<1000000x16xf32, #tpu.memory_space<hbm>>
      tpu.wait_indirect_dma semaphore(%arg8 : memref<!tpu.dma_semaphore, #tpu.memory_space<semaphore_mem>>) src(%dma_wait3A_269 : memref<1000000x16xf32, #tpu.memory_space<hbm>>) dst(%dma_wait3A_263 : memref<128x16xf32, #tpu.memory_space<vmem>>)
      %dma_wait3A_270 = arith.constant 0 : i32
      %dma_wait3A_271 = tpu.memref_slice %arg6[%mul3A_184, %dma_wait3A_270] : memref<6400x16xf32, #tpu.memory_space<vmem>> -> memref<128x16xf32, #tpu.memory_space<vmem>>
      %dma_wait3A_272 = arith.constant 0 : i32
      %dma_wait3A_273 = tpu.memref_slice %arg5[%add3A_182, %dma_wait3A_272] : memref<50x128xi32, #tpu.memory_space<vmem>> -> memref<1x128xi32, #tpu.memory_space<vmem>>
      %dma_wait3A_274 = tpu.memref_squeeze %dma_wait3A_273 : memref<1x128xi32, #tpu.memory_space<vmem>> -> memref<128xi32, #tpu.memory_space<vmem>>
      %dma_wait3A_275 = arith.constant 0 : i32
      %dma_wait3A_276 = arith.constant 0 : i32
      %dma_wait3A_277 = tpu.memref_slice %arg3[%dma_wait3A_275, %dma_wait3A_276] : memref<1000000x16xf32, #tpu.memory_space<hbm>> -> memref<1000000x16xf32, #tpu.memory_space<hbm>>
      tpu.wait_indirect_dma semaphore(%arg8 : memref<!tpu.dma_semaphore, #tpu.memory_space<semaphore_mem>>) src(%dma_wait3A_277 : memref<1000000x16xf32, #tpu.memory_space<hbm>>) dst(%dma_wait3A_271 : memref<128x16xf32, #tpu.memory_space<vmem>>)
      %dma_wait3A_278 = arith.constant 0 : i32
      %dma_wait3A_279 = tpu.memref_slice %arg6[%mul3A_198, %dma_wait3A_278] : memref<6400x16xf32, #tpu.memory_space<vmem>> -> memref<128x16xf32, #tpu.memory_space<vmem>>
      %dma_wait3A_280 = arith.constant 0 : i32
      %dma_wait3A_281 = tpu.memref_slice %arg5[%add3A_196, %dma_wait3A_280] : memref<50x128xi32, #tpu.memory_space<vmem>> -> memref<1x128xi32, #tpu.memory_space<vmem>>
      %dma_wait3A_282 = tpu.memref_squeeze %dma_wait3A_281 : memref<1x128xi32, #tpu.memory_space<vmem>> -> memref<128xi32, #tpu.memory_space<vmem>>
      %dma_wait3A_283 = arith.constant 0 : i32
      %dma_wait3A_284 = arith.constant 0 : i32
      %dma_wait3A_285 = tpu.memref_slice %arg3[%dma_wait3A_283, %dma_wait3A_284] : memref<1000000x16xf32, #tpu.memory_space<hbm>> -> memref<1000000x16xf32, #tpu.memory_space<hbm>>
      tpu.wait_indirect_dma semaphore(%arg8 : memref<!tpu.dma_semaphore, #tpu.memory_space<semaphore_mem>>) src(%dma_wait3A_285 : memref<1000000x16xf32, #tpu.memory_space<hbm>>) dst(%dma_wait3A_279 : memref<128x16xf32, #tpu.memory_space<vmem>>)
      %scan3A_286 = arith.constant 0 : i32
      scf.yield %scan3A_286 : i32
    }
    %scan3A_58 = arith.constant 5 : i32
    %scan3A_59 = arith.constant 0 : i32
    %scan3A_60 = arith.constant 0 : i32
    %scan3A_61 = arith.constant 16 : i32
    %scan3A_62 = arith.addi %scan3A_60, %scan3A_61 : i32
    %scan3A_63 = arith.constant 1 : i32
    %scan3A_64 = scf.for %scan3A_66 = %scan3A_60 to %scan3A_62 step %scan3A_63 iter_args(%scan3A_67 = %scan3A_59) -> (i32)  : i32 {
      %mul3A_68 = arith.constant 8 : i32
      %mul3A_69 = arith.muli %scan3A_66, %mul3A_68 : i32
      %broadcast_in_dim3A = arith.constant 0.000000e+00 : f32
      %broadcast_in_dim3A_70 = vector.broadcast %broadcast_in_dim3A : f32 to vector<16xf32>
      %scan3A_71 = arith.constant 0 : i32
      %scan3A_72 = arith.constant 50 : i32
      %scan3A_73 = arith.addi %scan3A_71, %scan3A_72 : i32
      %scan3A_74 = arith.constant 1 : i32
      %scan3A_75:8 = scf.for %scan3A_133 = %scan3A_71 to %scan3A_73 step %scan3A_74 iter_args(%scan3A_134 = %broadcast_in_dim3A_70, %scan3A_135 = %broadcast_in_dim3A_70, %scan3A_136 = %broadcast_in_dim3A_70, %scan3A_137 = %broadcast_in_dim3A_70, %scan3A_138 = %broadcast_in_dim3A_70, %scan3A_139 = %broadcast_in_dim3A_70, %scan3A_140 = %broadcast_in_dim3A_70, %scan3A_141 = %broadcast_in_dim3A_70) -> (vector<16xf32>, vector<16xf32>, vector<16xf32>, vector<16xf32>, vector<16xf32>, vector<16xf32>, vector<16xf32>, vector<16xf32>)  : i32 {
        %mul3A_142 = arith.constant 128 : i32
        %mul3A_143 = arith.muli %scan3A_133, %mul3A_142 : i32
        %add3A_144 = arith.addi %mul3A_143, %mul3A_69 : i32
        %add3A_145 = arith.constant 0 : i32
        %add3A_146 = arith.addi %add3A_144, %add3A_145 : i32
        %get3A = arith.index_cast %add3A_146 : i32 to index
        %get3A_147 = arith.constant 0 : index
        %get3A_148 = tpu.vector_load %arg6[%get3A, %get3A_147] {strides = array<i32>} : memref<6400x16xf32, #tpu.memory_space<vmem>>, vector<1x16xf32>,
        %get3A_149 = vector.shape_cast %get3A_148 : vector<1x16xf32> to vector<16xf32>
        %add3A_150 = arith.addf %scan3A_134, %get3A_149 : vector<16xf32>
        %add3A_151 = arith.constant 1 : i32
        %add3A_152 = arith.addi %add3A_144, %add3A_151 : i32
        %get3A_153 = arith.index_cast %add3A_152 : i32 to index
        %get3A_154 = arith.constant 0 : index
        %get3A_155 = tpu.vector_load %arg6[%get3A_153, %get3A_154] {strides = array<i32>} : memref<6400x16xf32, #tpu.memory_space<vmem>>, vector<1x16xf32>,
        %get3A_156 = vector.shape_cast %get3A_155 : vector<1x16xf32> to vector<16xf32>
        %add3A_157 = arith.addf %scan3A_135, %get3A_156 : vector<16xf32>
        %add3A_158 = arith.constant 2 : i32
        %add3A_159 = arith.addi %add3A_144, %add3A_158 : i32
        %get3A_160 = arith.index_cast %add3A_159 : i32 to index
        %get3A_161 = arith.constant 0 : index
        %get3A_162 = tpu.vector_load %arg6[%get3A_160, %get3A_161] {strides = array<i32>} : memref<6400x16xf32, #tpu.memory_space<vmem>>, vector<1x16xf32>,
        %get3A_163 = vector.shape_cast %get3A_162 : vector<1x16xf32> to vector<16xf32>
        %add3A_164 = arith.addf %scan3A_136, %get3A_163 : vector<16xf32>
        %add3A_165 = arith.constant 3 : i32
        %add3A_166 = arith.addi %add3A_144, %add3A_165 : i32
        %get3A_167 = arith.index_cast %add3A_166 : i32 to index
        %get3A_168 = arith.constant 0 : index
        %get3A_169 = tpu.vector_load %arg6[%get3A_167, %get3A_168] {strides = array<i32>} : memref<6400x16xf32, #tpu.memory_space<vmem>>, vector<1x16xf32>,
        %get3A_170 = vector.shape_cast %get3A_169 : vector<1x16xf32> to vector<16xf32>
        %add3A_171 = arith.addf %scan3A_137, %get3A_170 : vector<16xf32>
        %add3A_172 = arith.constant 4 : i32
        %add3A_173 = arith.addi %add3A_144, %add3A_172 : i32
        %get3A_174 = arith.index_cast %add3A_173 : i32 to index
        %get3A_175 = arith.constant 0 : index
        %get3A_176 = tpu.vector_load %arg6[%get3A_174, %get3A_175] {strides = array<i32>} : memref<6400x16xf32, #tpu.memory_space<vmem>>, vector<1x16xf32>,
        %get3A_177 = vector.shape_cast %get3A_176 : vector<1x16xf32> to vector<16xf32>
        %add3A_178 = arith.addf %scan3A_138, %get3A_177 : vector<16xf32>
        %add3A_179 = arith.constant 5 : i32
        %add3A_180 = arith.addi %add3A_144, %add3A_179 : i32
        %get3A_181 = arith.index_cast %add3A_180 : i32 to index
        %get3A_182 = arith.constant 0 : index
        %get3A_183 = tpu.vector_load %arg6[%get3A_181, %get3A_182] {strides = array<i32>} : memref<6400x16xf32, #tpu.memory_space<vmem>>, vector<1x16xf32>,
        %get3A_184 = vector.shape_cast %get3A_183 : vector<1x16xf32> to vector<16xf32>
        %add3A_185 = arith.addf %scan3A_139, %get3A_184 : vector<16xf32>
        %add3A_186 = arith.constant 6 : i32
        %add3A_187 = arith.addi %add3A_144, %add3A_186 : i32
        %get3A_188 = arith.index_cast %add3A_187 : i32 to index
        %get3A_189 = arith.constant 0 : index
        %get3A_190 = tpu.vector_load %arg6[%get3A_188, %get3A_189] {strides = array<i32>} : memref<6400x16xf32, #tpu.memory_space<vmem>>, vector<1x16xf32>,
        %get3A_191 = vector.shape_cast %get3A_190 : vector<1x16xf32> to vector<16xf32>
        %add3A_192 = arith.addf %scan3A_140, %get3A_191 : vector<16xf32>
        %add3A_193 = arith.constant 7 : i32
        %add3A_194 = arith.addi %add3A_144, %add3A_193 : i32
        %get3A_195 = arith.index_cast %add3A_194 : i32 to index
        %get3A_196 = arith.constant 0 : index
        %get3A_197 = tpu.vector_load %arg6[%get3A_195, %get3A_196] {strides = array<i32>} : memref<6400x16xf32, #tpu.memory_space<vmem>>, vector<1x16xf32>,
        %get3A_198 = vector.shape_cast %get3A_197 : vector<1x16xf32> to vector<16xf32>
        %add3A_199 = arith.addf %scan3A_141, %get3A_198 : vector<16xf32>
        scf.yield %add3A_150, %add3A_157, %add3A_164, %add3A_171, %add3A_178, %add3A_185, %add3A_192, %add3A_199 : vector<16xf32>, vector<16xf32>, vector<16xf32>, vector<16xf32>, vector<16xf32>, vector<16xf32>, vector<16xf32>, vector<16xf32>
      }
      %scan3A_76 = arith.constant 50 : i32
      %add3A_77 = arith.constant 0 : i32
      %add3A_78 = arith.addi %mul3A_69, %add3A_77 : i32
      %swap3A = arith.index_cast %add3A_78 : i32 to index
      %swap3A_79 = arith.constant 0 : index
      %swap3A_80 = tpu.vector_load %arg7[%swap3A, %swap3A_79] {strides = array<i32>} : memref<128x16xf32, #tpu.memory_space<vmem>>, vector<1x16xf32>,
      %swap3A_81 = vector.shape_cast %swap3A_80 : vector<1x16xf32> to vector<16xf32>
      %swap3A_82 = vector.shape_cast %scan3A_75#0 : vector<16xf32> to vector<1x16xf32>
      tpu.vector_store %arg7[%swap3A, %swap3A_79], %swap3A_82 {strides = array<i32>} : memref<128x16xf32, #tpu.memory_space<vmem>>, vector<1x16xf32>,
      %add3A_83 = arith.constant 1 : i32
      %add3A_84 = arith.addi %mul3A_69, %add3A_83 : i32
      %swap3A_85 = arith.index_cast %add3A_84 : i32 to index
      %swap3A_86 = arith.constant 0 : index
      %swap3A_87 = tpu.vector_load %arg7[%swap3A_85, %swap3A_86] {strides = array<i32>} : memref<128x16xf32, #tpu.memory_space<vmem>>, vector<1x16xf32>,
      %swap3A_88 = vector.shape_cast %swap3A_87 : vector<1x16xf32> to vector<16xf32>
      %swap3A_89 = vector.shape_cast %scan3A_75#1 : vector<16xf32> to vector<1x16xf32>
      tpu.vector_store %arg7[%swap3A_85, %swap3A_86], %swap3A_89 {strides = array<i32>} : memref<128x16xf32, #tpu.memory_space<vmem>>, vector<1x16xf32>,
      %add3A_90 = arith.constant 2 : i32
      %add3A_91 = arith.addi %mul3A_69, %add3A_90 : i32
      %swap3A_92 = arith.index_cast %add3A_91 : i32 to index
      %swap3A_93 = arith.constant 0 : index
      %swap3A_94 = tpu.vector_load %arg7[%swap3A_92, %swap3A_93] {strides = array<i32>} : memref<128x16xf32, #tpu.memory_space<vmem>>, vector<1x16xf32>,
      %swap3A_95 = vector.shape_cast %swap3A_94 : vector<1x16xf32> to vector<16xf32>
      %swap3A_96 = vector.shape_cast %scan3A_75#2 : vector<16xf32> to vector<1x16xf32>
      tpu.vector_store %arg7[%swap3A_92, %swap3A_93], %swap3A_96 {strides = array<i32>} : memref<128x16xf32, #tpu.memory_space<vmem>>, vector<1x16xf32>,
      %add3A_97 = arith.constant 3 : i32
      %add3A_98 = arith.addi %mul3A_69, %add3A_97 : i32
      %swap3A_99 = arith.index_cast %add3A_98 : i32 to index
      %swap3A_100 = arith.constant 0 : index
      %swap3A_101 = tpu.vector_load %arg7[%swap3A_99, %swap3A_100] {strides = array<i32>} : memref<128x16xf32, #tpu.memory_space<vmem>>, vector<1x16xf32>,
      %swap3A_102 = vector.shape_cast %swap3A_101 : vector<1x16xf32> to vector<16xf32>
      %swap3A_103 = vector.shape_cast %scan3A_75#3 : vector<16xf32> to vector<1x16xf32>
      tpu.vector_store %arg7[%swap3A_99, %swap3A_100], %swap3A_103 {strides = array<i32>} : memref<128x16xf32, #tpu.memory_space<vmem>>, vector<1x16xf32>,
      %add3A_104 = arith.constant 4 : i32
      %add3A_105 = arith.addi %mul3A_69, %add3A_104 : i32
      %swap3A_106 = arith.index_cast %add3A_105 : i32 to index
      %swap3A_107 = arith.constant 0 : index
      %swap3A_108 = tpu.vector_load %arg7[%swap3A_106, %swap3A_107] {strides = array<i32>} : memref<128x16xf32, #tpu.memory_space<vmem>>, vector<1x16xf32>,
      %swap3A_109 = vector.shape_cast %swap3A_108 : vector<1x16xf32> to vector<16xf32>
      %swap3A_110 = vector.shape_cast %scan3A_75#4 : vector<16xf32> to vector<1x16xf32>
      tpu.vector_store %arg7[%swap3A_106, %swap3A_107], %swap3A_110 {strides = array<i32>} : memref<128x16xf32, #tpu.memory_space<vmem>>, vector<1x16xf32>,
      %add3A_111 = arith.constant 5 : i32
      %add3A_112 = arith.addi %mul3A_69, %add3A_111 : i32
      %swap3A_113 = arith.index_cast %add3A_112 : i32 to index
      %swap3A_114 = arith.constant 0 : index
      %swap3A_115 = tpu.vector_load %arg7[%swap3A_113, %swap3A_114] {strides = array<i32>} : memref<128x16xf32, #tpu.memory_space<vmem>>, vector<1x16xf32>,
      %swap3A_116 = vector.shape_cast %swap3A_115 : vector<1x16xf32> to vector<16xf32>
      %swap3A_117 = vector.shape_cast %scan3A_75#5 : vector<16xf32> to vector<1x16xf32>
      tpu.vector_store %arg7[%swap3A_113, %swap3A_114], %swap3A_117 {strides = array<i32>} : memref<128x16xf32, #tpu.memory_space<vmem>>, vector<1x16xf32>,
      %add3A_118 = arith.constant 6 : i32
      %add3A_119 = arith.addi %mul3A_69, %add3A_118 : i32
      %swap3A_120 = arith.index_cast %add3A_119 : i32 to index
      %swap3A_121 = arith.constant 0 : index
      %swap3A_122 = tpu.vector_load %arg7[%swap3A_120, %swap3A_121] {strides = array<i32>} : memref<128x16xf32, #tpu.memory_space<vmem>>, vector<1x16xf32>,
      %swap3A_123 = vector.shape_cast %swap3A_122 : vector<1x16xf32> to vector<16xf32>
      %swap3A_124 = vector.shape_cast %scan3A_75#6 : vector<16xf32> to vector<1x16xf32>
      tpu.vector_store %arg7[%swap3A_120, %swap3A_121], %swap3A_124 {strides = array<i32>} : memref<128x16xf32, #tpu.memory_space<vmem>>, vector<1x16xf32>,
      %add3A_125 = arith.constant 7 : i32
      %add3A_126 = arith.addi %mul3A_69, %add3A_125 : i32
      %swap3A_127 = arith.index_cast %add3A_126 : i32 to index
      %swap3A_128 = arith.constant 0 : index
      %swap3A_129 = tpu.vector_load %arg7[%swap3A_127, %swap3A_128] {strides = array<i32>} : memref<128x16xf32, #tpu.memory_space<vmem>>, vector<1x16xf32>,
      %swap3A_130 = vector.shape_cast %swap3A_129 : vector<1x16xf32> to vector<16xf32>
      %swap3A_131 = vector.shape_cast %scan3A_75#7 : vector<16xf32> to vector<1x16xf32>
      tpu.vector_store %arg7[%swap3A_127, %swap3A_128], %swap3A_131 {strides = array<i32>} : memref<128x16xf32, #tpu.memory_space<vmem>>, vector<1x16xf32>,
      %scan3A_132 = arith.constant 0 : i32
      scf.yield %scan3A_132 : i32
    }
    %scan3A_65 = arith.constant 16 : i32
    "tpu.region"() ({
      %run_scoped3A = tpu.sem_alloc : memref<!tpu.dma_semaphore, #tpu.memory_space<semaphore_mem>>
      %dma_start3A = arith.constant 0 : i32
      %dma_start3A_66 = tpu.memref_slice %arg4[%add3A_51, %dma_start3A] : memref<16384x16xf32, #tpu.memory_space<hbm>> -> memref<128x16xf32, #tpu.memory_space<hbm>>
      %dma_start3A_67 = arith.constant 0 : i32
      %dma_start3A_68 = tpu.memref_slice %arg4[%add3A_51, %dma_start3A_67] : memref<16384x16xf32, #tpu.memory_space<hbm>> -> memref<128x16xf32, #tpu.memory_space<hbm>>
      tpu.enqueue_dma source(%arg7 : memref<128x16xf32, #tpu.memory_space<vmem>>) target(%dma_start3A_68 : memref<128x16xf32, #tpu.memory_space<hbm>>) target_semaphore(%run_scoped3A : memref<!tpu.dma_semaphore, #tpu.memory_space<semaphore_mem>>)
      %dma_wait3A = arith.constant 0 : i32
      %dma_wait3A_69 = tpu.memref_slice %arg4[%add3A_51, %dma_wait3A] : memref<16384x16xf32, #tpu.memory_space<hbm>> -> memref<128x16xf32, #tpu.memory_space<hbm>>
      %dma_wait3A_70 = arith.constant 0 : i32
      %dma_wait3A_71 = tpu.memref_slice %arg4[%add3A_51, %dma_wait3A_70] : memref<16384x16xf32, #tpu.memory_space<hbm>> -> memref<128x16xf32, #tpu.memory_space<hbm>>
      tpu.wait_dma2 semaphore(%run_scoped3A : memref<!tpu.dma_semaphore, #tpu.memory_space<semaphore_mem>>) src(%arg7 : memref<128x16xf32, #tpu.memory_space<vmem>>) dst(%dma_wait3A_71 : memref<128x16xf32, #tpu.memory_space<hbm>>)
      tpu.yield
    }) : () -> ()
    return
  }
}

module attributes {stable_mosaic.version = 14 : i64} {
  func.func @_proj_body(%arg0: i32, %arg1: memref<1000x512xf32, #tpu.memory_space<vmem>>, %arg2: memref<512x128xf32, #tpu.memory_space<vmem>>, %arg3: memref<1000x128xf32, #tpu.memory_space<vmem>>) attributes {dimension_semantics = [#tpu.dimension_semantics<arbitrary>], iteration_bounds = array<i64: 125>, scalar_prefetch = 0 : i64, scratch_operands = 0 : i64, tpu.core_type = #tpu.core_type<tc>, window_params = [{transform_indices = @transform_0, window_bounds = array<i64: 1000, 512>}, {pipeline_mode = #tpu.pipeline_mode<synchronous>, transform_indices = @transform_1, window_bounds = array<i64: 512, 128>}, {transform_indices = @transform_2, window_bounds = array<i64: 1000, 128>}]} {
    %get3A = arith.constant 0 : index
    %get3A_0 = arith.constant 0 : index
    %get3A_1 = vector.load %arg1[%get3A, %get3A_0] : memref<1000x512xf32, #tpu.memory_space<vmem>>, vector<1000x512xf32>
    %get3A_2 = arith.constant 0 : index
    %get3A_3 = arith.constant 0 : index
    %get3A_4 = vector.load %arg2[%get3A_2, %get3A_3] : memref<512x128xf32, #tpu.memory_space<vmem>>, vector<512x128xf32>
    %dot_general3A = arith.constant dense<0.000000e+00> : vector<1000x128xf32>
    %dot_general3A_5 = tpu.matmul %get3A_1, %get3A_4, %dot_general3A {dimension_numbers = #tpu.dot_dimension_numbers<[1], [0], [0], [1], [0, 0, 1, 1], [], []>, transpose_lhs_hint = false} : vector<1000x512xf32>, vector<512x128xf32>, vector<1000x128xf32> -> vector<1000x128xf32>
    %swap3A = arith.constant 0 : index
    %swap3A_6 = arith.constant 0 : index
    %swap3A_7 = vector.load %arg3[%swap3A, %swap3A_6] : memref<1000x128xf32, #tpu.memory_space<vmem>>, vector<1000x128xf32>
    tpu.vector_store %arg3[%swap3A, %swap3A_6], %dot_general3A_5 {strides = array<i32>} : memref<1000x128xf32, #tpu.memory_space<vmem>>, vector<1000x128xf32>,
    return
  }
  func.func @transform_0(%arg0: i32) -> (i32, i32) {
    %c0_i32 = arith.constant 0 : i32
    %c0_i32_0 = arith.constant 0 : i32
    return %arg0, %c0_i32 : i32, i32
  }
  func.func @transform_1(%arg0: i32) -> (i32, i32) {
    %c0_i32 = arith.constant 0 : i32
    %c0_i32_0 = arith.constant 0 : i32
    %c0_i32_1 = arith.constant 0 : i32
    return %c0_i32, %c0_i32_0 : i32, i32
  }
  func.func @transform_2(%arg0: i32) -> (i32, i32) {
    %c0_i32 = arith.constant 0 : i32
    %c0_i32_0 = arith.constant 0 : i32
    return %arg0, %c0_i32 : i32, i32
  }
}

module attributes {stable_mosaic.version = 14 : i64} {
  func.func @_head_body(%arg0: i32, %arg1: memref<2048x16xf32, #tpu.memory_space<vmem>>, %arg2: memref<2048x1xf32, #tpu.memory_space<vmem>>, %arg3: memref<2x2xf32, #tpu.memory_space<smem>>, %arg4: memref<2048x2xf32, #tpu.memory_space<vmem>>) attributes {dimension_semantics = [#tpu.dimension_semantics<arbitrary>], iteration_bounds = array<i64: 8>, scalar_prefetch = 0 : i64, scratch_operands = 0 : i64, tpu.core_type = #tpu.core_type<tc>, window_params = [{transform_indices = @transform_0, window_bounds = array<i64: 2048, 16>}, {transform_indices = @transform_1, window_bounds = array<i64: 2048, 1>}, {transform_indices = @transform_2, window_bounds = array<i64: 2, 2>}, {transform_indices = @transform_3, window_bounds = array<i64: 2048, 2>}]} {
    %get3A = arith.constant 0 : index
    %get3A_0 = arith.constant 0 : index
    %get3A_1 = vector.load %arg2[%get3A, %get3A_0] : memref<2048x1xf32, #tpu.memory_space<vmem>>, vector<2048x1xf32>
    %get3A_2 = arith.constant 0 : index
    %get3A_3 = arith.constant 0 : index
    %get3A_4 = vector.load %arg1[%get3A_2, %get3A_3] : memref<2048x16xf32, #tpu.memory_space<vmem>>, vector<2048x1xf32>
    %mul3A = arith.constant 2.000000e-02 : f32
    %mul3A_5 = vector.broadcast %mul3A : f32 to vector<2048x1xf32>
    %mul3A_6 = arith.mulf %get3A_4, %mul3A_5 : vector<2048x1xf32>
    %get3A_7 = arith.constant 0 : index
    %get3A_8 = arith.constant 0 : index
    %get3A_9 = memref.load %arg3[%get3A_7, %get3A_8] : memref<2x2xf32, #tpu.memory_space<smem>>
    %mul3A_10 = vector.broadcast %get3A_9 : f32 to vector<2048x1xf32>
    %mul3A_11 = arith.mulf %get3A_1, %mul3A_10 : vector<2048x1xf32>
    %add3A = arith.addf %mul3A_6, %mul3A_11 : vector<2048x1xf32>
    %get3A_12 = arith.constant 1 : index
    %get3A_13 = arith.constant 0 : index
    %get3A_14 = memref.load %arg3[%get3A_12, %get3A_13] : memref<2x2xf32, #tpu.memory_space<smem>>
    %add3A_15 = vector.broadcast %get3A_14 : f32 to vector<2048x1xf32>
    %add3A_16 = arith.addf %add3A, %add3A_15 : vector<2048x1xf32>
    %get3A_17 = arith.constant 0 : index
    %get3A_18 = arith.constant 1 : index
    %get3A_19 = vector.load %arg1[%get3A_17, %get3A_18] : memref<2048x16xf32, #tpu.memory_space<vmem>>, vector<2048x1xf32>
    %mul3A_20 = arith.constant 2.000000e-02 : f32
    %mul3A_21 = vector.broadcast %mul3A_20 : f32 to vector<2048x1xf32>
    %mul3A_22 = arith.mulf %get3A_19, %mul3A_21 : vector<2048x1xf32>
    %get3A_23 = arith.constant 0 : index
    %get3A_24 = arith.constant 1 : index
    %get3A_25 = memref.load %arg3[%get3A_23, %get3A_24] : memref<2x2xf32, #tpu.memory_space<smem>>
    %mul3A_26 = vector.broadcast %get3A_25 : f32 to vector<2048x1xf32>
    %mul3A_27 = arith.mulf %get3A_1, %mul3A_26 : vector<2048x1xf32>
    %add3A_28 = arith.addf %mul3A_22, %mul3A_27 : vector<2048x1xf32>
    %get3A_29 = arith.constant 1 : index
    %get3A_30 = arith.constant 1 : index
    %get3A_31 = memref.load %arg3[%get3A_29, %get3A_30] : memref<2x2xf32, #tpu.memory_space<smem>>
    %add3A_32 = vector.broadcast %get3A_31 : f32 to vector<2048x1xf32>
    %add3A_33 = arith.addf %add3A_28, %add3A_32 : vector<2048x1xf32>
    %concatenate3A = tpu.concatenate %add3A_16, %add3A_33 in 1 : vector<2048x1xf32>, vector<2048x1xf32> -> vector<2048x2xf32>
    %reduce_max3A = arith.constant dense<0xFF800000> : vector<2048xf32>
    %reduce_max3A_34 = vector.multi_reduction <maximumf>, %concatenate3A, %reduce_max3A [1] : vector<2048x2xf32> to vector<2048xf32>
    %broadcast_in_dim3A = vector.shape_cast %reduce_max3A_34 : vector<2048xf32> to vector<2048x1xf32>
    %sub3A = vector.broadcast %broadcast_in_dim3A : vector<2048x1xf32> to vector<2048x2xf32>
    %sub3A_35 = arith.subf %concatenate3A, %sub3A : vector<2048x2xf32>
    %exp3A = math.exp %sub3A_35 : vector<2048x2xf32>
    %reduce_sum3A = arith.constant dense<0.000000e+00> : vector<2048xf32>
    %reduce_sum3A_36 = vector.multi_reduction <add>, %exp3A, %reduce_sum3A [1] : vector<2048x2xf32> to vector<2048xf32>
    %broadcast_in_dim3A_37 = vector.shape_cast %reduce_sum3A_36 : vector<2048xf32> to vector<2048x1xf32>
    %log3A = math.log %broadcast_in_dim3A_37 : vector<2048x1xf32>
    %add3A_38 = arith.addf %broadcast_in_dim3A, %log3A : vector<2048x1xf32>
    %sub3A_39 = vector.broadcast %add3A_38 : vector<2048x1xf32> to vector<2048x2xf32>
    %sub3A_40 = arith.subf %concatenate3A, %sub3A_39 : vector<2048x2xf32>
    %swap3A = arith.constant 0 : index
    %swap3A_41 = arith.constant 0 : index
    %swap3A_42 = vector.load %arg4[%swap3A, %swap3A_41] : memref<2048x2xf32, #tpu.memory_space<vmem>>, vector<2048x2xf32>
    tpu.vector_store %arg4[%swap3A, %swap3A_41], %sub3A_40 {strides = array<i32>} : memref<2048x2xf32, #tpu.memory_space<vmem>>, vector<2048x2xf32>,
    return
  }
  func.func @transform_0(%arg0: i32) -> (i32, i32) {
    %c0_i32 = arith.constant 0 : i32
    %c0_i32_0 = arith.constant 0 : i32
    return %arg0, %c0_i32 : i32, i32
  }
  func.func @transform_1(%arg0: i32) -> (i32, i32) {
    %c0_i32 = arith.constant 0 : i32
    %c0_i32_0 = arith.constant 0 : i32
    return %arg0, %c0_i32 : i32, i32
  }
  func.func @transform_2(%arg0: i32) -> (i32, i32) {
    %c0_i32 = arith.constant 0 : i32
    %c0_i32_0 = arith.constant 0 : i32
    %c0_i32_1 = arith.constant 0 : i32
    return %c0_i32, %c0_i32_0 : i32, i32
  }
  func.func @transform_3(%arg0: i32) -> (i32, i32) {
    %c0_i32 = arith.constant 0 : i32
    %c0_i32_0 = arith.constant 0 : i32
    return %arg0, %c0_i32 : i32, i32
  }
}

</mosaic_0001>

<sc_bundles>
// kernel: kernel.5.cloned.1.call-start
scs
__scs_entry_jumppad:
0x0: {  	(pc) =	sbr.rel $0x88, $3  }
0x1: {  	(tag) =	ssettag $0x0;
	lr =	simm.s32 $0x1  }
0x2: {  	[smem:$0x3F9C] =	sst lr;
	_ =	strace $0xD0000000  }
0x3: {  	_ = 	snop  }
0x4: {  	_ = 	snop  }
0x5: {  	_ = 	snop  }
0x6: {  	_ = 	snop  }
0x7: {  	_ = 	snop  }
__scs_overlays_trampoline_lowered:
0x8: {  	[smem:$0x3FAB] =	sst s0  }
0x9: {  	[smem:$0x3FAC] =	sst s1  }
0xa: {  	[smem:$0x3FAD] =	sst s2  }
0xb: {  	[smem:$0x3FAE] =	sst s3  }
0xc: {  	[smem:$0x3FAF] =	sst s4  }
0xd: {  	[smem:$0x3FB0] =	sst s5  }
0xe: {  	[smem:$0x3FB1] =	sst s6  }
0xf: {  	[smem:$0x3FB2] =	sst s7  }
0x10: {  	[smem:$0x3FB3] =	sst s8  }
0x11: {  	[smem:$0x3FB4] =	sst s9;
	s0 =	simm.s32 @!p0 $0x0  }
0x12: {  	s1 =	sld [smem:$0x3F9A];
	s0 =	simm.s32 @p0 $0x1  }
0x13: {  	[smem:$0x3FB5] =	sst s0;
	s0 =	simm.s32 @!p1 $0x0  }
0x14: {  	s2 =	sld [smem:$0x3F99];
	s0 =	simm.s32 @p1 $0x1  }
0x15: {  	[smem:$0x3FB6] =	sst s0;
	s0 =	simm.s32 @!p2 $0x0  }
0x16: {  	s3 =	sld [smem:$0x3FDB];
	s0 =	simm.s32 @p2 $0x1  }
0x17: {  	s4 =	simm.s32 $0x1BF5;
	[smem:$0x3FB8] =	sst s0  }
0x18: {  	s0 =	sld [smem:$0x3F9B];
	_ =	swait.ge [sflag:s4], $0x0  }
0x19: {  	s7 =	sld [smem:$0x3F9C]  }
0x1a: {  	s8 =	sadd.s32 $0xFFFFE003, lr  }
0x1b: {  	s9 =	sadd.s32 $0xFFFFFEF7, lr;
	s5 =	simm.s32 $0xFFFFFFFF;
	p2 =	slt.u32 s8, $0xFFFFF086  }
0x1c: {  	p1 =	slt.u32 s9, $0xF7A;
	s5 =	simm.s32 @!p2 $0x0  }
0x1d: {  	s5 =	simm.s32 @p1 $0x1;
	p0 =	seq.s32 s7, s2  }
0x1e: {  	s7 =	smul.u32 @!p0 $0xF7A, s2;
	p2 =	seq.s32 @!p0 s5, $0x0  }
0x1f: {  	s9 =	smul.u32 $0xF7A, s1;
	s8 =	simm.s32 @!p0 $0x1BF5;
	p2 =	por !p2, p0  }
0x20: {  	[sflag:s8] =	ssyncset.s32 @!p0 $0xFFFFF086;
	s6 =	sadd.s32 @!p0 s3, s7;
	s7 =	simm.s32 @!p0 $0x108  }
0x21: {  	s3 =	sadd.s32 s3, s9;
	s6 =	sadd.s32 @!p0 $0x88, s6;
	s7 =	simm.s32 @p2 $0x1082  }
0x22: {  	[simem:s7], [sflag:s8] =	dma.local @!p0 [hbm:s6], $0xF7A  }
0x23: {  	s9 =	sor.u32 $0xD0000000, s2;
	s6 =	simm.s32 $0x108;
	_ =	swait.ge @!p0 [sflag:s8], $0x0  }
0x24: {  	s3 =	sadd.s32 $0x88, s3;
	s6 =	simm.s32 @!p1 $0x1082;
	[sflag:s4] =	ssyncset.s32 $0xFFFFF086  }
0x25: {  	[simem:s6], [sflag:s4] =	dma.local [hbm:s3], $0xF7A  }
0x26: {  	[smem:$0x3F9C] =	sst s1;
	(tag) =	ssettag s2;
	_ =	strace s9  }
0x27: {  	s1 =	sld [smem:$0x3FAC]  }
0x28: {  	s2 =	sld [smem:$0x3FAD]  }
0x29: {  	s4 =	sld [smem:$0x3FAF]  }
0x2a: {  	p0 =	seq.s32 s5, $0x0;
	s5 =	sld [smem:$0x3FB0]  }
0x2b: {  	s6 =	sld [smem:$0x3FB1]  }
0x2c: {  	s7 =	sld [smem:$0x3FB2]  }
0x2d: {  	s3 =	simm.s32 $0x108;
	s8 =	sld [smem:$0x3FB3]  }
0x2e: {  	s3 =	simm.s32 @!p0 $0x1082;
	s9 =	sld [smem:$0x3FB4]  }
0x2f: {  	lr =	sadd.s32 s0, s3;
	s0 =	sld [smem:$0x3FAB]  }
0x30: {  	s3 =	sld [smem:$0x3FAE]  }
0x31: {  	[smem:$0x3FB7] =	sst s10  }
0x32: {  	s10 =	sld [smem:$0x3FB5];
	_ =	sdelay $0x3  }
0x33: {  	p0 =	seq.s32 s10, $0x1;
	s10 =	sld [smem:$0x3FB7];
	_ =	sdelay $0x3  }
0x34: {  	[smem:$0x3FB7] =	sst s10  }
0x35: {  	s10 =	sld [smem:$0x3FB6];
	_ =	sdelay $0x3  }
0x36: {  	p1 =	seq.s32 s10, $0x1;
	s10 =	sld [smem:$0x3FB7];
	_ =	sdelay $0x3  }
0x37: {  	[smem:$0x3FB7] =	sst s10  }
0x38: {  	s10 =	sld [smem:$0x3FB8]  }
0x39: {  	_ = 	snop;
	(pc) =	sbr.ind lr, $3  }
0x3a: {  	_ = 	snop  }
0x3b: {  	_ = 	snop  }
0x3c: {  	p2 =	seq.s32 s10, $0x1;
	s10 =	sld [smem:$0x3FB7]  }
0x3d: {  	_ =	shalt  }
0x3e: {  	_ =	shalt  }
0x3f: {  	_ =	shalt  }
0x40: {  	_ =	shalt  }
0x41: {  	_ =	shalt  }
0x42: {  	_ =	shalt  }
0x43: {  	_ =	shalt  }
0x44: {  	_ =	shalt  }
0x45: {  	_ =	shalt  }
0x46: {  	_ =	shalt  }
0x47: {  	_ =	shalt  }
0x48: {  	_ =	shalt  }
0x49: {  	_ =	shalt  }
0x4a: {  	_ =	shalt  }
0x4b: {  	_ =	shalt  }
0x4c: {  	_ =	shalt  }
0x4d: {  	_ =	shalt  }
0x4e: {  	_ =	shalt  }
0x4f: {  	_ =	shalt  }
0x50: {  	_ =	shalt  }
0x51: {  	_ =	shalt  }
0x52: {  	_ =	shalt  }
0x53: {  	_ =	shalt  }
0x54: {  	_ =	shalt  }
0x55: {  	_ =	shalt  }
0x56: {  	_ =	shalt  }
0x57: {  	_ =	shalt  }
0x58: {  	_ =	shalt  }
0x59: {  	_ =	shalt  }
0x5a: {  	_ =	shalt  }
0x5b: {  	_ =	shalt  }
0x5c: {  	_ =	shalt  }
0x5d: {  	_ =	shalt  }
0x5e: {  	_ =	shalt  }
0x5f: {  	_ =	shalt  }
0x60: {  	_ =	shalt  }
0x61: {  	_ =	shalt  }
0x62: {  	_ =	shalt  }
0x63: {  	_ =	shalt  }
0x64: {  	_ =	shalt  }
0x65: {  	_ =	shalt  }
0x66: {  	_ =	shalt  }
0x67: {  	_ =	shalt  }
0x68: {  	_ =	shalt  }
0x69: {  	_ =	shalt  }
0x6a: {  	_ =	shalt  }
0x6b: {  	_ =	shalt  }
0x6c: {  	_ =	shalt  }
0x6d: {  	_ =	shalt  }
0x6e: {  	_ =	shalt  }
0x6f: {  	_ =	shalt  }
0x70: {  	_ =	shalt  }
0x71: {  	_ =	shalt  }
0x72: {  	_ =	shalt  }
0x73: {  	_ =	shalt  }
0x74: {  	_ =	shalt  }
0x75: {  	_ =	shalt  }
0x76: {  	_ =	shalt  }
0x77: {  	_ =	shalt  }
0x78: {  	_ =	shalt  }
0x79: {  	_ =	shalt  }
0x7a: {  	_ =	shalt  }
0x7b: {  	_ =	shalt  }
0x7c: {  	_ =	shalt  }
0x7d: {  	_ =	shalt  }
0x7e: {  	_ =	shalt  }
0x7f: {  	_ =	shalt  }
0x80: {  	_ =	shalt  }
0x81: {  	_ =	shalt  }
0x82: {  	_ =	shalt  }
0x83: {  	_ =	shalt  }
0x84: {  	_ =	shalt  }
0x85: {  	_ =	shalt  }
0x86: {  	_ =	shalt  }
0x87: {  	_ =	shalt  }
.Lfunc_end0:
.L_simem_size_0:
called_computation_lowered:
.L_overlay_start_0:
0x88: {  	s2 =	sld [smem:$0x3FD9]  }
0x89: {  	s3 =	sld [smem:$0x3FFE];
	_ =	sdelay $0x1  }
0x8a: {  	s1 =	srdreg.scid  }
0x8b: {  	s0 =	sand.u32 $0x1, s1  }
0x8c: {  	s16 =	sshll.u32 s0, $0xA;
	s2 =	sadd.s32 s3, s2  }
0x8d: {  	s2 =	sadd.s32 s2, s16  }
0x8e: {  	[smem:$0x3FC3] =	sst s2  }
0x8f: {  	_ = 	snop  }
0x90: {  	(tm) =	ssettm $0x1  }
0x91: {  	s17 =	sld [smem:$0x3FFB];
	_ =	sdelay $0x3  }
0x92: {  	_ =	strace s17  }
0x93: {  	s2 =	sld [smem:$0x3FFC];
	_ =	sdelay $0x3  }
0x94: {  	_ =	strace s2  }
0x95: {  	s2 =	sld [smem:$0x3FFD];
	_ =	sdelay $0x3  }
0x96: {  	_ =	strace s2  }
0x97: {  	_ =	strace $0x8FFFFFFF  }
0x98: {  	s18 =	sld [smem:$0x3FDB];
	_ =	sdelay $0x1  }
0x99: {  	s19 =	simm.s32 $_scs_section_size  }
0x9a: {  	s4 =	simm.s32 $_size__tile_overlayer_lowered;
	s5 =	simm.s32 $_tile_overlayer_lowered  }
0x9b: {  	s22 =	simm.s32 $0x1BFF;
	s21 =	sshll.u32 s5, $0x1;
	s2 =	sadd.s32 s19, s18  }
0x9c: {  	s6 =	simm.s32 $0x0;
	s20 =	sshll.u32 s4, $0x1;
	s4 =	sadd.s32 s21, s2  }
0x9d: {  	[timem:s6], [sflag:s22] =	dma.local [hbm:s4], s20  }
0x9e: {  	_ =	swait.ge [sflag:s22], s20  }
0x9f: {  	s3 =	ssub.s32 $0x0, s20;
	[sflag:s22] =	ssyncset.done $0x0  }
0xa0: {  	[sflag:s22] =	ssyncadd.s32 s3;
	_ =	sdelay $0x1  }
0xa1: {  	s23 =	simm.s32 $0x1B8B  }
0xa2: {  	_ =	swait.ge [sflag:s23], $0x1  }
0xa3: {  	[sflag:s23] =	ssyncset.done $0x0  }
0xa4: {  	s25 =	simm.s32 $0x1B8E;
	s24 =	sld [smem:$0x3FFE];
	[sflag:s23] =	ssyncadd.s32 $0xFFFFFFFF  }
0xa5: {  	s26 =	simm.s32 $execute0_lowered;
	[smem:$0x3FD2] =	sst s25  }
0xa6: {  	s4 =	sshll.u32 s26, $0x1;
	_ =	strace $0x80000046;
	[dreg:$0x1] =	wrdreg $0xFFFFFFFF  }
0xa7: {  	s28 =	simm.s32 $_size_execute0_lowered;
	s2 =	sadd.s32 s2, s4;
	[dreg:$0x0] =	wrdreg $0x0  }
0xa8: {  	s4 =	sshll.u32 s28, $0x1;
	[dreg:$0x2] =	wrdreg s2  }
0xa9: {  	[dreg:$0x3] =	wrdreg s4  }
0xaa: {  	[dreg:$0x4] =	wrdreg $0xC0  }
0xab: {  	_ =	task [dreg:s6], $0x5FFFF  }
0xac: {  	[dreg:$0x1] =	wrdreg $0xFFFFFFFF  }
0xad: {  	[dreg:$0x0] =	wrdreg $0x60  }
0xae: {  	[dreg:$0x2] =	wrdreg s24  }
0xaf: {  	[dreg:$0x3] =	wrdreg $0x9  }
0xb0: {  	_ =	task.clear_ibuf [dreg:s6], $0x4FFFF;
	_ =	strace $0x90000046  }
0xb1: {  	s29 =	simm.s32 $0x9;
	_ =	strace $0x80000048  }
0xb2: {  	_ =	swait.ge [sflag:s29], $0x1  }
0xb3: {  	[sflag:s29] =	ssyncadd.s32 $0xFFFFFFFF  }
0xb4: {  	_ =	strace $0x90000048  }
0xb5: {  	_ =	sfence  }
0xb6: {  	s30 =	sld [smem:$0x0];
	_ =	sdelay $0x2  }
0xb7: {  	s31 =	sshll.u32 s1, $0xD;
	s1 =	sshrl.u32 s1, $0x2  }
0xb8: {  	s3 =	sand.u32 $0x4000, s31;
	s1 =	sadd.s32 s1, s30  }
0xb9: {  	s0 =	sor.u32 s3, s0;
	s1 =	sshll.u32 s1, $0x11  }
0xba: {  	s0 =	sor.u32 s1, s0  }
0xbb: {  	s0 =	sadd.s32 $0x8F2B, s0  }
0xbc: {  	[sflag:s0] =	ssyncadd.remote.s32 $0x1  }
0xbd: {  	_ =	sfence.sel $0xFFFF  }
0xbe: {  	[dreg:$0x0] =	wrdreg $0xFFFFFFFF;
	(pc) =	sbr.abs _section_cstart, $3  }
0xbf: {  	[dreg:$0x1] =	wrdreg $0xFFFFFFFF  }
0xc0: {  	_ =	task.clear_ibuf [dreg:s6], $0x2FFFF;
	_ =	strace $0x9FFFFFFF  }
0xc1: {  	(tm) =	ssettm $0x7FFFFFFF  }
tec
execute0_lowered:
.L_overlay_start_1:
0x0: {  	(tag) =	ssettag $0x1  }
0x1: {  	s4 =	rddreg [dreg:$0x0]  }
0x2: {  	s0 =	rddreg [dreg:$0x1];
	s1 =	simm.s32 $0x0;
	s5 =	srdreg.scid  }
0x3: {  	s2 =	stileid.u32;
	s15 =	simm.s32 $0x2;
	s16 =	simm.s32 $0x1  }
0x4: {  	s17 =	simm.s32 $0x1A900;
	s18 =	simm.s32 $0x0;
	[smem:$0x7FF] =	sst s1  }
0x5: {  	s10 =	sadd.s32 $0x600, s4;
	s3 =	sadd.s32 $0x19600, s4;
	s5 =	sand.u32 $0x1, s5  }
0x6: {  	s7 =	sshll.u32 s2, $0xA;
	s6 =	ssub.s32 $0x2, s5;
	s5 =	sshll.u32 s5, $0x9  }
0x7: {  	s11 =	sadd.s32 $0x201C00, s4;
	s25 =	sshrl.u32 s6, $0x1;
	s9 =	sor.u32 s5, s7  }
0x8: {  	_ =	strace $0x80000047;
	s12 =	ssub.s32 s6, s25;
	s26 =	sshrl.u32 s9, $0x3  }
0x9: {  	s5 =	sshll.u32 s9, $0x1;
	s28 =	sor.u32 $0x80, s9;
	s13 =	sor.u32 $0x100, s9  }
0xa: {  	s14 =	sor.u32 $0x180, s9;
	s4 =	sadd.s32 s10, s26;
	s5 =	sadd.s32 s11, s5  }
0xb: {  	s29 =	sshrl.u32 s28, $0x3;
	s8 =	sshll.u32 s28, $0x1;
	s30 =	sshrl.u32 s13, $0x3  }
0xc: {  	s13 =	sshll.u32 s13, $0x1;
	s31 =	sshrl.u32 s14, $0x3;
	s14 =	sshll.u32 s14, $0x1  }
0xd: {  	s12 =	smax.u32 s12, $0x1;
	s6 =	sadd.s32 s10, s29;
	s7 =	sadd.s32 s11, s8  }
0xe: {  	s8 =	sadd.s32 s10, s30;
	s9 =	sadd.s32 s11, s13;
	s10 =	sadd.s32 s10, s31  }
0xf: {  	s11 =	sadd.s32 s11, s14;
	s13 =	simm.s32 $0x80;
	s14 =	simm.s32 $0x4000  }
.LBB2_1:
0x10: {  	[tilespmem:s1], [sflag:$0x2] =	stream.strided.gather [hbm4b:s4+s13], $0x1900, s14, s13, $0x38;
	[tilespmem:$0x1B100] =	vst v63  }
0x11: {  	_ =	swait.ge [sflag:s15], $0x1900  }
0x12: {  	[sflag:s15] =	ssyncset.done $0x0  }
0x13: {  	s19 =	simm.s32 $0x0;
	s20 =	simm.s32 $0x1900;
	[sflag:s15] =	ssyncadd.s32 $0xFFFFE700  }
0x14: {  	[tilespmem:s20], [sflag:$0x1] =	stream.indirect.gather [hbm4b:s3+s13], $0x10, s19, s13, $0xb8;
	[tilespmem:$0x1B100] =	vst v63  }
0x15: {  	s23 =	simm.s32 $0x2100;
	s24 =	simm.s32 $0x80  }
0x16: {  	[tilespmem:s23], [sflag:$0x1] =	stream.indirect.gather [hbm4b:s3+s13], $0x10, s24, s13, $0xb8;
	[tilespmem:$0x1B100] =	vst v63  }
0x17: {  	s25 =	simm.s32 $0x2900;
	s26 =	simm.s32 $0x100  }
0x18: {  	[tilespmem:s25], [sflag:$0x1] =	stream.indirect.gather [hbm4b:s3+s13], $0x10, s26, s13, $0xb8;
	[tilespmem:$0x1B100] =	vst v63  }
0x19: {  	s28 =	simm.s32 $0x3100;
	s29 =	simm.s32 $0x180  }
0x1a: {  	[tilespmem:s28], [sflag:$0x1] =	stream.indirect.gather [hbm4b:s3+s13], $0x10, s29, s13, $0xb8;
	[tilespmem:$0x1B100] =	vst v63  }
0x1b: {  	s30 =	simm.s32 $0x3900;
	s31 =	simm.s32 $0x200  }
0x1c: {  	[tilespmem:s30], [sflag:$0x1] =	stream.indirect.gather [hbm4b:s3+s13], $0x10, s31, s13, $0xb8;
	[tilespmem:$0x1B100] =	vst v63  }
0x1d: {  	s21 =	simm.s32 $0x4100;
	s22 =	simm.s32 $0x280  }
0x1e: {  	[tilespmem:s21], [sflag:$0x1] =	stream.indirect.gather [hbm4b:s3+s13], $0x10, s22, s13, $0xb8;
	[tilespmem:$0x1B100] =	vst v63  }
0x1f: {  	s23 =	simm.s32 $0x4900;
	s24 =	simm.s32 $0x300  }
0x20: {  	[tilespmem:s23], [sflag:$0x1] =	stream.indirect.gather [hbm4b:s3+s13], $0x10, s24, s13, $0xb8;
	[tilespmem:$0x1B100] =	vst v63  }
0x21: {  	s25 =	simm.s32 $0x5100;
	s26 =	simm.s32 $0x380  }
0x22: {  	[tilespmem:s25], [sflag:$0x1] =	stream.indirect.gather [hbm4b:s3+s13], $0x10, s26, s13, $0xb8;
	[tilespmem:$0x1B100] =	vst v63  }
0x23: {  	s28 =	simm.s32 $0x5900;
	s29 =	simm.s32 $0x400  }
0x24: {  	[tilespmem:s28], [sflag:$0x1] =	stream.indirect.gather [hbm4b:s3+s13], $0x10, s29, s13, $0xb8;
	[tilespmem:$0x1B100] =	vst v63  }
0x25: {  	s30 =	simm.s32 $0x480;
	s31 =	simm.s32 $0x6100  }
0x26: {  	[tilespmem:s31], [sflag:$0x1] =	stream.indirect.gather [hbm4b:s3+s13], $0x10, s30, s13, $0xb8;
	[tilespmem:$0x1B100] =	vst v63  }
0x27: {  	_ =	swait.ge [sflag:s16], $0x800  }
0x28: {  	[sflag:s16] =	ssyncset.done $0x0  }
0x29: {  	[sflag:s16] =	ssyncadd.s32 $0xFFFFF800  }
0x2a: {  	_ =	swait.ge [sflag:s16], $0x800  }
0x2b: {  	[sflag:s16] =	ssyncset.done $0x0  }
0x2c: {  	[sflag:s16] =	ssyncadd.s32 $0xFFFFF800  }
0x2d: {  	_ =	swait.ge [sflag:s16], $0x800  }
0x2e: {  	[sflag:s16] =	ssyncset.done $0x0  }
0x2f: {  	[sflag:s16] =	ssyncadd.s32 $0xFFFFF800  }
0x30: {  	_ =	swait.ge [sflag:s16], $0x800  }
0x31: {  	[sflag:s16] =	ssyncset.done $0x0  }
0x32: {  	[sflag:s16] =	ssyncadd.s32 $0xFFFFF800  }
0x33: {  	_ =	swait.ge [sflag:s16], $0x800  }
0x34: {  	[sflag:s16] =	ssyncset.done $0x0  }
0x35: {  	[sflag:s16] =	ssyncadd.s32 $0xFFFFF800  }
0x36: {  	_ =	swait.ge [sflag:s16], $0x800  }
0x37: {  	[sflag:s16] =	ssyncset.done $0x0  }
0x38: {  	[sflag:s16] =	ssyncadd.s32 $0xFFFFF800  }
0x39: {  	_ =	swait.ge [sflag:s16], $0x800  }
0x3a: {  	[sflag:s16] =	ssyncset.done $0x0  }
0x3b: {  	[sflag:s16] =	ssyncadd.s32 $0xFFFFF800  }
0x3c: {  	_ =	swait.ge [sflag:s16], $0x800  }
0x3d: {  	[sflag:s16] =	ssyncset.done $0x0  }
0x3e: {  	[sflag:s16] =	ssyncadd.s32 $0xFFFFF800  }
0x3f: {  	_ =	swait.ge [sflag:s16], $0x800  }
0x40: {  	[sflag:s16] =	ssyncset.done $0x0  }
0x41: {  	s19 =	simm.s32 $0x980;
	[sflag:s16] =	ssyncadd.s32 $0xFFFFF800  }
0x42: {  	s20 =	simm.s32 $0xE80;
	s21 =	simm.s32 $0x500;
	_ =	swait.ge [sflag:s16], $0x800  }
0x43: {  	s24 =	simm.s32 $0x5000;
	s25 =	simm.s32 $0x28000;
	[sflag:s16] =	ssyncset.done $0x0  }
.LBB2_2:
0x44: {  	s26 =	sadd.s32 $0xFFFFFB80, s20  }
0x45: {  	s23 =	sadd.s32 $0x1900, s24;
	[sflag:s16] =	ssyncadd.s32 $0xFFFFF800;
	s22 =	smov.u32 s25  }
0x46: {  	[tilespmem:s23], [sflag:$0x1] =	stream.indirect.gather [hbm4b:s3+s13], $0x10, s21, s13, $0xb8;
	[tilespmem:$0x1B100] =	vst v63  }
0x47: {  	s28 =	sadd.s32 $0xFFFFFC00, s19;
	s23 =	sadd.s32 $0x14000, s25;
	s21 =	sadd.s32 $0x2100, s24  }
0x48: {  	[tilespmem:s21], [sflag:$0x1] =	stream.indirect.gather [hbm4b:s3+s13], $0x10, s28, s13, $0xb8;
	[tilespmem:$0x1B100] =	vst v63  }
0x49: {  	p0 =	sne.s32 s25, $0x50000;
	s25 =	sadd.s32 $0xFFFFFC80, s19;
	s21 =	sadd.s32 $0x2900, s24  }
0x4a: {  	[tilespmem:s21], [sflag:$0x1] =	stream.indirect.gather [hbm4b:s3+s13], $0x10, s25, s13, $0xb8;
	[tilespmem:$0x1B100] =	vst v63  }
0x4b: {  	s28 =	sadd.s32 $0xFFFFFD00, s19;
	s25 =	sadd.s32 $0x3100, s24;
	s21 =	smov.u32 s26  }
0x4c: {  	[tilespmem:s25], [sflag:$0x1] =	stream.indirect.gather [hbm4b:s3+s13], $0x10, s28, s13, $0xb8;
	[tilespmem:$0x1B100] =	vst v63  }
0x4d: {  	s26 =	sadd.s32 $0xFFFFFD80, s19;
	s25 =	sadd.s32 $0x3900, s24  }
0x4e: {  	[tilespmem:s25], [sflag:$0x1] =	stream.indirect.gather [hbm4b:s3+s13], $0x10, s26, s13, $0xb8;
	[tilespmem:$0x1B100] =	vst v63  }
0x4f: {  	s25 =	sadd.s32 $0x4100, s24;
	s26 =	sadd.s32 $0xFFFFFE00, s19  }
0x50: {  	[tilespmem:s25], [sflag:$0x1] =	stream.indirect.gather [hbm4b:s3+s13], $0x10, s26, s13, $0xb8;
	[tilespmem:$0x1B100] =	vst v63  }
0x51: {  	s25 =	sadd.s32 $0x4900, s24;
	s26 =	sadd.s32 $0xFFFFFE80, s19  }
0x52: {  	[tilespmem:s25], [sflag:$0x1] =	stream.indirect.gather [hbm4b:s3+s13], $0x10, s26, s13, $0xb8;
	[tilespmem:$0x1B100] =	vst v63  }
0x53: {  	s25 =	sadd.s32 $0x5100, s24;
	s26 =	sadd.s32 $0xFFFFFF00, s19  }
0x54: {  	[tilespmem:s25], [sflag:$0x1] =	stream.indirect.gather [hbm4b:s3+s13], $0x10, s26, s13, $0xb8;
	[tilespmem:$0x1B100] =	vst v63  }
0x55: {  	s25 =	sadd.s32 $0x5900, s24;
	s26 =	sadd.s32 $0xFFFFFF80, s19  }
0x56: {  	[tilespmem:s25], [sflag:$0x1] =	stream.indirect.gather [hbm4b:s3+s13], $0x10, s26, s13, $0xb8;
	[tilespmem:$0x1B100] =	vst v63  }
0x57: {  	s24 =	sadd.s32 $0x6100, s24  }
0x58: {  	[tilespmem:s24], [sflag:$0x1] =	stream.indirect.gather [hbm4b:s3+s13], $0x10, s19, s13, $0xb8;
	[tilespmem:$0x1B100] =	vst v63  }
0x59: {  	s19 =	smov.u32 s20;
	_ =	swait.ge [sflag:s16], $0x800  }
0x5a: {  	[sflag:s16] =	ssyncset.done $0x0  }
0x5b: {  	[sflag:s16] =	ssyncadd.s32 $0xFFFFF800  }
0x5c: {  	_ =	swait.ge [sflag:s16], $0x800  }
0x5d: {  	[sflag:s16] =	ssyncset.done $0x0  }
0x5e: {  	[sflag:s16] =	ssyncadd.s32 $0xFFFFF800  }
0x5f: {  	_ =	swait.ge [sflag:s16], $0x800  }
0x60: {  	[sflag:s16] =	ssyncset.done $0x0  }
0x61: {  	[sflag:s16] =	ssyncadd.s32 $0xFFFFF800  }
0x62: {  	_ =	swait.ge [sflag:s16], $0x800  }
0x63: {  	[sflag:s16] =	ssyncset.done $0x0  }
0x64: {  	[sflag:s16] =	ssyncadd.s32 $0xFFFFF800  }
0x65: {  	_ =	swait.ge [sflag:s16], $0x800  }
0x66: {  	[sflag:s16] =	ssyncset.done $0x0  }
0x67: {  	[sflag:s16] =	ssyncadd.s32 $0xFFFFF800  }
0x68: {  	_ =	swait.ge [sflag:s16], $0x800  }
0x69: {  	[sflag:s16] =	ssyncset.done $0x0  }
0x6a: {  	[sflag:s16] =	ssyncadd.s32 $0xFFFFF800  }
0x6b: {  	_ =	swait.ge [sflag:s16], $0x800  }
0x6c: {  	[sflag:s16] =	ssyncset.done $0x0  }
0x6d: {  	[sflag:s16] =	ssyncadd.s32 $0xFFFFF800  }
0x6e: {  	_ =	swait.ge [sflag:s16], $0x800  }
0x6f: {  	[sflag:s16] =	ssyncset.done $0x0  }
0x70: {  	[sflag:s16] =	ssyncadd.s32 $0xFFFFF800  }
.Ltmp0:
0x71: {  	_ =	swait.ge [sflag:s16], $0x800;
	(pc) =	sbr.rel @p0 .LBB2_2-.Ltmp0, $4  }
0x72: {  	[sflag:s16] =	ssyncset.done $0x0  }
0x73: {  	[sflag:s16] =	ssyncadd.s32 $0xFFFFF800  }
0x74: {  	s25 =	smov.u32 s23;
	_ =	swait.ge [sflag:s16], $0x800  }
0x75: {  	s24 =	sshra.s32 s22, $0x2;
	s20 =	sadd.s32 $0x500, s20;
	[sflag:s16] =	ssyncset.done $0x0  }
0x76: {  	s20 =	sadd.s32 $0x1900, s24;
	[sflag:s16] =	ssyncadd.s32 $0xFFFFF800  }
0x77: {  	[tilespmem:s20], [sflag:$0x1] =	stream.indirect.gather [hbm4b:s3+s13], $0x10, s21, s13, $0xb8;
	[tilespmem:$0x1B100] =	vst v63  }
0x78: {  	s22 =	sadd.s32 $0x2100, s24;
	s23 =	sadd.s32 $0xFFFFFC00, s19  }
0x79: {  	[tilespmem:s22], [sflag:$0x1] =	stream.indirect.gather [hbm4b:s3+s13], $0x10, s23, s13, $0xb8;
	[tilespmem:$0x1B100] =	vst v63  }
0x7a: {  	s25 =	sadd.s32 $0x2900, s24;
	s26 =	sadd.s32 $0xFFFFFC80, s19  }
0x7b: {  	[tilespmem:s25], [sflag:$0x1] =	stream.indirect.gather [hbm4b:s3+s13], $0x10, s26, s13, $0xb8;
	[tilespmem:$0x1B100] =	vst v63  }
0x7c: {  	s28 =	sadd.s32 $0x3100, s24;
	s29 =	sadd.s32 $0xFFFFFD00, s19  }
0x7d: {  	[tilespmem:s28], [sflag:$0x1] =	stream.indirect.gather [hbm4b:s3+s13], $0x10, s29, s13, $0xb8;
	[tilespmem:$0x1B100] =	vst v63  }
0x7e: {  	s30 =	sadd.s32 $0x3900, s24;
	s31 =	sadd.s32 $0xFFFFFD80, s19  }
0x7f: {  	[tilespmem:s30], [sflag:$0x1] =	stream.indirect.gather [hbm4b:s3+s13], $0x10, s31, s13, $0xb8;
	[tilespmem:$0x1B100] =	vst v63  }
0x80: {  	s21 =	sadd.s32 $0x4100, s24;
	s22 =	sadd.s32 $0xFFFFFE00, s19  }
0x81: {  	[tilespmem:s21], [sflag:$0x1] =	stream.indirect.gather [hbm4b:s3+s13], $0x10, s22, s13, $0xb8;
	[tilespmem:$0x1B100] =	vst v63  }
0x82: {  	s23 =	sadd.s32 $0x4900, s24;
	s25 =	sadd.s32 $0xFFFFFE80, s19  }
0x83: {  	[tilespmem:s23], [sflag:$0x1] =	stream.indirect.gather [hbm4b:s3+s13], $0x10, s25, s13, $0xb8;
	[tilespmem:$0x1B100] =	vst v63  }
0x84: {  	s26 =	sadd.s32 $0x5100, s24;
	s28 =	sadd.s32 $0xFFFFFF00, s19  }
0x85: {  	[tilespmem:s26], [sflag:$0x1] =	stream.indirect.gather [hbm4b:s3+s13], $0x10, s28, s13, $0xb8;
	[tilespmem:$0x1B100] =	vst v63  }
0x86: {  	s29 =	sadd.s32 $0x5900, s24;
	s30 =	sadd.s32 $0xFFFFFF80, s19  }
0x87: {  	[tilespmem:s29], [sflag:$0x1] =	stream.indirect.gather [hbm4b:s3+s13], $0x10, s30, s13, $0xb8;
	[tilespmem:$0x1B100] =	vst v63  }
0x88: {  	s31 =	sadd.s32 $0x6100, s24  }
0x89: {  	[tilespmem:s31], [sflag:$0x1] =	stream.indirect.gather [hbm4b:s3+s13], $0x10, s19, s13, $0xb8;
	[tilespmem:$0x1B100] =	vst v63  }
0x8a: {  	_ =	swait.ge [sflag:s16], $0x800  }
0x8b: {  	[sflag:s16] =	ssyncset.done $0x0  }
0x8c: {  	[sflag:s16] =	ssyncadd.s32 $0xFFFFF800  }
0x8d: {  	_ =	swait.ge [sflag:s16], $0x800  }
0x8e: {  	[sflag:s16] =	ssyncset.done $0x0  }
0x8f: {  	[sflag:s16] =	ssyncadd.s32 $0xFFFFF800  }
0x90: {  	_ =	swait.ge [sflag:s16], $0x800  }
0x91: {  	[sflag:s16] =	ssyncset.done $0x0  }
0x92: {  	[sflag:s16] =	ssyncadd.s32 $0xFFFFF800  }
0x93: {  	_ =	swait.ge [sflag:s16], $0x800  }
0x94: {  	[sflag:s16] =	ssyncset.done $0x0  }
0x95: {  	[sflag:s16] =	ssyncadd.s32 $0xFFFFF800  }
0x96: {  	_ =	swait.ge [sflag:s16], $0x800  }
0x97: {  	[sflag:s16] =	ssyncset.done $0x0  }
0x98: {  	[sflag:s16] =	ssyncadd.s32 $0xFFFFF800  }
0x99: {  	_ =	swait.ge [sflag:s16], $0x800  }
0x9a: {  	[sflag:s16] =	ssyncset.done $0x0  }
0x9b: {  	[sflag:s16] =	ssyncadd.s32 $0xFFFFF800  }
0x9c: {  	_ =	swait.ge [sflag:s16], $0x800  }
0x9d: {  	[sflag:s16] =	ssyncset.done $0x0  }
0x9e: {  	[sflag:s16] =	ssyncadd.s32 $0xFFFFF800  }
0x9f: {  	_ =	swait.ge [sflag:s16], $0x800  }
0xa0: {  	[sflag:s16] =	ssyncset.done $0x0  }
0xa1: {  	[sflag:s16] =	ssyncadd.s32 $0xFFFFF800  }
0xa2: {  	_ =	swait.ge [sflag:s16], $0x800  }
0xa3: {  	[sflag:s16] =	ssyncset.done $0x0  }
0xa4: {  	[sflag:s16] =	ssyncadd.s32 $0xFFFFF800  }
0xa5: {  	_ =	swait.ge [sflag:s16], $0x800  }
0xa6: {  	[sflag:s16] =	ssyncset.done $0x0  }
0xa7: {  	s20 =	simm.s32 $0x1940;
	s19 =	simm.s32 $0x0;
	[sflag:s16] =	ssyncadd.s32 $0xFFFFF800  }
.LBB2_4:
0xa8: {  	v1 =	vmov s20;
	_ =	sdelay $0x3  }
0xa9: {  	s24 =	simm.s32 $0x0  }
0xaa: {  	v0 =	vld.idx.msk [tilespmem:v1+s24+$0x30 ss:$0x1], $0xffff  }
0xab: {  	v4 =	vld.idx.msk [tilespmem:v1+s24+$0xFFFFFFC0 ss:$0x1], $0xffff  }
0xac: {  	v12 =	vld.idx.msk [tilespmem:v1+s24+$0xFFFFFFD0 ss:$0x1], $0xffff  }
0xad: {  	v8 =	vld.idx.msk [tilespmem:v1+s24+$0xFFFFFFE0 ss:$0x1], $0xffff  }
0xae: {  	v6 =	vld.idx.msk [tilespmem:v1+s24+$0xFFFFFFF0 ss:$0x1], $0xffff  }
0xaf: {  	v5 =	vimm.f32 $0.0e+00;
	v14 =	vimm.f32 $0.0e+00;
	v3 =	vld.idx.msk [tilespmem:v1+s24+$0x0 ss:$0x1], $0xffff  }
0xb0: {  	v9 =	vimm.f32 $0.0e+00;
	v13 =	vimm.f32 $0.0e+00;
	v7 =	vimm.f32 $0.0e+00;
	v2 =	vld.idx.msk [tilespmem:v1+s24+$0x10 ss:$0x1], $0xffff  }
0xb1: {  	s21 =	sshll.u32 s19, $0x9;
	s22 =	simm.s32 $0x800;
	s23 =	simm.s32 $0x4000;
	v10 =	vld.idx.msk [tilespmem:v1+s24+$0x20 ss:$0x1], $0xffff;
	v0 =	vadd.f32 v0, v5;
	v11 =	vadd.f32 v4, v5;
	v4 =	vimm.f32 $0.0e+00  }
.LBB2_5:
0xb2: {  	p0 =	sne.s32 s23, $0x62000;
	v15 =	vld.idx.msk [tilespmem:v1+s22+$0x30 ss:$0x1], $0xffff;
	v5 =	vadd.f32 v12, v5  }
0xb3: {  	v14 =	vadd.f32 v8, v14;
	v16 =	vld.idx.msk [tilespmem:v1+s22+$0xFFFFFFC0 ss:$0x1], $0xffff  }
0xb4: {  	v9 =	vadd.f32 v6, v9;
	v12 =	vld.idx.msk [tilespmem:v1+s22+$0xFFFFFFD0 ss:$0x1], $0xffff  }
.Ltmp1:
0xb5: {  	v13 =	vadd.f32 v3, v13;
	v8 =	vld.idx.msk [tilespmem:v1+s22+$0xFFFFFFE0 ss:$0x1], $0xffff;
	(pc) =	sbr.rel @p0 .LBB2_5-.Ltmp1, $4  }
0xb6: {  	v7 =	vadd.f32 v2, v7;
	v6 =	vld.idx.msk [tilespmem:v1+s22+$0xFFFFFFF0 ss:$0x1], $0xffff  }
0xb7: {  	v4 =	vadd.f32 v10, v4;
	v3 =	vld.idx.msk [tilespmem:v1+s22+$0x0 ss:$0x1], $0xffff  }
0xb8: {  	v0 =	vadd.f32 v15, v0;
	v2 =	vld.idx.msk [tilespmem:v1+s22+$0x10 ss:$0x1], $0xffff  }
0xb9: {  	v11 =	vadd.f32 v16, v11;
	v10 =	vld.idx.msk [tilespmem:v1+s22+$0x20 ss:$0x1], $0xffff;
	s22 =	sshra.s32 s23, $0x2;
	s23 =	sadd.s32 $0x2000, s23  }
0xba: {  	_ =	sdelay $0x3  }
0xbb: {  	v16 =	vld.idx.msk [tilespmem:v1+s22+$0xFFFFFFC0 ss:$0x1], $0xffff  }
0xbc: {  	v17 =	vld.idx.msk [tilespmem:v1+s22+$0xFFFFFFD0 ss:$0x1], $0xffff  }
0xbd: {  	v18 =	vld.idx.msk [tilespmem:v1+s22+$0xFFFFFFE0 ss:$0x1], $0xffff  }
0xbe: {  	v19 =	vld.idx.msk [tilespmem:v1+s22+$0xFFFFFFF0 ss:$0x1], $0xffff  }
0xbf: {  	v5 =	vadd.f32 v12, v5;
	v61 =	vld.idx.msk [tilespmem:v1+s22+$0x0 ss:$0x1], $0xffff  }
0xc0: {  	v8 =	vadd.f32 v8, v14;
	v62 =	vld.idx.msk [tilespmem:v1+s22+$0x10 ss:$0x1], $0xffff;
	v11 =	vadd.f32 v16, v11  }
0xc1: {  	v15 =	vld.idx.msk [tilespmem:v1+s22+$0x30 ss:$0x1], $0xffff;
	s21 =	sshrl.u32 s21, $0x2;
	v6 =	vadd.f32 v6, v9;
	v5 =	vadd.f32 v17, v5  }
0xc2: {  	v63 =	vld.idx.msk [tilespmem:v1+s22+$0x20 ss:$0x1], $0xffff;
	v3 =	vadd.f32 v3, v13;
	v8 =	vadd.f32 v18, v8;
	[tilespmem:s21+$0x1A900] =	vst v11  }
0xc3: {  	s19 =	sadd.s32 $0x1, s19;
	v2 =	vadd.f32 v2, v7;
	v6 =	vadd.f32 v19, v6;
	[tilespmem:s21+$0x1A910] =	vst v5  }
0xc4: {  	p0 =	sne.s32 s19, $0x10;
	v3 =	vadd.f32 v61, v3;
	[tilespmem:s21+$0x1A920] =	vst v8  }
.Ltmp2:
0xc5: {  	v4 =	vadd.f32 v10, v4;
	v2 =	vadd.f32 v62, v2;
	[tilespmem:s21+$0x1A930] =	vst v6;
	(pc) =	sbr.rel @p0 .LBB2_4-.Ltmp2, $4  }
0xc6: {  	v0 =	vadd.f32 v15, v0;
	[tilespmem:s21+$0x1A940] =	vst v3  }
0xc7: {  	v1 =	vadd.f32 v63, v4;
	[tilespmem:s21+$0x1A950] =	vst v2  }
0xc8: {  	[tilespmem:s21+$0x1A970] =	vst v0  }
0xc9: {  	s20 =	sadd.s32 $0x80, s20;
	[tilespmem:s21+$0x1A960] =	vst v1  }
0xca: {  	s19 =	simm.s32 $0x0  }
0xcb: {  	[hbm4b:s5+s19] =	stream.linear.scatter [tilespmem:s17], [sflag:$0x2], $0x800, $0x38;
	[tilespmem:$0x1B100] =	vst v63  }
0xcc: {  	_ =	swait.ge [sflag:s15], $0x800  }
0xcd: {  	[sflag:s15] =	ssyncset.done $0x0  }
0xce: {  	[sflag:s15] =	ssyncadd.s32 $0xFFFFF800  }
0xcf: {  	[tilespmem:s19], [sflag:$0x2] =	stream.strided.gather [hbm4b:s6+s13], $0x1900, s14, s13, $0x38;
	[tilespmem:$0x1B100] =	vst v63  }
0xd0: {  	_ =	swait.ge [sflag:s15], $0x1900  }
0xd1: {  	[sflag:s15] =	ssyncset.done $0x0  }
0xd2: {  	s20 =	simm.s32 $0x0;
	s21 =	simm.s32 $0x1900;
	[sflag:s15] =	ssyncadd.s32 $0xFFFFE700  }
0xd3: {  	[tilespmem:s21], [sflag:$0x1] =	stream.indirect.gather [hbm4b:s3+s13], $0x10, s20, s13, $0xb8;
	[tilespmem:$0x1B100] =	vst v63  }
0xd4: {  	s23 =	simm.s32 $0x2100;
	s24 =	simm.s32 $0x80  }
0xd5: {  	[tilespmem:s23], [sflag:$0x1] =	stream.indirect.gather [hbm4b:s3+s13], $0x10, s24, s13, $0xb8;
	[tilespmem:$0x1B100] =	vst v63  }
0xd6: {  	s25 =	simm.s32 $0x2900;
	s26 =	simm.s32 $0x100  }
0xd7: {  	[tilespmem:s25], [sflag:$0x1] =	stream.indirect.gather [hbm4b:s3+s13], $0x10, s26, s13, $0xb8;
	[tilespmem:$0x1B100] =	vst v63  }
0xd8: {  	s28 =	simm.s32 $0x3100;
	s29 =	simm.s32 $0x180  }
0xd9: {  	[tilespmem:s28], [sflag:$0x1] =	stream.indirect.gather [hbm4b:s3+s13], $0x10, s29, s13, $0xb8;
	[tilespmem:$0x1B100] =	vst v63  }
0xda: {  	s30 =	simm.s32 $0x3900;
	s31 =	simm.s32 $0x200  }
0xdb: {  	[tilespmem:s30], [sflag:$0x1] =	stream.indirect.gather [hbm4b:s3+s13], $0x10, s31, s13, $0xb8;
	[tilespmem:$0x1B100] =	vst v63  }
0xdc: {  	s22 =	simm.s32 $0x280;
	s21 =	simm.s32 $0x4100  }
0xdd: {  	[tilespmem:s21], [sflag:$0x1] =	stream.indirect.gather [hbm4b:s3+s13], $0x10, s22, s13, $0xb8;
	[tilespmem:$0x1B100] =	vst v63  }
0xde: {  	s23 =	simm.s32 $0x4900;
	s24 =	simm.s32 $0x300  }
0xdf: {  	[tilespmem:s23], [sflag:$0x1] =	stream.indirect.gather [hbm4b:s3+s13], $0x10, s24, s13, $0xb8;
	[tilespmem:$0x1B100] =	vst v63  }
0xe0: {  	s25 =	simm.s32 $0x5100;
	s26 =	simm.s32 $0x380  }
0xe1: {  	[tilespmem:s25], [sflag:$0x1] =	stream.indirect.gather [hbm4b:s3+s13], $0x10, s26, s13, $0xb8;
	[tilespmem:$0x1B100] =	vst v63  }
0xe2: {  	s28 =	simm.s32 $0x5900;
	s29 =	simm.s32 $0x400  }
0xe3: {  	[tilespmem:s28], [sflag:$0x1] =	stream.indirect.gather [hbm4b:s3+s13], $0x10, s29, s13, $0xb8;
	[tilespmem:$0x1B100] =	vst v63  }
0xe4: {  	s30 =	simm.s32 $0x480;
	s31 =	simm.s32 $0x6100  }
0xe5: {  	[tilespmem:s31], [sflag:$0x1] =	stream.indirect.gather [hbm4b:s3+s13], $0x10, s30, s13, $0xb8;
	[tilespmem:$0x1B100] =	vst v63  }
0xe6: {  	_ =	swait.ge [sflag:s16], $0x800  }
0xe7: {  	[sflag:s16] =	ssyncset.done $0x0  }
0xe8: {  	[sflag:s16] =	ssyncadd.s32 $0xFFFFF800  }
0xe9: {  	_ =	swait.ge [sflag:s16], $0x800  }
0xea: {  	[sflag:s16] =	ssyncset.done $0x0  }
0xeb: {  	[sflag:s16] =	ssyncadd.s32 $0xFFFFF800  }
0xec: {  	_ =	swait.ge [sflag:s16], $0x800  }
0xed: {  	[sflag:s16] =	ssyncset.done $0x0  }
0xee: {  	[sflag:s16] =	ssyncadd.s32 $0xFFFFF800  }
0xef: {  	_ =	swait.ge [sflag:s16], $0x800  }
0xf0: {  	[sflag:s16] =	ssyncset.done $0x0  }
0xf1: {  	[sflag:s16] =	ssyncadd.s32 $0xFFFFF800  }
0xf2: {  	_ =	swait.ge [sflag:s16], $0x800  }
0xf3: {  	[sflag:s16] =	ssyncset.done $0x0  }
0xf4: {  	[sflag:s16] =	ssyncadd.s32 $0xFFFFF800  }
0xf5: {  	_ =	swait.ge [sflag:s16], $0x800  }
0xf6: {  	[sflag:s16] =	ssyncset.done $0x0  }
0xf7: {  	[sflag:s16] =	ssyncadd.s32 $0xFFFFF800  }
0xf8: {  	_ =	swait.ge [sflag:s16], $0x800  }
0xf9: {  	[sflag:s16] =	ssyncset.done $0x0  }
0xfa: {  	[sflag:s16] =	ssyncadd.s32 $0xFFFFF800  }
0xfb: {  	_ =	swait.ge [sflag:s16], $0x800  }
0xfc: {  	[sflag:s16] =	ssyncset.done $0x0  }
0xfd: {  	[sflag:s16] =	ssyncadd.s32 $0xFFFFF800  }
0xfe: {  	_ =	swait.ge [sflag:s16], $0x800  }
0xff: {  	[sflag:s16] =	ssyncset.done $0x0  }
0x100: {  	s20 =	simm.s32 $0x980;
	[sflag:s16] =	ssyncadd.s32 $0xFFFFF800  }
0x101: {  	s22 =	simm.s32 $0x500;
	s21 =	simm.s32 $0xE80;
	_ =	swait.ge [sflag:s16], $0x800  }
0x102: {  	s26 =	simm.s32 $0x28000;
	s25 =	simm.s32 $0x5000;
	[sflag:s16] =	ssyncset.done $0x0  }
.LBB2_8:
0x103: {  	s28 =	sadd.s32 $0xFFFFFB80, s21  }
0x104: {  	s24 =	sadd.s32 $0x1900, s25;
	[sflag:s16] =	ssyncadd.s32 $0xFFFFF800;
	s23 =	smov.u32 s26  }
0x105: {  	[tilespmem:s24], [sflag:$0x1] =	stream.indirect.gather [hbm4b:s3+s13], $0x10, s22, s13, $0xb8;
	[tilespmem:$0x1B100] =	vst v63  }
0x106: {  	s29 =	sadd.s32 $0xFFFFFC00, s20;
	s24 =	sadd.s32 $0x14000, s26;
	s22 =	sadd.s32 $0x2100, s25  }
0x107: {  	[tilespmem:s22], [sflag:$0x1] =	stream.indirect.gather [hbm4b:s3+s13], $0x10, s29, s13, $0xb8;
	[tilespmem:$0x1B100] =	vst v63  }
0x108: {  	p0 =	sne.s32 s26, $0x50000;
	s26 =	sadd.s32 $0xFFFFFC80, s20;
	s22 =	sadd.s32 $0x2900, s25  }
0x109: {  	[tilespmem:s22], [sflag:$0x1] =	stream.indirect.gather [hbm4b:s3+s13], $0x10, s26, s13, $0xb8;
	[tilespmem:$0x1B100] =	vst v63  }
0x10a: {  	s29 =	sadd.s32 $0xFFFFFD00, s20;
	s26 =	sadd.s32 $0x3100, s25;
	s22 =	smov.u32 s28  }
0x10b: {  	[tilespmem:s26], [sflag:$0x1] =	stream.indirect.gather [hbm4b:s3+s13], $0x10, s29, s13, $0xb8;
	[tilespmem:$0x1B100] =	vst v63  }
0x10c: {  	s28 =	sadd.s32 $0xFFFFFD80, s20;
	s26 =	sadd.s32 $0x3900, s25  }
0x10d: {  	[tilespmem:s26], [sflag:$0x1] =	stream.indirect.gather [hbm4b:s3+s13], $0x10, s28, s13, $0xb8;
	[tilespmem:$0x1B100] =	vst v63  }
0x10e: {  	s26 =	sadd.s32 $0x4100, s25;
	s28 =	sadd.s32 $0xFFFFFE00, s20  }
0x10f: {  	[tilespmem:s26], [sflag:$0x1] =	stream.indirect.gather [hbm4b:s3+s13], $0x10, s28, s13, $0xb8;
	[tilespmem:$0x1B100] =	vst v63  }
0x110: {  	s26 =	sadd.s32 $0x4900, s25;
	s28 =	sadd.s32 $0xFFFFFE80, s20  }
0x111: {  	[tilespmem:s26], [sflag:$0x1] =	stream.indirect.gather [hbm4b:s3+s13], $0x10, s28, s13, $0xb8;
	[tilespmem:$0x1B100] =	vst v63  }
0x112: {  	s26 =	sadd.s32 $0x5100, s25;
	s28 =	sadd.s32 $0xFFFFFF00, s20  }
0x113: {  	[tilespmem:s26], [sflag:$0x1] =	stream.indirect.gather [hbm4b:s3+s13], $0x10, s28, s13, $0xb8;
	[tilespmem:$0x1B100] =	vst v63  }
0x114: {  	s26 =	sadd.s32 $0x5900, s25;
	s28 =	sadd.s32 $0xFFFFFF80, s20  }
0x115: {  	[tilespmem:s26], [sflag:$0x1] =	stream.indirect.gather [hbm4b:s3+s13], $0x10, s28, s13, $0xb8;
	[tilespmem:$0x1B100] =	vst v63  }
0x116: {  	s25 =	sadd.s32 $0x6100, s25  }
0x117: {  	[tilespmem:s25], [sflag:$0x1] =	stream.indirect.gather [hbm4b:s3+s13], $0x10, s20, s13, $0xb8;
	[tilespmem:$0x1B100] =	vst v63  }
0x118: {  	s20 =	smov.u32 s21;
	_ =	swait.ge [sflag:s16], $0x800  }
0x119: {  	[sflag:s16] =	ssyncset.done $0x0  }
0x11a: {  	[sflag:s16] =	ssyncadd.s32 $0xFFFFF800  }
0x11b: {  	_ =	swait.ge [sflag:s16], $0x800  }
0x11c: {  	[sflag:s16] =	ssyncset.done $0x0  }
0x11d: {  	[sflag:s16] =	ssyncadd.s32 $0xFFFFF800  }
0x11e: {  	_ =	swait.ge [sflag:s16], $0x800  }
0x11f: {  	[sflag:s16] =	ssyncset.done $0x0  }
0x120: {  	[sflag:s16] =	ssyncadd.s32 $0xFFFFF800  }
0x121: {  	_ =	swait.ge [sflag:s16], $0x800  }
0x122: {  	[sflag:s16] =	ssyncset.done $0x0  }
0x123: {  	[sflag:s16] =	ssyncadd.s32 $0xFFFFF800  }
0x124: {  	_ =	swait.ge [sflag:s16], $0x800  }
0x125: {  	[sflag:s16] =	ssyncset.done $0x0  }
0x126: {  	[sflag:s16] =	ssyncadd.s32 $0xFFFFF800  }
0x127: {  	_ =	swait.ge [sflag:s16], $0x800  }
0x128: {  	[sflag:s16] =	ssyncset.done $0x0  }
0x129: {  	[sflag:s16] =	ssyncadd.s32 $0xFFFFF800  }
0x12a: {  	_ =	swait.ge [sflag:s16], $0x800  }
0x12b: {  	[sflag:s16] =	ssyncset.done $0x0  }
0x12c: {  	[sflag:s16] =	ssyncadd.s32 $0xFFFFF800  }
0x12d: {  	_ =	swait.ge [sflag:s16], $0x800  }
0x12e: {  	[sflag:s16] =	ssyncset.done $0x0  }
0x12f: {  	[sflag:s16] =	ssyncadd.s32 $0xFFFFF800  }
.Ltmp3:
0x130: {  	_ =	swait.ge [sflag:s16], $0x800;
	(pc) =	sbr.rel @p0 .LBB2_8-.Ltmp3, $4  }
0x131: {  	[sflag:s16] =	ssyncset.done $0x0  }
0x132: {  	[sflag:s16] =	ssyncadd.s32 $0xFFFFF800  }
0x133: {  	s26 =	smov.u32 s24;
	_ =	swait.ge [sflag:s16], $0x800  }
0x134: {  	s25 =	sshra.s32 s23, $0x2;
	s21 =	sadd.s32 $0x500, s21;
	[sflag:s16] =	ssyncset.done $0x0  }
0x135: {  	s21 =	sadd.s32 $0x1900, s25;
	[sflag:s16] =	ssyncadd.s32 $0xFFFFF800  }
0x136: {  	[tilespmem:s21], [sflag:$0x1] =	stream.indirect.gather [hbm4b:s3+s13], $0x10, s22, s13, $0xb8;
	[tilespmem:$0x1B100] =	vst v63  }
0x137: {  	s30 =	sadd.s32 $0x2100, s25;
	s31 =	sadd.s32 $0xFFFFFC00, s20  }
0x138: {  	[tilespmem:s30], [sflag:$0x1] =	stream.indirect.gather [hbm4b:s3+s13], $0x10, s31, s13, $0xb8;
	[tilespmem:$0x1B100] =	vst v63  }
0x139: {  	s23 =	sadd.s32 $0xFFFFFC80, s20;
	s22 =	sadd.s32 $0x2900, s25  }
0x13a: {  	[tilespmem:s22], [sflag:$0x1] =	stream.indirect.gather [hbm4b:s3+s13], $0x10, s23, s13, $0xb8;
	[tilespmem:$0x1B100] =	vst v63  }
0x13b: {  	s24 =	sadd.s32 $0x3100, s25;
	s26 =	sadd.s32 $0xFFFFFD00, s20  }
0x13c: {  	[tilespmem:s24], [sflag:$0x1] =	stream.indirect.gather [hbm4b:s3+s13], $0x10, s26, s13, $0xb8;
	[tilespmem:$0x1B100] =	vst v63  }
0x13d: {  	s28 =	sadd.s32 $0x3900, s25;
	s29 =	sadd.s32 $0xFFFFFD80, s20  }
0x13e: {  	[tilespmem:s28], [sflag:$0x1] =	stream.indirect.gather [hbm4b:s3+s13], $0x10, s29, s13, $0xb8;
	[tilespmem:$0x1B100] =	vst v63  }
0x13f: {  	s30 =	sadd.s32 $0x4100, s25;
	s31 =	sadd.s32 $0xFFFFFE00, s20  }
0x140: {  	[tilespmem:s30], [sflag:$0x1] =	stream.indirect.gather [hbm4b:s3+s13], $0x10, s31, s13, $0xb8;
	[tilespmem:$0x1B100] =	vst v63  }
0x141: {  	s23 =	sadd.s32 $0x4900, s25;
	s24 =	sadd.s32 $0xFFFFFE80, s20  }
0x142: {  	[tilespmem:s23], [sflag:$0x1] =	stream.indirect.gather [hbm4b:s3+s13], $0x10, s24, s13, $0xb8;
	[tilespmem:$0x1B100] =	vst v63  }
0x143: {  	s26 =	sadd.s32 $0x5100, s25;
	s28 =	sadd.s32 $0xFFFFFF00, s20  }
0x144: {  	[tilespmem:s26], [sflag:$0x1] =	stream.indirect.gather [hbm4b:s3+s13], $0x10, s28, s13, $0xb8;
	[tilespmem:$0x1B100] =	vst v63  }
0x145: {  	s29 =	sadd.s32 $0x5900, s25;
	s30 =	sadd.s32 $0xFFFFFF80, s20  }
0x146: {  	[tilespmem:s29], [sflag:$0x1] =	stream.indirect.gather [hbm4b:s3+s13], $0x10, s30, s13, $0xb8;
	[tilespmem:$0x1B100] =	vst v63  }
0x147: {  	s31 =	sadd.s32 $0x6100, s25  }
0x148: {  	[tilespmem:s31], [sflag:$0x1] =	stream.indirect.gather [hbm4b:s3+s13], $0x10, s20, s13, $0xb8;
	[tilespmem:$0x1B100] =	vst v63  }
0x149: {  	_ =	swait.ge [sflag:s16], $0x800  }
0x14a: {  	[sflag:s16] =	ssyncset.done $0x0  }
0x14b: {  	[sflag:s16] =	ssyncadd.s32 $0xFFFFF800  }
0x14c: {  	_ =	swait.ge [sflag:s16], $0x800  }
0x14d: {  	[sflag:s16] =	ssyncset.done $0x0  }
0x14e: {  	[sflag:s16] =	ssyncadd.s32 $0xFFFFF800  }
0x14f: {  	_ =	swait.ge [sflag:s16], $0x800  }
0x150: {  	[sflag:s16] =	ssyncset.done $0x0  }
0x151: {  	[sflag:s16] =	ssyncadd.s32 $0xFFFFF800  }
0x152: {  	_ =	swait.ge [sflag:s16], $0x800  }
0x153: {  	[sflag:s16] =	ssyncset.done $0x0  }
0x154: {  	[sflag:s16] =	ssyncadd.s32 $0xFFFFF800  }
0x155: {  	_ =	swait.ge [sflag:s16], $0x800  }
0x156: {  	[sflag:s16] =	ssyncset.done $0x0  }
0x157: {  	[sflag:s16] =	ssyncadd.s32 $0xFFFFF800  }
0x158: {  	_ =	swait.ge [sflag:s16], $0x800  }
0x159: {  	[sflag:s16] =	ssyncset.done $0x0  }
0x15a: {  	[sflag:s16] =	ssyncadd.s32 $0xFFFFF800  }
0x15b: {  	_ =	swait.ge [sflag:s16], $0x800  }
0x15c: {  	[sflag:s16] =	ssyncset.done $0x0  }
0x15d: {  	[sflag:s16] =	ssyncadd.s32 $0xFFFFF800  }
0x15e: {  	_ =	swait.ge [sflag:s16], $0x800  }
0x15f: {  	[sflag:s16] =	ssyncset.done $0x0  }
0x160: {  	[sflag:s16] =	ssyncadd.s32 $0xFFFFF800  }
0x161: {  	_ =	swait.ge [sflag:s16], $0x800  }
0x162: {  	[sflag:s16] =	ssyncset.done $0x0  }
0x163: {  	[sflag:s16] =	ssyncadd.s32 $0xFFFFF800  }
0x164: {  	_ =	swait.ge [sflag:s16], $0x800  }
0x165: {  	[sflag:s16] =	ssyncset.done $0x0  }
0x166: {  	s20 =	simm.s32 $0x1940;
	[sflag:s16] =	ssyncadd.s32 $0xFFFFF800  }
.LBB2_10:
0x167: {  	v1 =	vmov s20;
	_ =	sdelay $0x3  }
0x168: {  	s24 =	simm.s32 $0x0  }
0x169: {  	v0 =	vld.idx.msk [tilespmem:v1+s24+$0x30 ss:$0x1], $0xffff  }
0x16a: {  	v4 =	vld.idx.msk [tilespmem:v1+s24+$0xFFFFFFC0 ss:$0x1], $0xffff  }
0x16b: {  	v12 =	vld.idx.msk [tilespmem:v1+s24+$0xFFFFFFD0 ss:$0x1], $0xffff  }
0x16c: {  	v8 =	vld.idx.msk [tilespmem:v1+s24+$0xFFFFFFE0 ss:$0x1], $0xffff  }
0x16d: {  	v6 =	vld.idx.msk [tilespmem:v1+s24+$0xFFFFFFF0 ss:$0x1], $0xffff  }
0x16e: {  	v5 =	vimm.f32 $0.0e+00;
	v14 =	vimm.f32 $0.0e+00;
	v3 =	vld.idx.msk [tilespmem:v1+s24+$0x0 ss:$0x1], $0xffff  }
0x16f: {  	v9 =	vimm.f32 $0.0e+00;
	v13 =	vimm.f32 $0.0e+00;
	v7 =	vimm.f32 $0.0e+00;
	v2 =	vld.idx.msk [tilespmem:v1+s24+$0x10 ss:$0x1], $0xffff  }
0x170: {  	s21 =	sshll.u32 s19, $0x9;
	s22 =	simm.s32 $0x800;
	s23 =	simm.s32 $0x4000;
	v10 =	vld.idx.msk [tilespmem:v1+s24+$0x20 ss:$0x1], $0xffff;
	v0 =	vadd.f32 v0, v5;
	v11 =	vadd.f32 v4, v5;
	v4 =	vimm.f32 $0.0e+00  }
.LBB2_11:
0x171: {  	p0 =	sne.s32 s23, $0x62000;
	v15 =	vld.idx.msk [tilespmem:v1+s22+$0x30 ss:$0x1], $0xffff;
	v5 =	vadd.f32 v12, v5  }
0x172: {  	v14 =	vadd.f32 v8, v14;
	v16 =	vld.idx.msk [tilespmem:v1+s22+$0xFFFFFFC0 ss:$0x1], $0xffff  }
0x173: {  	v9 =	vadd.f32 v6, v9;
	v12 =	vld.idx.msk [tilespmem:v1+s22+$0xFFFFFFD0 ss:$0x1], $0xffff  }
.Ltmp4:
0x174: {  	v13 =	vadd.f32 v3, v13;
	v8 =	vld.idx.msk [tilespmem:v1+s22+$0xFFFFFFE0 ss:$0x1], $0xffff;
	(pc) =	sbr.rel @p0 .LBB2_11-.Ltmp4, $4  }
0x175: {  	v7 =	vadd.f32 v2, v7;
	v6 =	vld.idx.msk [tilespmem:v1+s22+$0xFFFFFFF0 ss:$0x1], $0xffff  }
0x176: {  	v4 =	vadd.f32 v10, v4;
	v3 =	vld.idx.msk [tilespmem:v1+s22+$0x0 ss:$0x1], $0xffff  }
0x177: {  	v0 =	vadd.f32 v15, v0;
	v2 =	vld.idx.msk [tilespmem:v1+s22+$0x10 ss:$0x1], $0xffff  }
0x178: {  	v11 =	vadd.f32 v16, v11;
	v10 =	vld.idx.msk [tilespmem:v1+s22+$0x20 ss:$0x1], $0xffff;
	s22 =	sshra.s32 s23, $0x2;
	s23 =	sadd.s32 $0x2000, s23  }
0x179: {  	_ =	sdelay $0x3  }
0x17a: {  	v16 =	vld.idx.msk [tilespmem:v1+s22+$0xFFFFFFC0 ss:$0x1], $0xffff  }
0x17b: {  	v17 =	vld.idx.msk [tilespmem:v1+s22+$0xFFFFFFD0 ss:$0x1], $0xffff  }
0x17c: {  	v18 =	vld.idx.msk [tilespmem:v1+s22+$0xFFFFFFE0 ss:$0x1], $0xffff  }
0x17d: {  	v19 =	vld.idx.msk [tilespmem:v1+s22+$0xFFFFFFF0 ss:$0x1], $0xffff  }
0x17e: {  	v5 =	vadd.f32 v12, v5;
	v61 =	vld.idx.msk [tilespmem:v1+s22+$0x0 ss:$0x1], $0xffff  }
0x17f: {  	v8 =	vadd.f32 v8, v14;
	v62 =	vld.idx.msk [tilespmem:v1+s22+$0x10 ss:$0x1], $0xffff;
	v11 =	vadd.f32 v16, v11  }
0x180: {  	v15 =	vld.idx.msk [tilespmem:v1+s22+$0x30 ss:$0x1], $0xffff;
	s21 =	sshrl.u32 s21, $0x2;
	v6 =	vadd.f32 v6, v9;
	v5 =	vadd.f32 v17, v5  }
0x181: {  	v63 =	vld.idx.msk [tilespmem:v1+s22+$0x20 ss:$0x1], $0xffff;
	v3 =	vadd.f32 v3, v13;
	v8 =	vadd.f32 v18, v8;
	[tilespmem:s21+$0x1A900] =	vst v11  }
0x182: {  	s19 =	sadd.s32 $0x1, s19;
	v2 =	vadd.f32 v2, v7;
	v6 =	vadd.f32 v19, v6;
	[tilespmem:s21+$0x1A910] =	vst v5  }
0x183: {  	p0 =	sne.s32 s19, $0x10;
	v3 =	vadd.f32 v61, v3;
	[tilespmem:s21+$0x1A920] =	vst v8  }
.Ltmp5:
0x184: {  	v4 =	vadd.f32 v10, v4;
	v2 =	vadd.f32 v62, v2;
	[tilespmem:s21+$0x1A930] =	vst v6;
	(pc) =	sbr.rel @p0 .LBB2_10-.Ltmp5, $4  }
0x185: {  	v0 =	vadd.f32 v15, v0;
	[tilespmem:s21+$0x1A940] =	vst v3  }
0x186: {  	v1 =	vadd.f32 v63, v4;
	[tilespmem:s21+$0x1A950] =	vst v2  }
0x187: {  	[tilespmem:s21+$0x1A970] =	vst v0  }
0x188: {  	s20 =	sadd.s32 $0x80, s20;
	[tilespmem:s21+$0x1A960] =	vst v1  }
0x189: {  	s19 =	simm.s32 $0x0  }
0x18a: {  	[hbm4b:s7+s19] =	stream.linear.scatter [tilespmem:s17], [sflag:$0x2], $0x800, $0x38;
	[tilespmem:$0x1B100] =	vst v63  }
0x18b: {  	_ =	swait.ge [sflag:s15], $0x800  }
0x18c: {  	[sflag:s15] =	ssyncset.done $0x0  }
0x18d: {  	[sflag:s15] =	ssyncadd.s32 $0xFFFFF800  }
0x18e: {  	[tilespmem:s19], [sflag:$0x2] =	stream.strided.gather [hbm4b:s8+s13], $0x1900, s14, s13, $0x38;
	[tilespmem:$0x1B100] =	vst v63  }
0x18f: {  	_ =	swait.ge [sflag:s15], $0x1900  }
0x190: {  	[sflag:s15] =	ssyncset.done $0x0  }
0x191: {  	s20 =	simm.s32 $0x0;
	s21 =	simm.s32 $0x1900;
	[sflag:s15] =	ssyncadd.s32 $0xFFFFE700  }
0x192: {  	[tilespmem:s21], [sflag:$0x1] =	stream.indirect.gather [hbm4b:s3+s13], $0x10, s20, s13, $0xb8;
	[tilespmem:$0x1B100] =	vst v63  }
0x193: {  	s23 =	simm.s32 $0x2100;
	s24 =	simm.s32 $0x80  }
0x194: {  	[tilespmem:s23], [sflag:$0x1] =	stream.indirect.gather [hbm4b:s3+s13], $0x10, s24, s13, $0xb8;
	[tilespmem:$0x1B100] =	vst v63  }
0x195: {  	s25 =	simm.s32 $0x2900;
	s26 =	simm.s32 $0x100  }
0x196: {  	[tilespmem:s25], [sflag:$0x1] =	stream.indirect.gather [hbm4b:s3+s13], $0x10, s26, s13, $0xb8;
	[tilespmem:$0x1B100] =	vst v63  }
0x197: {  	s28 =	simm.s32 $0x3100;
	s29 =	simm.s32 $0x180  }
0x198: {  	[tilespmem:s28], [sflag:$0x1] =	stream.indirect.gather [hbm4b:s3+s13], $0x10, s29, s13, $0xb8;
	[tilespmem:$0x1B100] =	vst v63  }
0x199: {  	s30 =	simm.s32 $0x3900;
	s31 =	simm.s32 $0x200  }
0x19a: {  	[tilespmem:s30], [sflag:$0x1] =	stream.indirect.gather [hbm4b:s3+s13], $0x10, s31, s13, $0xb8;
	[tilespmem:$0x1B100] =	vst v63  }
0x19b: {  	s22 =	simm.s32 $0x280;
	s21 =	simm.s32 $0x4100  }
0x19c: {  	[tilespmem:s21], [sflag:$0x1] =	stream.indirect.gather [hbm4b:s3+s13], $0x10, s22, s13, $0xb8;
	[tilespmem:$0x1B100] =	vst v63  }
0x19d: {  	s23 =	simm.s32 $0x4900;
	s24 =	simm.s32 $0x300  }
0x19e: {  	[tilespmem:s23], [sflag:$0x1] =	stream.indirect.gather [hbm4b:s3+s13], $0x10, s24, s13, $0xb8;
	[tilespmem:$0x1B100] =	vst v63  }
0x19f: {  	s25 =	simm.s32 $0x5100;
	s26 =	simm.s32 $0x380  }
0x1a0: {  	[tilespmem:s25], [sflag:$0x1] =	stream.indirect.gather [hbm4b:s3+s13], $0x10, s26, s13, $0xb8;
	[tilespmem:$0x1B100] =	vst v63  }
0x1a1: {  	s28 =	simm.s32 $0x5900;
	s29 =	simm.s32 $0x400  }
0x1a2: {  	[tilespmem:s28], [sflag:$0x1] =	stream.indirect.gather [hbm4b:s3+s13], $0x10, s29, s13, $0xb8;
	[tilespmem:$0x1B100] =	vst v63  }
0x1a3: {  	s30 =	simm.s32 $0x480;
	s31 =	simm.s32 $0x6100  }
0x1a4: {  	[tilespmem:s31], [sflag:$0x1] =	stream.indirect.gather [hbm4b:s3+s13], $0x10, s30, s13, $0xb8;
	[tilespmem:$0x1B100] =	vst v63  }
0x1a5: {  	_ =	swait.ge [sflag:s16], $0x800  }
0x1a6: {  	[sflag:s16] =	ssyncset.done $0x0  }
0x1a7: {  	[sflag:s16] =	ssyncadd.s32 $0xFFFFF800  }
0x1a8: {  	_ =	swait.ge [sflag:s16], $0x800  }
0x1a9: {  	[sflag:s16] =	ssyncset.done $0x0  }
0x1aa: {  	[sflag:s16] =	ssyncadd.s32 $0xFFFFF800  }
0x1ab: {  	_ =	swait.ge [sflag:s16], $0x800  }
0x1ac: {  	[sflag:s16] =	ssyncset.done $0x0  }
0x1ad: {  	[sflag:s16] =	ssyncadd.s32 $0xFFFFF800  }
0x1ae: {  	_ =	swait.ge [sflag:s16], $0x800  }
0x1af: {  	[sflag:s16] =	ssyncset.done $0x0  }
0x1b0: {  	[sflag:s16] =	ssyncadd.s32 $0xFFFFF800  }
0x1b1: {  	_ =	swait.ge [sflag:s16], $0x800  }
0x1b2: {  	[sflag:s16] =	ssyncset.done $0x0  }
0x1b3: {  	[sflag:s16] =	ssyncadd.s32 $0xFFFFF800  }
0x1b4: {  	_ =	swait.ge [sflag:s16], $0x800  }
0x1b5: {  	[sflag:s16] =	ssyncset.done $0x0  }
0x1b6: {  	[sflag:s16] =	ssyncadd.s32 $0xFFFFF800  }
0x1b7: {  	_ =	swait.ge [sflag:s16], $0x800  }
0x1b8: {  	[sflag:s16] =	ssyncset.done $0x0  }
0x1b9: {  	[sflag:s16] =	ssyncadd.s32 $0xFFFFF800  }
0x1ba: {  	_ =	swait.ge [sflag:s16], $0x800  }
0x1bb: {  	[sflag:s16] =	ssyncset.done $0x0  }
0x1bc: {  	[sflag:s16] =	ssyncadd.s32 $0xFFFFF800  }
0x1bd: {  	_ =	swait.ge [sflag:s16], $0x800  }
0x1be: {  	[sflag:s16] =	ssyncset.done $0x0  }
0x1bf: {  	s20 =	simm.s32 $0x980;
	[sflag:s16] =	ssyncadd.s32 $0xFFFFF800  }
0x1c0: {  	s22 =	simm.s32 $0x500;
	s21 =	simm.s32 $0xE80;
	_ =	swait.ge [sflag:s16], $0x800  }
0x1c1: {  	s26 =	simm.s32 $0x28000;
	s25 =	simm.s32 $0x5000;
	[sflag:s16] =	ssyncset.done $0x0  }
.LBB2_14:
0x1c2: {  	s28 =	sadd.s32 $0xFFFFFB80, s21  }
0x1c3: {  	s24 =	sadd.s32 $0x1900, s25;
	[sflag:s16] =	ssyncadd.s32 $0xFFFFF800;
	s23 =	smov.u32 s26  }
0x1c4: {  	[tilespmem:s24], [sflag:$0x1] =	stream.indirect.gather [hbm4b:s3+s13], $0x10, s22, s13, $0xb8;
	[tilespmem:$0x1B100] =	vst v63  }
0x1c5: {  	s29 =	sadd.s32 $0xFFFFFC00, s20;
	s24 =	sadd.s32 $0x14000, s26;
	s22 =	sadd.s32 $0x2100, s25  }
0x1c6: {  	[tilespmem:s22], [sflag:$0x1] =	stream.indirect.gather [hbm4b:s3+s13], $0x10, s29, s13, $0xb8;
	[tilespmem:$0x1B100] =	vst v63  }
0x1c7: {  	p0 =	sne.s32 s26, $0x50000;
	s26 =	sadd.s32 $0xFFFFFC80, s20;
	s22 =	sadd.s32 $0x2900, s25  }
0x1c8: {  	[tilespmem:s22], [sflag:$0x1] =	stream.indirect.gather [hbm4b:s3+s13], $0x10, s26, s13, $0xb8;
	[tilespmem:$0x1B100] =	vst v63  }
0x1c9: {  	s29 =	sadd.s32 $0xFFFFFD00, s20;
	s26 =	sadd.s32 $0x3100, s25;
	s22 =	smov.u32 s28  }
0x1ca: {  	[tilespmem:s26], [sflag:$0x1] =	stream.indirect.gather [hbm4b:s3+s13], $0x10, s29, s13, $0xb8;
	[tilespmem:$0x1B100] =	vst v63  }
0x1cb: {  	s28 =	sadd.s32 $0xFFFFFD80, s20;
	s26 =	sadd.s32 $0x3900, s25  }
0x1cc: {  	[tilespmem:s26], [sflag:$0x1] =	stream.indirect.gather [hbm4b:s3+s13], $0x10, s28, s13, $0xb8;
	[tilespmem:$0x1B100] =	vst v63  }
0x1cd: {  	s26 =	sadd.s32 $0x4100, s25;
	s28 =	sadd.s32 $0xFFFFFE00, s20  }
0x1ce: {  	[tilespmem:s26], [sflag:$0x1] =	stream.indirect.gather [hbm4b:s3+s13], $0x10, s28, s13, $0xb8;
	[tilespmem:$0x1B100] =	vst v63  }
0x1cf: {  	s26 =	sadd.s32 $0x4900, s25;
	s28 =	sadd.s32 $0xFFFFFE80, s20  }
0x1d0: {  	[tilespmem:s26], [sflag:$0x1] =	stream.indirect.gather [hbm4b:s3+s13], $0x10, s28, s13, $0xb8;
	[tilespmem:$0x1B100] =	vst v63  }
0x1d1: {  	s26 =	sadd.s32 $0x5100, s25;
	s28 =	sadd.s32 $0xFFFFFF00, s20  }
0x1d2: {  	[tilespmem:s26], [sflag:$0x1] =	stream.indirect.gather [hbm4b:s3+s13], $0x10, s28, s13, $0xb8;
	[tilespmem:$0x1B100] =	vst v63  }
0x1d3: {  	s26 =	sadd.s32 $0x5900, s25;
	s28 =	sadd.s32 $0xFFFFFF80, s20  }
0x1d4: {  	[tilespmem:s26], [sflag:$0x1] =	stream.indirect.gather [hbm4b:s3+s13], $0x10, s28, s13, $0xb8;
	[tilespmem:$0x1B100] =	vst v63  }
0x1d5: {  	s25 =	sadd.s32 $0x6100, s25  }
0x1d6: {  	[tilespmem:s25], [sflag:$0x1] =	stream.indirect.gather [hbm4b:s3+s13], $0x10, s20, s13, $0xb8;
	[tilespmem:$0x1B100] =	vst v63  }
0x1d7: {  	s20 =	smov.u32 s21;
	_ =	swait.ge [sflag:s16], $0x800  }
0x1d8: {  	[sflag:s16] =	ssyncset.done $0x0  }
0x1d9: {  	[sflag:s16] =	ssyncadd.s32 $0xFFFFF800  }
0x1da: {  	_ =	swait.ge [sflag:s16], $0x800  }
0x1db: {  	[sflag:s16] =	ssyncset.done $0x0  }
0x1dc: {  	[sflag:s16] =	ssyncadd.s32 $0xFFFFF800  }
0x1dd: {  	_ =	swait.ge [sflag:s16], $0x800  }
0x1de: {  	[sflag:s16] =	ssyncset.done $0x0  }
0x1df: {  	[sflag:s16] =	ssyncadd.s32 $0xFFFFF800  }
0x1e0: {  	_ =	swait.ge [sflag:s16], $0x800  }
0x1e1: {  	[sflag:s16] =	ssyncset.done $0x0  }
0x1e2: {  	[sflag:s16] =	ssyncadd.s32 $0xFFFFF800  }
0x1e3: {  	_ =	swait.ge [sflag:s16], $0x800  }
0x1e4: {  	[sflag:s16] =	ssyncset.done $0x0  }
0x1e5: {  	[sflag:s16] =	ssyncadd.s32 $0xFFFFF800  }
0x1e6: {  	_ =	swait.ge [sflag:s16], $0x800  }
0x1e7: {  	[sflag:s16] =	ssyncset.done $0x0  }
0x1e8: {  	[sflag:s16] =	ssyncadd.s32 $0xFFFFF800  }
0x1e9: {  	_ =	swait.ge [sflag:s16], $0x800  }
0x1ea: {  	[sflag:s16] =	ssyncset.done $0x0  }
0x1eb: {  	[sflag:s16] =	ssyncadd.s32 $0xFFFFF800  }
0x1ec: {  	_ =	swait.ge [sflag:s16], $0x800  }
0x1ed: {  	[sflag:s16] =	ssyncset.done $0x0  }
0x1ee: {  	[sflag:s16] =	ssyncadd.s32 $0xFFFFF800  }
.Ltmp6:
0x1ef: {  	_ =	swait.ge [sflag:s16], $0x800;
	(pc) =	sbr.rel @p0 .LBB2_14-.Ltmp6, $4  }
0x1f0: {  	[sflag:s16] =	ssyncset.done $0x0  }
0x1f1: {  	[sflag:s16] =	ssyncadd.s32 $0xFFFFF800  }
0x1f2: {  	s26 =	smov.u32 s24;
	_ =	swait.ge [sflag:s16], $0x800  }
0x1f3: {  	s25 =	sshra.s32 s23, $0x2;
	s21 =	sadd.s32 $0x500, s21;
	[sflag:s16] =	ssyncset.done $0x0  }
0x1f4: {  	s21 =	sadd.s32 $0x1900, s25;
	[sflag:s16] =	ssyncadd.s32 $0xFFFFF800  }
0x1f5: {  	[tilespmem:s21], [sflag:$0x1] =	stream.indirect.gather [hbm4b:s3+s13], $0x10, s22, s13, $0xb8;
	[tilespmem:$0x1B100] =	vst v63  }
0x1f6: {  	s30 =	sadd.s32 $0x2100, s25;
	s31 =	sadd.s32 $0xFFFFFC00, s20  }
0x1f7: {  	[tilespmem:s30], [sflag:$0x1] =	stream.indirect.gather [hbm4b:s3+s13], $0x10, s31, s13, $0xb8;
	[tilespmem:$0x1B100] =	vst v63  }
0x1f8: {  	s23 =	sadd.s32 $0xFFFFFC80, s20;
	s22 =	sadd.s32 $0x2900, s25  }
0x1f9: {  	[tilespmem:s22], [sflag:$0x1] =	stream.indirect.gather [hbm4b:s3+s13], $0x10, s23, s13, $0xb8;
	[tilespmem:$0x1B100] =	vst v63  }
0x1fa: {  	s24 =	sadd.s32 $0x3100, s25;
	s26 =	sadd.s32 $0xFFFFFD00, s20  }
0x1fb: {  	[tilespmem:s24], [sflag:$0x1] =	stream.indirect.gather [hbm4b:s3+s13], $0x10, s26, s13, $0xb8;
	[tilespmem:$0x1B100] =	vst v63  }
0x1fc: {  	s28 =	sadd.s32 $0x3900, s25;
	s29 =	sadd.s32 $0xFFFFFD80, s20  }
0x1fd: {  	[tilespmem:s28], [sflag:$0x1] =	stream.indirect.gather [hbm4b:s3+s13], $0x10, s29, s13, $0xb8;
	[tilespmem:$0x1B100] =	vst v63  }
0x1fe: {  	s30 =	sadd.s32 $0x4100, s25;
	s31 =	sadd.s32 $0xFFFFFE00, s20  }
0x1ff: {  	[tilespmem:s30], [sflag:$0x1] =	stream.indirect.gather [hbm4b:s3+s13], $0x10, s31, s13, $0xb8;
	[tilespmem:$0x1B100] =	vst v63  }
0x200: {  	s23 =	sadd.s32 $0x4900, s25;
	s24 =	sadd.s32 $0xFFFFFE80, s20  }
0x201: {  	[tilespmem:s23], [sflag:$0x1] =	stream.indirect.gather [hbm4b:s3+s13], $0x10, s24, s13, $0xb8;
	[tilespmem:$0x1B100] =	vst v63  }
0x202: {  	s26 =	sadd.s32 $0x5100, s25;
	s28 =	sadd.s32 $0xFFFFFF00, s20  }
0x203: {  	[tilespmem:s26], [sflag:$0x1] =	stream.indirect.gather [hbm4b:s3+s13], $0x10, s28, s13, $0xb8;
	[tilespmem:$0x1B100] =	vst v63  }
0x204: {  	s29 =	sadd.s32 $0x5900, s25;
	s30 =	sadd.s32 $0xFFFFFF80, s20  }
0x205: {  	[tilespmem:s29], [sflag:$0x1] =	stream.indirect.gather [hbm4b:s3+s13], $0x10, s30, s13, $0xb8;
	[tilespmem:$0x1B100] =	vst v63  }
0x206: {  	s31 =	sadd.s32 $0x6100, s25  }
0x207: {  	[tilespmem:s31], [sflag:$0x1] =	stream.indirect.gather [hbm4b:s3+s13], $0x10, s20, s13, $0xb8;
	[tilespmem:$0x1B100] =	vst v63  }
0x208: {  	_ =	swait.ge [sflag:s16], $0x800  }
0x209: {  	[sflag:s16] =	ssyncset.done $0x0  }
0x20a: {  	[sflag:s16] =	ssyncadd.s32 $0xFFFFF800  }
0x20b: {  	_ =	swait.ge [sflag:s16], $0x800  }
0x20c: {  	[sflag:s16] =	ssyncset.done $0x0  }
0x20d: {  	[sflag:s16] =	ssyncadd.s32 $0xFFFFF800  }
0x20e: {  	_ =	swait.ge [sflag:s16], $0x800  }
0x20f: {  	[sflag:s16] =	ssyncset.done $0x0  }
0x210: {  	[sflag:s16] =	ssyncadd.s32 $0xFFFFF800  }
0x211: {  	_ =	swait.ge [sflag:s16], $0x800  }
0x212: {  	[sflag:s16] =	ssyncset.done $0x0  }
0x213: {  	[sflag:s16] =	ssyncadd.s32 $0xFFFFF800  }
0x214: {  	_ =	swait.ge [sflag:s16], $0x800  }
0x215: {  	[sflag:s16] =	ssyncset.done $0x0  }
0x216: {  	[sflag:s16] =	ssyncadd.s32 $0xFFFFF800  }
0x217: {  	_ =	swait.ge [sflag:s16], $0x800  }
0x218: {  	[sflag:s16] =	ssyncset.done $0x0  }
0x219: {  	[sflag:s16] =	ssyncadd.s32 $0xFFFFF800  }
0x21a: {  	_ =	swait.ge [sflag:s16], $0x800  }
0x21b: {  	[sflag:s16] =	ssyncset.done $0x0  }
0x21c: {  	[sflag:s16] =	ssyncadd.s32 $0xFFFFF800  }
0x21d: {  	_ =	swait.ge [sflag:s16], $0x800  }
0x21e: {  	[sflag:s16] =	ssyncset.done $0x0  }
0x21f: {  	[sflag:s16] =	ssyncadd.s32 $0xFFFFF800  }
0x220: {  	_ =	swait.ge [sflag:s16], $0x800  }
0x221: {  	[sflag:s16] =	ssyncset.done $0x0  }
0x222: {  	[sflag:s16] =	ssyncadd.s32 $0xFFFFF800  }
0x223: {  	_ =	swait.ge [sflag:s16], $0x800  }
0x224: {  	[sflag:s16] =	ssyncset.done $0x0  }
0x225: {  	s20 =	simm.s32 $0x1940;
	[sflag:s16] =	ssyncadd.s32 $0xFFFFF800  }
.LBB2_16:
0x226: {  	v1 =	vmov s20;
	_ =	sdelay $0x3  }
0x227: {  	s24 =	simm.s32 $0x0  }
0x228: {  	v0 =	vld.idx.msk [tilespmem:v1+s24+$0x30 ss:$0x1], $0xffff  }
0x229: {  	v4 =	vld.idx.msk [tilespmem:v1+s24+$0xFFFFFFC0 ss:$0x1], $0xffff  }
0x22a: {  	v12 =	vld.idx.msk [tilespmem:v1+s24+$0xFFFFFFD0 ss:$0x1], $0xffff  }
0x22b: {  	v8 =	vld.idx.msk [tilespmem:v1+s24+$0xFFFFFFE0 ss:$0x1], $0xffff  }
0x22c: {  	v6 =	vld.idx.msk [tilespmem:v1+s24+$0xFFFFFFF0 ss:$0x1], $0xffff  }
0x22d: {  	v5 =	vimm.f32 $0.0e+00;
	v14 =	vimm.f32 $0.0e+00;
	v3 =	vld.idx.msk [tilespmem:v1+s24+$0x0 ss:$0x1], $0xffff  }
0x22e: {  	v9 =	vimm.f32 $0.0e+00;
	v13 =	vimm.f32 $0.0e+00;
	v7 =	vimm.f32 $0.0e+00;
	v2 =	vld.idx.msk [tilespmem:v1+s24+$0x10 ss:$0x1], $0xffff  }
0x22f: {  	s21 =	sshll.u32 s19, $0x9;
	s22 =	simm.s32 $0x800;
	s23 =	simm.s32 $0x4000;
	v10 =	vld.idx.msk [tilespmem:v1+s24+$0x20 ss:$0x1], $0xffff;
	v0 =	vadd.f32 v0, v5;
	v11 =	vadd.f32 v4, v5;
	v4 =	vimm.f32 $0.0e+00  }
.LBB2_17:
0x230: {  	p0 =	sne.s32 s23, $0x62000;
	v15 =	vld.idx.msk [tilespmem:v1+s22+$0x30 ss:$0x1], $0xffff;
	v5 =	vadd.f32 v12, v5  }
0x231: {  	v14 =	vadd.f32 v8, v14;
	v16 =	vld.idx.msk [tilespmem:v1+s22+$0xFFFFFFC0 ss:$0x1], $0xffff  }
0x232: {  	v9 =	vadd.f32 v6, v9;
	v12 =	vld.idx.msk [tilespmem:v1+s22+$0xFFFFFFD0 ss:$0x1], $0xffff  }
.Ltmp7:
0x233: {  	v13 =	vadd.f32 v3, v13;
	v8 =	vld.idx.msk [tilespmem:v1+s22+$0xFFFFFFE0 ss:$0x1], $0xffff;
	(pc) =	sbr.rel @p0 .LBB2_17-.Ltmp7, $4  }
0x234: {  	v7 =	vadd.f32 v2, v7;
	v6 =	vld.idx.msk [tilespmem:v1+s22+$0xFFFFFFF0 ss:$0x1], $0xffff  }
0x235: {  	v4 =	vadd.f32 v10, v4;
	v3 =	vld.idx.msk [tilespmem:v1+s22+$0x0 ss:$0x1], $0xffff  }
0x236: {  	v0 =	vadd.f32 v15, v0;
	v2 =	vld.idx.msk [tilespmem:v1+s22+$0x10 ss:$0x1], $0xffff  }
0x237: {  	v11 =	vadd.f32 v16, v11;
	v10 =	vld.idx.msk [tilespmem:v1+s22+$0x20 ss:$0x1], $0xffff;
	s22 =	sshra.s32 s23, $0x2;
	s23 =	sadd.s32 $0x2000, s23  }
0x238: {  	_ =	sdelay $0x3  }
0x239: {  	v16 =	vld.idx.msk [tilespmem:v1+s22+$0xFFFFFFC0 ss:$0x1], $0xffff  }
0x23a: {  	v17 =	vld.idx.msk [tilespmem:v1+s22+$0xFFFFFFD0 ss:$0x1], $0xffff  }
0x23b: {  	v18 =	vld.idx.msk [tilespmem:v1+s22+$0xFFFFFFE0 ss:$0x1], $0xffff  }
0x23c: {  	v19 =	vld.idx.msk [tilespmem:v1+s22+$0xFFFFFFF0 ss:$0x1], $0xffff  }
0x23d: {  	v5 =	vadd.f32 v12, v5;
	v61 =	vld.idx.msk [tilespmem:v1+s22+$0x0 ss:$0x1], $0xffff  }
0x23e: {  	v8 =	vadd.f32 v8, v14;
	v62 =	vld.idx.msk [tilespmem:v1+s22+$0x10 ss:$0x1], $0xffff;
	v11 =	vadd.f32 v16, v11  }
0x23f: {  	v15 =	vld.idx.msk [tilespmem:v1+s22+$0x30 ss:$0x1], $0xffff;
	s21 =	sshrl.u32 s21, $0x2;
	v6 =	vadd.f32 v6, v9;
	v5 =	vadd.f32 v17, v5  }
0x240: {  	v63 =	vld.idx.msk [tilespmem:v1+s22+$0x20 ss:$0x1], $0xffff;
	v3 =	vadd.f32 v3, v13;
	v8 =	vadd.f32 v18, v8;
	[tilespmem:s21+$0x1A900] =	vst v11  }
0x241: {  	s19 =	sadd.s32 $0x1, s19;
	v2 =	vadd.f32 v2, v7;
	v6 =	vadd.f32 v19, v6;
	[tilespmem:s21+$0x1A910] =	vst v5  }
0x242: {  	p0 =	sne.s32 s19, $0x10;
	v3 =	vadd.f32 v61, v3;
	[tilespmem:s21+$0x1A920] =	vst v8  }
.Ltmp8:
0x243: {  	v4 =	vadd.f32 v10, v4;
	v2 =	vadd.f32 v62, v2;
	[tilespmem:s21+$0x1A930] =	vst v6;
	(pc) =	sbr.rel @p0 .LBB2_16-.Ltmp8, $4  }
0x244: {  	v0 =	vadd.f32 v15, v0;
	[tilespmem:s21+$0x1A940] =	vst v3  }
0x245: {  	v1 =	vadd.f32 v63, v4;
	[tilespmem:s21+$0x1A950] =	vst v2  }
0x246: {  	[tilespmem:s21+$0x1A970] =	vst v0  }
0x247: {  	s20 =	sadd.s32 $0x80, s20;
	[tilespmem:s21+$0x1A960] =	vst v1  }
0x248: {  	s19 =	simm.s32 $0x0  }
0x249: {  	[hbm4b:s9+s19] =	stream.linear.scatter [tilespmem:s17], [sflag:$0x2], $0x800, $0x38;
	[tilespmem:$0x1B100] =	vst v63  }
0x24a: {  	_ =	swait.ge [sflag:s15], $0x800  }
0x24b: {  	[sflag:s15] =	ssyncset.done $0x0  }
0x24c: {  	[sflag:s15] =	ssyncadd.s32 $0xFFFFF800  }
0x24d: {  	[tilespmem:s19], [sflag:$0x2] =	stream.strided.gather [hbm4b:s10+s13], $0x1900, s14, s13, $0x38;
	[tilespmem:$0x1B100] =	vst v63  }
0x24e: {  	_ =	swait.ge [sflag:s15], $0x1900  }
0x24f: {  	[sflag:s15] =	ssyncset.done $0x0  }
0x250: {  	s20 =	simm.s32 $0x0;
	s21 =	simm.s32 $0x1900;
	[sflag:s15] =	ssyncadd.s32 $0xFFFFE700  }
0x251: {  	[tilespmem:s21], [sflag:$0x1] =	stream.indirect.gather [hbm4b:s3+s13], $0x10, s20, s13, $0xb8;
	[tilespmem:$0x1B100] =	vst v63  }
0x252: {  	s23 =	simm.s32 $0x2100;
	s24 =	simm.s32 $0x80  }
0x253: {  	[tilespmem:s23], [sflag:$0x1] =	stream.indirect.gather [hbm4b:s3+s13], $0x10, s24, s13, $0xb8;
	[tilespmem:$0x1B100] =	vst v63  }
0x254: {  	s25 =	simm.s32 $0x2900;
	s26 =	simm.s32 $0x100  }
0x255: {  	[tilespmem:s25], [sflag:$0x1] =	stream.indirect.gather [hbm4b:s3+s13], $0x10, s26, s13, $0xb8;
	[tilespmem:$0x1B100] =	vst v63  }
0x256: {  	s28 =	simm.s32 $0x3100;
	s29 =	simm.s32 $0x180  }
0x257: {  	[tilespmem:s28], [sflag:$0x1] =	stream.indirect.gather [hbm4b:s3+s13], $0x10, s29, s13, $0xb8;
	[tilespmem:$0x1B100] =	vst v63  }
0x258: {  	s30 =	simm.s32 $0x3900;
	s31 =	simm.s32 $0x200  }
0x259: {  	[tilespmem:s30], [sflag:$0x1] =	stream.indirect.gather [hbm4b:s3+s13], $0x10, s31, s13, $0xb8;
	[tilespmem:$0x1B100] =	vst v63  }
0x25a: {  	s22 =	simm.s32 $0x280;
	s21 =	simm.s32 $0x4100  }
0x25b: {  	[tilespmem:s21], [sflag:$0x1] =	stream.indirect.gather [hbm4b:s3+s13], $0x10, s22, s13, $0xb8;
	[tilespmem:$0x1B100] =	vst v63  }
0x25c: {  	s23 =	simm.s32 $0x4900;
	s24 =	simm.s32 $0x300  }
0x25d: {  	[tilespmem:s23], [sflag:$0x1] =	stream.indirect.gather [hbm4b:s3+s13], $0x10, s24, s13, $0xb8;
	[tilespmem:$0x1B100] =	vst v63  }
0x25e: {  	s25 =	simm.s32 $0x5100;
	s26 =	simm.s32 $0x380  }
0x25f: {  	[tilespmem:s25], [sflag:$0x1] =	stream.indirect.gather [hbm4b:s3+s13], $0x10, s26, s13, $0xb8;
	[tilespmem:$0x1B100] =	vst v63  }
0x260: {  	s28 =	simm.s32 $0x5900;
	s29 =	simm.s32 $0x400  }
0x261: {  	[tilespmem:s28], [sflag:$0x1] =	stream.indirect.gather [hbm4b:s3+s13], $0x10, s29, s13, $0xb8;
	[tilespmem:$0x1B100] =	vst v63  }
0x262: {  	s30 =	simm.s32 $0x480;
	s31 =	simm.s32 $0x6100  }
0x263: {  	[tilespmem:s31], [sflag:$0x1] =	stream.indirect.gather [hbm4b:s3+s13], $0x10, s30, s13, $0xb8;
	[tilespmem:$0x1B100] =	vst v63  }
0x264: {  	_ =	swait.ge [sflag:s16], $0x800  }
0x265: {  	[sflag:s16] =	ssyncset.done $0x0  }
0x266: {  	[sflag:s16] =	ssyncadd.s32 $0xFFFFF800  }
0x267: {  	_ =	swait.ge [sflag:s16], $0x800  }
0x268: {  	[sflag:s16] =	ssyncset.done $0x0  }
0x269: {  	[sflag:s16] =	ssyncadd.s32 $0xFFFFF800  }
0x26a: {  	_ =	swait.ge [sflag:s16], $0x800  }
0x26b: {  	[sflag:s16] =	ssyncset.done $0x0  }
0x26c: {  	[sflag:s16] =	ssyncadd.s32 $0xFFFFF800  }
0x26d: {  	_ =	swait.ge [sflag:s16], $0x800  }
0x26e: {  	[sflag:s16] =	ssyncset.done $0x0  }
0x26f: {  	[sflag:s16] =	ssyncadd.s32 $0xFFFFF800  }
0x270: {  	_ =	swait.ge [sflag:s16], $0x800  }
0x271: {  	[sflag:s16] =	ssyncset.done $0x0  }
0x272: {  	[sflag:s16] =	ssyncadd.s32 $0xFFFFF800  }
0x273: {  	_ =	swait.ge [sflag:s16], $0x800  }
0x274: {  	[sflag:s16] =	ssyncset.done $0x0  }
0x275: {  	[sflag:s16] =	ssyncadd.s32 $0xFFFFF800  }
0x276: {  	_ =	swait.ge [sflag:s16], $0x800  }
0x277: {  	[sflag:s16] =	ssyncset.done $0x0  }
0x278: {  	[sflag:s16] =	ssyncadd.s32 $0xFFFFF800  }
0x279: {  	_ =	swait.ge [sflag:s16], $0x800  }
0x27a: {  	[sflag:s16] =	ssyncset.done $0x0  }
0x27b: {  	[sflag:s16] =	ssyncadd.s32 $0xFFFFF800  }
0x27c: {  	_ =	swait.ge [sflag:s16], $0x800  }
0x27d: {  	[sflag:s16] =	ssyncset.done $0x0  }
0x27e: {  	s20 =	simm.s32 $0x980;
	[sflag:s16] =	ssyncadd.s32 $0xFFFFF800  }
0x27f: {  	s22 =	simm.s32 $0x500;
	s21 =	simm.s32 $0xE80;
	_ =	swait.ge [sflag:s16], $0x800  }
0x280: {  	s26 =	simm.s32 $0x28000;
	s25 =	simm.s32 $0x5000;
	[sflag:s16] =	ssyncset.done $0x0  }
.LBB2_20:
0x281: {  	s28 =	sadd.s32 $0xFFFFFB80, s21  }
0x282: {  	s24 =	sadd.s32 $0x1900, s25;
	[sflag:s16] =	ssyncadd.s32 $0xFFFFF800;
	s23 =	smov.u32 s26  }
0x283: {  	[tilespmem:s24], [sflag:$0x1] =	stream.indirect.gather [hbm4b:s3+s13], $0x10, s22, s13, $0xb8;
	[tilespmem:$0x1B100] =	vst v63  }
0x284: {  	s29 =	sadd.s32 $0xFFFFFC00, s20;
	s24 =	sadd.s32 $0x14000, s26;
	s22 =	sadd.s32 $0x2100, s25  }
0x285: {  	[tilespmem:s22], [sflag:$0x1] =	stream.indirect.gather [hbm4b:s3+s13], $0x10, s29, s13, $0xb8;
	[tilespmem:$0x1B100] =	vst v63  }
0x286: {  	p0 =	sne.s32 s26, $0x50000;
	s26 =	sadd.s32 $0xFFFFFC80, s20;
	s22 =	sadd.s32 $0x2900, s25  }
0x287: {  	[tilespmem:s22], [sflag:$0x1] =	stream.indirect.gather [hbm4b:s3+s13], $0x10, s26, s13, $0xb8;
	[tilespmem:$0x1B100] =	vst v63  }
0x288: {  	s29 =	sadd.s32 $0xFFFFFD00, s20;
	s26 =	sadd.s32 $0x3100, s25;
	s22 =	smov.u32 s28  }
0x289: {  	[tilespmem:s26], [sflag:$0x1] =	stream.indirect.gather [hbm4b:s3+s13], $0x10, s29, s13, $0xb8;
	[tilespmem:$0x1B100] =	vst v63  }
0x28a: {  	s28 =	sadd.s32 $0xFFFFFD80, s20;
	s26 =	sadd.s32 $0x3900, s25  }
0x28b: {  	[tilespmem:s26], [sflag:$0x1] =	stream.indirect.gather [hbm4b:s3+s13], $0x10, s28, s13, $0xb8;
	[tilespmem:$0x1B100] =	vst v63  }
0x28c: {  	s26 =	sadd.s32 $0x4100, s25;
	s28 =	sadd.s32 $0xFFFFFE00, s20  }
0x28d: {  	[tilespmem:s26], [sflag:$0x1] =	stream.indirect.gather [hbm4b:s3+s13], $0x10, s28, s13, $0xb8;
	[tilespmem:$0x1B100] =	vst v63  }
0x28e: {  	s26 =	sadd.s32 $0x4900, s25;
	s28 =	sadd.s32 $0xFFFFFE80, s20  }
0x28f: {  	[tilespmem:s26], [sflag:$0x1] =	stream.indirect.gather [hbm4b:s3+s13], $0x10, s28, s13, $0xb8;
	[tilespmem:$0x1B100] =	vst v63  }
0x290: {  	s26 =	sadd.s32 $0x5100, s25;
	s28 =	sadd.s32 $0xFFFFFF00, s20  }
0x291: {  	[tilespmem:s26], [sflag:$0x1] =	stream.indirect.gather [hbm4b:s3+s13], $0x10, s28, s13, $0xb8;
	[tilespmem:$0x1B100] =	vst v63  }
0x292: {  	s26 =	sadd.s32 $0x5900, s25;
	s28 =	sadd.s32 $0xFFFFFF80, s20  }
0x293: {  	[tilespmem:s26], [sflag:$0x1] =	stream.indirect.gather [hbm4b:s3+s13], $0x10, s28, s13, $0xb8;
	[tilespmem:$0x1B100] =	vst v63  }
0x294: {  	s25 =	sadd.s32 $0x6100, s25  }
0x295: {  	[tilespmem:s25], [sflag:$0x1] =	stream.indirect.gather [hbm4b:s3+s13], $0x10, s20, s13, $0xb8;
	[tilespmem:$0x1B100] =	vst v63  }
0x296: {  	s20 =	smov.u32 s21;
	_ =	swait.ge [sflag:s16], $0x800  }
0x297: {  	[sflag:s16] =	ssyncset.done $0x0  }
0x298: {  	[sflag:s16] =	ssyncadd.s32 $0xFFFFF800  }
0x299: {  	_ =	swait.ge [sflag:s16], $0x800  }
0x29a: {  	[sflag:s16] =	ssyncset.done $0x0  }
0x29b: {  	[sflag:s16] =	ssyncadd.s32 $0xFFFFF800  }
0x29c: {  	_ =	swait.ge [sflag:s16], $0x800  }
0x29d: {  	[sflag:s16] =	ssyncset.done $0x0  }
0x29e: {  	[sflag:s16] =	ssyncadd.s32 $0xFFFFF800  }
0x29f: {  	_ =	swait.ge [sflag:s16], $0x800  }
0x2a0: {  	[sflag:s16] =	ssyncset.done $0x0  }
0x2a1: {  	[sflag:s16] =	ssyncadd.s32 $0xFFFFF800  }
0x2a2: {  	_ =	swait.ge [sflag:s16], $0x800  }
0x2a3: {  	[sflag:s16] =	ssyncset.done $0x0  }
0x2a4: {  	[sflag:s16] =	ssyncadd.s32 $0xFFFFF800  }
0x2a5: {  	_ =	swait.ge [sflag:s16], $0x800  }
0x2a6: {  	[sflag:s16] =	ssyncset.done $0x0  }
0x2a7: {  	[sflag:s16] =	ssyncadd.s32 $0xFFFFF800  }
0x2a8: {  	_ =	swait.ge [sflag:s16], $0x800  }
0x2a9: {  	[sflag:s16] =	ssyncset.done $0x0  }
0x2aa: {  	[sflag:s16] =	ssyncadd.s32 $0xFFFFF800  }
0x2ab: {  	_ =	swait.ge [sflag:s16], $0x800  }
0x2ac: {  	[sflag:s16] =	ssyncset.done $0x0  }
0x2ad: {  	[sflag:s16] =	ssyncadd.s32 $0xFFFFF800  }
.Ltmp9:
0x2ae: {  	_ =	swait.ge [sflag:s16], $0x800;
	(pc) =	sbr.rel @p0 .LBB2_20-.Ltmp9, $4  }
0x2af: {  	[sflag:s16] =	ssyncset.done $0x0  }
0x2b0: {  	[sflag:s16] =	ssyncadd.s32 $0xFFFFF800  }
0x2b1: {  	s26 =	smov.u32 s24;
	_ =	swait.ge [sflag:s16], $0x800  }
0x2b2: {  	s25 =	sshra.s32 s23, $0x2;
	s21 =	sadd.s32 $0x500, s21;
	[sflag:s16] =	ssyncset.done $0x0  }
0x2b3: {  	s21 =	sadd.s32 $0x1900, s25;
	[sflag:s16] =	ssyncadd.s32 $0xFFFFF800  }
0x2b4: {  	[tilespmem:s21], [sflag:$0x1] =	stream.indirect.gather [hbm4b:s3+s13], $0x10, s22, s13, $0xb8;
	[tilespmem:$0x1B100] =	vst v63  }
0x2b5: {  	s30 =	sadd.s32 $0x2100, s25;
	s31 =	sadd.s32 $0xFFFFFC00, s20  }
0x2b6: {  	[tilespmem:s30], [sflag:$0x1] =	stream.indirect.gather [hbm4b:s3+s13], $0x10, s31, s13, $0xb8;
	[tilespmem:$0x1B100] =	vst v63  }
0x2b7: {  	s23 =	sadd.s32 $0xFFFFFC80, s20;
	s22 =	sadd.s32 $0x2900, s25  }
0x2b8: {  	[tilespmem:s22], [sflag:$0x1] =	stream.indirect.gather [hbm4b:s3+s13], $0x10, s23, s13, $0xb8;
	[tilespmem:$0x1B100] =	vst v63  }
0x2b9: {  	s24 =	sadd.s32 $0x3100, s25;
	s26 =	sadd.s32 $0xFFFFFD00, s20  }
0x2ba: {  	[tilespmem:s24], [sflag:$0x1] =	stream.indirect.gather [hbm4b:s3+s13], $0x10, s26, s13, $0xb8;
	[tilespmem:$0x1B100] =	vst v63  }
0x2bb: {  	s28 =	sadd.s32 $0x3900, s25;
	s29 =	sadd.s32 $0xFFFFFD80, s20  }
0x2bc: {  	[tilespmem:s28], [sflag:$0x1] =	stream.indirect.gather [hbm4b:s3+s13], $0x10, s29, s13, $0xb8;
	[tilespmem:$0x1B100] =	vst v63  }
0x2bd: {  	s30 =	sadd.s32 $0x4100, s25;
	s31 =	sadd.s32 $0xFFFFFE00, s20  }
0x2be: {  	[tilespmem:s30], [sflag:$0x1] =	stream.indirect.gather [hbm4b:s3+s13], $0x10, s31, s13, $0xb8;
	[tilespmem:$0x1B100] =	vst v63  }
0x2bf: {  	s23 =	sadd.s32 $0x4900, s25;
	s24 =	sadd.s32 $0xFFFFFE80, s20  }
0x2c0: {  	[tilespmem:s23], [sflag:$0x1] =	stream.indirect.gather [hbm4b:s3+s13], $0x10, s24, s13, $0xb8;
	[tilespmem:$0x1B100] =	vst v63  }
0x2c1: {  	s26 =	sadd.s32 $0x5100, s25;
	s28 =	sadd.s32 $0xFFFFFF00, s20  }
0x2c2: {  	[tilespmem:s26], [sflag:$0x1] =	stream.indirect.gather [hbm4b:s3+s13], $0x10, s28, s13, $0xb8;
	[tilespmem:$0x1B100] =	vst v63  }
0x2c3: {  	s29 =	sadd.s32 $0x5900, s25;
	s30 =	sadd.s32 $0xFFFFFF80, s20  }
0x2c4: {  	[tilespmem:s29], [sflag:$0x1] =	stream.indirect.gather [hbm4b:s3+s13], $0x10, s30, s13, $0xb8;
	[tilespmem:$0x1B100] =	vst v63  }
0x2c5: {  	s31 =	sadd.s32 $0x6100, s25  }
0x2c6: {  	[tilespmem:s31], [sflag:$0x1] =	stream.indirect.gather [hbm4b:s3+s13], $0x10, s20, s13, $0xb8;
	[tilespmem:$0x1B100] =	vst v63  }
0x2c7: {  	_ =	swait.ge [sflag:s16], $0x800  }
0x2c8: {  	[sflag:s16] =	ssyncset.done $0x0  }
0x2c9: {  	[sflag:s16] =	ssyncadd.s32 $0xFFFFF800  }
0x2ca: {  	_ =	swait.ge [sflag:s16], $0x800  }
0x2cb: {  	[sflag:s16] =	ssyncset.done $0x0  }
0x2cc: {  	[sflag:s16] =	ssyncadd.s32 $0xFFFFF800  }
0x2cd: {  	_ =	swait.ge [sflag:s16], $0x800  }
0x2ce: {  	[sflag:s16] =	ssyncset.done $0x0  }
0x2cf: {  	[sflag:s16] =	ssyncadd.s32 $0xFFFFF800  }
0x2d0: {  	_ =	swait.ge [sflag:s16], $0x800  }
0x2d1: {  	[sflag:s16] =	ssyncset.done $0x0  }
0x2d2: {  	[sflag:s16] =	ssyncadd.s32 $0xFFFFF800  }
0x2d3: {  	_ =	swait.ge [sflag:s16], $0x800  }
0x2d4: {  	[sflag:s16] =	ssyncset.done $0x0  }
0x2d5: {  	[sflag:s16] =	ssyncadd.s32 $0xFFFFF800  }
0x2d6: {  	_ =	swait.ge [sflag:s16], $0x800  }
0x2d7: {  	[sflag:s16] =	ssyncset.done $0x0  }
0x2d8: {  	[sflag:s16] =	ssyncadd.s32 $0xFFFFF800  }
0x2d9: {  	_ =	swait.ge [sflag:s16], $0x800  }
0x2da: {  	[sflag:s16] =	ssyncset.done $0x0  }
0x2db: {  	[sflag:s16] =	ssyncadd.s32 $0xFFFFF800  }
0x2dc: {  	_ =	swait.ge [sflag:s16], $0x800  }
0x2dd: {  	[sflag:s16] =	ssyncset.done $0x0  }
0x2de: {  	[sflag:s16] =	ssyncadd.s32 $0xFFFFF800  }
0x2df: {  	_ =	swait.ge [sflag:s16], $0x800  }
0x2e0: {  	[sflag:s16] =	ssyncset.done $0x0  }
0x2e1: {  	[sflag:s16] =	ssyncadd.s32 $0xFFFFF800  }
0x2e2: {  	_ =	swait.ge [sflag:s16], $0x800  }
0x2e3: {  	[sflag:s16] =	ssyncset.done $0x0  }
0x2e4: {  	s20 =	simm.s32 $0x1940;
	[sflag:s16] =	ssyncadd.s32 $0xFFFFF800  }
.LBB2_22:
0x2e5: {  	v1 =	vmov s20;
	_ =	sdelay $0x3  }
0x2e6: {  	s24 =	simm.s32 $0x0  }
0x2e7: {  	v0 =	vld.idx.msk [tilespmem:v1+s24+$0x30 ss:$0x1], $0xffff  }
0x2e8: {  	v4 =	vld.idx.msk [tilespmem:v1+s24+$0xFFFFFFC0 ss:$0x1], $0xffff  }
0x2e9: {  	v12 =	vld.idx.msk [tilespmem:v1+s24+$0xFFFFFFD0 ss:$0x1], $0xffff  }
0x2ea: {  	v8 =	vld.idx.msk [tilespmem:v1+s24+$0xFFFFFFE0 ss:$0x1], $0xffff  }
0x2eb: {  	v6 =	vld.idx.msk [tilespmem:v1+s24+$0xFFFFFFF0 ss:$0x1], $0xffff  }
0x2ec: {  	v5 =	vimm.f32 $0.0e+00;
	v14 =	vimm.f32 $0.0e+00;
	v3 =	vld.idx.msk [tilespmem:v1+s24+$0x0 ss:$0x1], $0xffff  }
0x2ed: {  	v9 =	vimm.f32 $0.0e+00;
	v13 =	vimm.f32 $0.0e+00;
	v7 =	vimm.f32 $0.0e+00;
	v2 =	vld.idx.msk [tilespmem:v1+s24+$0x10 ss:$0x1], $0xffff  }
0x2ee: {  	s21 =	sshll.u32 s19, $0x9;
	s22 =	simm.s32 $0x800;
	s23 =	simm.s32 $0x4000;
	v10 =	vld.idx.msk [tilespmem:v1+s24+$0x20 ss:$0x1], $0xffff;
	v0 =	vadd.f32 v0, v5;
	v11 =	vadd.f32 v4, v5;
	v4 =	vimm.f32 $0.0e+00  }
.LBB2_23:
0x2ef: {  	p0 =	sne.s32 s23, $0x62000;
	v15 =	vld.idx.msk [tilespmem:v1+s22+$0x30 ss:$0x1], $0xffff;
	v5 =	vadd.f32 v12, v5  }
0x2f0: {  	v14 =	vadd.f32 v8, v14;
	v16 =	vld.idx.msk [tilespmem:v1+s22+$0xFFFFFFC0 ss:$0x1], $0xffff  }
0x2f1: {  	v9 =	vadd.f32 v6, v9;
	v12 =	vld.idx.msk [tilespmem:v1+s22+$0xFFFFFFD0 ss:$0x1], $0xffff  }
.Ltmp10:
0x2f2: {  	v13 =	vadd.f32 v3, v13;
	v8 =	vld.idx.msk [tilespmem:v1+s22+$0xFFFFFFE0 ss:$0x1], $0xffff;
	(pc) =	sbr.rel @p0 .LBB2_23-.Ltmp10, $4  }
0x2f3: {  	v7 =	vadd.f32 v2, v7;
	v6 =	vld.idx.msk [tilespmem:v1+s22+$0xFFFFFFF0 ss:$0x1], $0xffff  }
0x2f4: {  	v4 =	vadd.f32 v10, v4;
	v3 =	vld.idx.msk [tilespmem:v1+s22+$0x0 ss:$0x1], $0xffff  }
0x2f5: {  	v0 =	vadd.f32 v15, v0;
	v2 =	vld.idx.msk [tilespmem:v1+s22+$0x10 ss:$0x1], $0xffff  }
0x2f6: {  	v11 =	vadd.f32 v16, v11;
	v10 =	vld.idx.msk [tilespmem:v1+s22+$0x20 ss:$0x1], $0xffff;
	s22 =	sshra.s32 s23, $0x2;
	s23 =	sadd.s32 $0x2000, s23  }
0x2f7: {  	_ =	sdelay $0x3  }
0x2f8: {  	v16 =	vld.idx.msk [tilespmem:v1+s22+$0xFFFFFFC0 ss:$0x1], $0xffff  }
0x2f9: {  	v17 =	vld.idx.msk [tilespmem:v1+s22+$0xFFFFFFD0 ss:$0x1], $0xffff  }
0x2fa: {  	v18 =	vld.idx.msk [tilespmem:v1+s22+$0xFFFFFFE0 ss:$0x1], $0xffff  }
0x2fb: {  	v19 =	vld.idx.msk [tilespmem:v1+s22+$0xFFFFFFF0 ss:$0x1], $0xffff  }
0x2fc: {  	v5 =	vadd.f32 v12, v5;
	v61 =	vld.idx.msk [tilespmem:v1+s22+$0x0 ss:$0x1], $0xffff  }
0x2fd: {  	v8 =	vadd.f32 v8, v14;
	v62 =	vld.idx.msk [tilespmem:v1+s22+$0x10 ss:$0x1], $0xffff;
	v11 =	vadd.f32 v16, v11  }
0x2fe: {  	v15 =	vld.idx.msk [tilespmem:v1+s22+$0x30 ss:$0x1], $0xffff;
	s21 =	sshrl.u32 s21, $0x2;
	v6 =	vadd.f32 v6, v9;
	v5 =	vadd.f32 v17, v5  }
0x2ff: {  	v63 =	vld.idx.msk [tilespmem:v1+s22+$0x20 ss:$0x1], $0xffff;
	v3 =	vadd.f32 v3, v13;
	v8 =	vadd.f32 v18, v8;
	[tilespmem:s21+$0x1A900] =	vst v11  }
0x300: {  	s19 =	sadd.s32 $0x1, s19;
	v2 =	vadd.f32 v2, v7;
	v6 =	vadd.f32 v19, v6;
	[tilespmem:s21+$0x1A910] =	vst v5  }
0x301: {  	p0 =	sne.s32 s19, $0x10;
	v3 =	vadd.f32 v61, v3;
	[tilespmem:s21+$0x1A920] =	vst v8  }
.Ltmp11:
0x302: {  	v4 =	vadd.f32 v10, v4;
	v2 =	vadd.f32 v62, v2;
	[tilespmem:s21+$0x1A930] =	vst v6;
	(pc) =	sbr.rel @p0 .LBB2_22-.Ltmp11, $4  }
0x303: {  	v0 =	vadd.f32 v15, v0;
	[tilespmem:s21+$0x1A940] =	vst v3  }
0x304: {  	v1 =	vadd.f32 v63, v4;
	[tilespmem:s21+$0x1A950] =	vst v2  }
0x305: {  	[tilespmem:s21+$0x1A970] =	vst v0  }
0x306: {  	s20 =	sadd.s32 $0x80, s20;
	[tilespmem:s21+$0x1A960] =	vst v1  }
0x307: {  	s18 =	sadd.s32 $0x1, s18  }
0x308: {  	p0 =	sne.s32 s18, s12  }
.Ltmp12:
0x309: {  	_ = 	snop;
	(pc) =	sbr.rel @p0 .LBB2_1-.Ltmp12, $4  }
0x30a: {  	[hbm4b:s11+s1] =	stream.linear.scatter [tilespmem:s17], [sflag:$0x2], $0x800, $0x38;
	[tilespmem:$0x1B100] =	vst v63  }
0x30b: {  	_ =	swait.ge [sflag:s15], $0x800  }
0x30c: {  	[sflag:s15] =	ssyncset.done $0x0  }
0x30d: {  	[sflag:s15] =	ssyncadd.s32 $0xFFFFF800  }
0x30e: {  	_ =	sfence.sel $0x180000  }
0x30f: {  	[bflag:$0x0] =	sbarrier.arrive $0xFFFF  }
0x310: {  	p0 =	sne.s32 s2, $0x0;
	_ =	strace $0x90000047  }
0x311: {  	s0 =	sadd.s32 @!p0 $0x100000, s0;
	[bflag:$0x2] =	sbarrier.arrive $0xFFFF  }
0x312: {  	[sflag:s0] =	ssyncadd.tile.s32 @!p0 $0x1;
	_ =	shalt  }
.Lfunc_end2:
_tile_overlayer_lowered:
.L_overlay_start_2:
0x313: {  	(tag) =	ssettag $0x2  }
0x314: {  	s0 =	rddreg [dreg:$0x0];
	s2 =	stileid.u32  }
0x315: {  	s1 =	rddreg [dreg:$0x1];
	p0 =	sne.s32 s2, $0x0  }
0x316: {  	s3 =	rddreg [dreg:$0x2];
	[bflag:$0x3] =	sbarrier.arrive $0xFFFF;
	s2 =	simm.s32 @!p0 $0x1C02  }
0x317: {  	[timem:s3], [sflag:s2] =	dma.local @!p0 [hbm:s0], s1  }
0x318: {  	s0 =	simm.s32 @!p0 $0x2  }
0x319: {  	_ =	swait.ge @!p0 [sflag:s0], s1  }
0x31a: {  	s1 =	ssub.s32 @!p0 $0x0, s1;
	[sflag:s0] =	ssyncset.done @!p0 $0x0  }
0x31b: {  	[sflag:s0] =	ssyncadd.s32 @!p0 s1  }
0x31c: {  	[bflag:$0x3] =	sbarrier.arrive $0xFFFF  }
0x31d: {  	_ =	shalt  }

</sc_bundles>
